<compile_context>
chip_gen: v7x
topology: tpu7x:2x2x1
jax: 0.10.2.dev20260603
libtpu: 0.0.44.dev20260713+nightly
codegen_flags: <defaults>
</compile_context>

<pallas_src>
import functools

import jax
import jax.numpy as jnp
from jax import lax
from jax.experimental import pallas as pl
from jax.experimental.pallas import tpu as pltpu
from jax.experimental.pallas import tpu_sc as plsc

DIM = 1024
NC = 2
NS = 16
NW = NC * NS
CHUNK = 56
NBUF = 2
LOOKAHEAD = 1


def _make_gather(B: int, D: int):
  b_per_w = B // NW
  sizes = [CHUNK] * (b_per_w // CHUNK) + ([b_per_w % CHUNK] if b_per_w % CHUNK else [])
  offs = [sum(sizes[:i]) for i in range(len(sizes))]
  n_chunks = len(sizes)
  mesh = plsc.VectorSubcoreMesh(core_axis_name="c", subcore_axis_name="s")

  @functools.partial(
      pl.kernel,
      mesh=mesh,
      out_type=jax.ShapeDtypeStruct((B, D), jnp.float32),
      scratch_types=(
          [pltpu.VMEM((b_per_w,), jnp.int32)]
          + [pltpu.VMEM((CHUNK, D), jnp.float32)] * NBUF
          + [pltpu.SemaphoreType.DMA] * (2 * NBUF)
      ),
  )
  def k(table_hbm, idx_hbm, out_hbm, idx_v, *bufsems):
    bufs = bufsems[:NBUF]
    gsem = bufsems[NBUF:2 * NBUF]
    ssem = bufsems[2 * NBUF:]
    wid = lax.axis_index("s") * NC + lax.axis_index("c")
    base = wid * b_per_w
    pltpu.sync_copy(idx_hbm.at[pl.ds(base, b_per_w)], idx_v)

    waiting = [None] * NBUF

    def start_gather(c, b):
      pltpu.async_copy(
          table_hbm.at[idx_v.at[pl.ds(offs[c], sizes[c])]],
          bufs[b].at[pl.ds(0, sizes[c])], gsem[b])

    def wait_gather(c, b):
      pltpu.make_async_copy(
          table_hbm.at[idx_v.at[pl.ds(0, sizes[c])]],
          bufs[b].at[pl.ds(0, sizes[c])], gsem[b]).wait()

    def start_scatter(c, b):
      waiting[b] = sizes[c]
      pltpu.async_copy(
          bufs[b].at[pl.ds(0, sizes[c])],
          out_hbm.at[pl.ds(base + offs[c], sizes[c])], ssem[b])

    def wait_scatter(b):
      n = waiting[b]
      pltpu.make_async_copy(
          bufs[b].at[pl.ds(0, n)],
          out_hbm.at[pl.ds(base, n)], ssem[b]).wait()

    for c in range(LOOKAHEAD):
      start_gather(c, c % NBUF)
    for c in range(n_chunks):
      cg = c + LOOKAHEAD
      if cg < n_chunks:
        bg = cg % NBUF
        if cg >= NBUF:
          wait_scatter(bg)
        start_gather(cg, bg)
      b = c % NBUF
      wait_gather(c, b)
      start_scatter(c, b)

    for b in range(NBUF):
      wait_scatter(b)

  return k


def kernel(tok_idx, embeddings):
  bsz, seqlen = tok_idx.shape
  flat_idx = tok_idx.reshape(bsz * seqlen)
  out = _make_gather(bsz * seqlen, DIM)(embeddings, flat_idx)
  return out.reshape(bsz, seqlen, DIM)

# --- scband reference (transcript-rebuilt; emitter-appended) ---
"""Pipeline reference for scband-sinusoidal-embedding-76587856822549 (READ-ONLY COPY).

The authoritative reference and input builder live on the scoring server;
editing this copy changes nothing except your own understanding.
"""

import jax, jax.numpy as jnp
import numpy as np
import math

DIM = 1024
MAX_SEQLEN = 8192
BASE = 10000.0

def _make_embeddings():
    # Faithful port of SinusoidalEmbedding.reset_parameters
    position = np.arange(MAX_SEQLEN, dtype=np.float32)[:, None]
    div_term = np.exp(np.arange(0, DIM, 2, dtype=np.float32) * -(math.log(BASE) / DIM))
    emb = np.zeros((MAX_SEQLEN, DIM), dtype=np.float32)
    emb[:, 0::2] = np.sin(position * div_term)
    if DIM % 2 == 0:
        emb[:, 1::2] = np.cos(position * div_term)
    else:
        emb[:, 1::2] = np.cos(position * div_term[:-1])
    return jnp.asarray(emb)

def setup_inputs(seed: int = 0) -> dict:
    key = jax.random.key(seed)
    tok_idx = jax.random.randint(key, (4, 8192), 0, MAX_SEQLEN, dtype=jnp.int32)
    embeddings = _make_embeddings()
    return {"tok_idx": tok_idx, "embeddings": embeddings}

def reference(tok_idx, embeddings):
    # forward path with tok_idx provided: embeddings[tok_idx, :]
    return jnp.take(embeddings, tok_idx, axis=0)

if __name__ == "__main__":
    import jax
    _d = setup_inputs()
    print(jax.jit(kernel)(*tuple(_d.values())))

</pallas_src>

<mosaic_0001>
#map = affine_map<(d0, d1) -> (0, 0)>
#map1 = affine_map<(d0, d1) -> (0)>
module attributes {stable_mosaic.version = 14 : i64} {
  func.func @k(%arg0: i32, %arg1: i32, %arg2: memref<8192x1024xf32, #tpu.memory_space<hbm>>, %arg3: memref<32768xi32, #tpu.memory_space<hbm>>, %arg4: memref<32768x1024xf32, #tpu.memory_space<hbm>>, %arg5: memref<1024xi32, #tpu.memory_space<vmem>>, %arg6: memref<56x1024xf32, #tpu.memory_space<vmem>>, %arg7: memref<56x1024xf32, #tpu.memory_space<vmem>>, %arg8: memref<!tpu.dma_semaphore, #tpu.memory_space<semaphore_mem>>, %arg9: memref<!tpu.dma_semaphore, #tpu.memory_space<semaphore_mem>>, %arg10: memref<!tpu.dma_semaphore, #tpu.memory_space<semaphore_mem>>, %arg11: memref<!tpu.dma_semaphore, #tpu.memory_space<semaphore_mem>>) attributes {dimension_semantics = [#tpu.dimension_semantics<core_parallel>, #tpu.dimension_semantics<subcore_parallel>], iteration_bounds = array<i64: 2, 16>, scalar_prefetch = 0 : i64, scratch_operands = 7 : i64, tpu.core_type = #tpu.core_type<sc_vector_subcore>, window_params = [{transform_indices = #map}, {transform_indices = #map1}, {transform_indices = #map}]} {
    %mul3A = arith.constant 2 : i32
    %mul3A_0 = arith.muli %arg1, %mul3A : i32
    %add3A = arith.addi %mul3A_0, %arg0 : i32
    %mul3A_1 = arith.constant 1024 : i32
    %mul3A_2 = arith.muli %add3A, %mul3A_1 : i32
    "tpu.region"() ({
      %run_scoped3A = tpu.sem_alloc : memref<!tpu.dma_semaphore, #tpu.memory_space<semaphore_mem>>
      %dma_start3A_723 = tpu.memref_slice %arg3[%mul3A_2] : memref<32768xi32, #tpu.memory_space<hbm>> -> memref<1024xi32, #tpu.memory_space<hbm>>
      %dma_start3A_724 = tpu.memref_slice %arg3[%mul3A_2] : memref<32768xi32, #tpu.memory_space<hbm>> -> memref<1024xi32, #tpu.memory_space<hbm>>
      tpu.enqueue_dma source(%dma_start3A_724 : memref<1024xi32, #tpu.memory_space<hbm>>) target(%arg5 : memref<1024xi32, #tpu.memory_space<vmem>>) target_semaphore(%run_scoped3A : memref<!tpu.dma_semaphore, #tpu.memory_space<semaphore_mem>>)
      %dma_wait3A_725 = tpu.memref_slice %arg3[%mul3A_2] : memref<32768xi32, #tpu.memory_space<hbm>> -> memref<1024xi32, #tpu.memory_space<hbm>>
      %dma_wait3A_726 = tpu.memref_slice %arg3[%mul3A_2] : memref<32768xi32, #tpu.memory_space<hbm>> -> memref<1024xi32, #tpu.memory_space<hbm>>
      tpu.wait_dma2 semaphore(%run_scoped3A : memref<!tpu.dma_semaphore, #tpu.memory_space<semaphore_mem>>) src(%dma_wait3A_726 : memref<1024xi32, #tpu.memory_space<hbm>>) dst(%arg5 : memref<1024xi32, #tpu.memory_space<vmem>>)
      tpu.yield
    }) : () -> ()
    %dma_start3A = arith.constant 0 : i32
    %dma_start3A_3 = arith.constant 0 : i32
    %dma_start3A_4 = tpu.memref_slice %arg6[%dma_start3A, %dma_start3A_3] : memref<56x1024xf32, #tpu.memory_space<vmem>> -> memref<56x1024xf32, #tpu.memory_space<vmem>>
    %dma_start3A_5 = arith.constant 0 : i32
    %dma_start3A_6 = tpu.memref_slice %arg5[%dma_start3A_5] : memref<1024xi32, #tpu.memory_space<vmem>> -> memref<56xi32, #tpu.memory_space<vmem>>
    %dma_start3A_7 = arith.constant 0 : i32
    %dma_start3A_8 = arith.constant 0 : i32
    %dma_start3A_9 = tpu.memref_slice %arg2[%dma_start3A_7, %dma_start3A_8] : memref<8192x1024xf32, #tpu.memory_space<hbm>> -> memref<8192x1024xf32, #tpu.memory_space<hbm>>
    tpu.enqueue_indirect_dma source(%dma_start3A_9 : memref<8192x1024xf32, #tpu.memory_space<hbm>>) target(%dma_start3A_4 : memref<56x1024xf32, #tpu.memory_space<vmem>>) offsets(%dma_start3A_6 : memref<56xi32, #tpu.memory_space<vmem>>) semaphore(%arg8 : memref<!tpu.dma_semaphore, #tpu.memory_space<semaphore_mem>>)
    %dma_start3A_10 = arith.constant 0 : i32
    %dma_start3A_11 = arith.constant 0 : i32
    %dma_start3A_12 = tpu.memref_slice %arg7[%dma_start3A_10, %dma_start3A_11] : memref<56x1024xf32, #tpu.memory_space<vmem>> -> memref<56x1024xf32, #tpu.memory_space<vmem>>
    %dma_start3A_13 = arith.constant 56 : i32
    %dma_start3A_14 = tpu.memref_slice %arg5[%dma_start3A_13] : memref<1024xi32, #tpu.memory_space<vmem>> -> memref<56xi32, #tpu.memory_space<vmem>>
    %dma_start3A_15 = arith.constant 0 : i32
    %dma_start3A_16 = arith.constant 0 : i32
    %dma_start3A_17 = tpu.memref_slice %arg2[%dma_start3A_15, %dma_start3A_16] : memref<8192x1024xf32, #tpu.memory_space<hbm>> -> memref<8192x1024xf32, #tpu.memory_space<hbm>>
    tpu.enqueue_indirect_dma source(%dma_start3A_17 : memref<8192x1024xf32, #tpu.memory_space<hbm>>) target(%dma_start3A_12 : memref<56x1024xf32, #tpu.memory_space<vmem>>) offsets(%dma_start3A_14 : memref<56xi32, #tpu.memory_space<vmem>>) semaphore(%arg9 : memref<!tpu.dma_semaphore, #tpu.memory_space<semaphore_mem>>)
    %dma_wait3A = arith.constant 0 : i32
    %dma_wait3A_18 = arith.constant 0 : i32
    %dma_wait3A_19 = tpu.memref_slice %arg6[%dma_wait3A, %dma_wait3A_18] : memref<56x1024xf32, #tpu.memory_space<vmem>> -> memref<56x1024xf32, #tpu.memory_space<vmem>>
    %dma_wait3A_20 = arith.constant 0 : i32
    %dma_wait3A_21 = tpu.memref_slice %arg5[%dma_wait3A_20] : memref<1024xi32, #tpu.memory_space<vmem>> -> memref<56xi32, #tpu.memory_space<vmem>>
    %dma_wait3A_22 = arith.constant 0 : i32
    %dma_wait3A_23 = arith.constant 0 : i32
    %dma_wait3A_24 = tpu.memref_slice %arg2[%dma_wait3A_22, %dma_wait3A_23] : memref<8192x1024xf32, #tpu.memory_space<hbm>> -> memref<8192x1024xf32, #tpu.memory_space<hbm>>
    tpu.wait_indirect_dma semaphore(%arg8 : memref<!tpu.dma_semaphore, #tpu.memory_space<semaphore_mem>>) src(%dma_wait3A_24 : memref<8192x1024xf32, #tpu.memory_space<hbm>>) dst(%dma_wait3A_19 : memref<56x1024xf32, #tpu.memory_space<vmem>>)
    %add3A_25 = arith.constant 0 : i32
    %add3A_26 = arith.addi %mul3A_2, %add3A_25 : i32
    %dma_start3A_27 = arith.constant 0 : i32
    %dma_start3A_28 = arith.constant 0 : i32
    %dma_start3A_29 = tpu.memref_slice %arg6[%dma_start3A_27, %dma_start3A_28] : memref<56x1024xf32, #tpu.memory_space<vmem>> -> memref<56x1024xf32, #tpu.memory_space<vmem>>
    %dma_start3A_30 = arith.constant 0 : i32
    %dma_start3A_31 = tpu.memref_slice %arg4[%add3A_26, %dma_start3A_30] : memref<32768x1024xf32, #tpu.memory_space<hbm>> -> memref<56x1024xf32, #tpu.memory_space<hbm>>
    %dma_start3A_32 = arith.constant 0 : i32
    %dma_start3A_33 = tpu.memref_slice %arg4[%add3A_26, %dma_start3A_32] : memref<32768x1024xf32, #tpu.memory_space<hbm>> -> memref<56x1024xf32, #tpu.memory_space<hbm>>
    %dma_start3A_34 = arith.constant 0 : i32
    %dma_start3A_35 = arith.constant 0 : i32
    %dma_start3A_36 = tpu.memref_slice %arg6[%dma_start3A_34, %dma_start3A_35] : memref<56x1024xf32, #tpu.memory_space<vmem>> -> memref<56x1024xf32, #tpu.memory_space<vmem>>
    tpu.enqueue_dma source(%dma_start3A_36 : memref<56x1024xf32, #tpu.memory_space<vmem>>) target(%dma_start3A_33 : memref<56x1024xf32, #tpu.memory_space<hbm>>) target_semaphore(%arg10 : memref<!tpu.dma_semaphore, #tpu.memory_space<semaphore_mem>>)
    %dma_wait3A_37 = arith.constant 0 : i32
    %dma_wait3A_38 = arith.constant 0 : i32
    %dma_wait3A_39 = tpu.memref_slice %arg6[%dma_wait3A_37, %dma_wait3A_38] : memref<56x1024xf32, #tpu.memory_space<vmem>> -> memref<56x1024xf32, #tpu.memory_space<vmem>>
    %dma_wait3A_40 = arith.constant 0 : i32
    %dma_wait3A_41 = tpu.memref_slice %arg4[%mul3A_2, %dma_wait3A_40] : memref<32768x1024xf32, #tpu.memory_space<hbm>> -> memref<56x1024xf32, #tpu.memory_space<hbm>>
    %dma_wait3A_42 = arith.constant 0 : i32
    %dma_wait3A_43 = tpu.memref_slice %arg4[%mul3A_2, %dma_wait3A_42] : memref<32768x1024xf32, #tpu.memory_space<hbm>> -> memref<56x1024xf32, #tpu.memory_space<hbm>>
    %dma_wait3A_44 = arith.constant 0 : i32
    %dma_wait3A_45 = arith.constant 0 : i32
    %dma_wait3A_46 = tpu.memref_slice %arg6[%dma_wait3A_44, %dma_wait3A_45] : memref<56x1024xf32, #tpu.memory_space<vmem>> -> memref<56x1024xf32, #tpu.memory_space<vmem>>
    tpu.wait_dma2 semaphore(%arg10 : memref<!tpu.dma_semaphore, #tpu.memory_space<semaphore_mem>>) src(%dma_wait3A_46 : memref<56x1024xf32, #tpu.memory_space<vmem>>) dst(%dma_wait3A_43 : memref<56x1024xf32, #tpu.memory_space<hbm>>)
    %dma_start3A_47 = arith.constant 0 : i32
    %dma_start3A_48 = arith.constant 0 : i32
    %dma_start3A_49 = tpu.memref_slice %arg6[%dma_start3A_47, %dma_start3A_48] : memref<56x1024xf32, #tpu.memory_space<vmem>> -> memref<56x1024xf32, #tpu.memory_space<vmem>>
    %dma_start3A_50 = arith.constant 112 : i32
    %dma_start3A_51 = tpu.memref_slice %arg5[%dma_start3A_50] : memref<1024xi32, #tpu.memory_space<vmem>> -> memref<56xi32, #tpu.memory_space<vmem>>
    %dma_start3A_52 = arith.constant 0 : i32
    %dma_start3A_53 = arith.constant 0 : i32
    %dma_start3A_54 = tpu.memref_slice %arg2[%dma_start3A_52, %dma_start3A_53] : memref<8192x1024xf32, #tpu.memory_space<hbm>> -> memref<8192x1024xf32, #tpu.memory_space<hbm>>
    tpu.enqueue_indirect_dma source(%dma_start3A_54 : memref<8192x1024xf32, #tpu.memory_space<hbm>>) target(%dma_start3A_49 : memref<56x1024xf32, #tpu.memory_space<vmem>>) offsets(%dma_start3A_51 : memref<56xi32, #tpu.memory_space<vmem>>) semaphore(%arg8 : memref<!tpu.dma_semaphore, #tpu.memory_space<semaphore_mem>>)
    %dma_wait3A_55 = arith.constant 0 : i32
    %dma_wait3A_56 = arith.constant 0 : i32
    %dma_wait3A_57 = tpu.memref_slice %arg7[%dma_wait3A_55, %dma_wait3A_56] : memref<56x1024xf32, #tpu.memory_space<vmem>> -> memref<56x1024xf32, #tpu.memory_space<vmem>>
    %dma_wait3A_58 = arith.constant 0 : i32
    %dma_wait3A_59 = tpu.memref_slice %arg5[%dma_wait3A_58] : memref<1024xi32, #tpu.memory_space<vmem>> -> memref<56xi32, #tpu.memory_space<vmem>>
    %dma_wait3A_60 = arith.constant 0 : i32
    %dma_wait3A_61 = arith.constant 0 : i32
    %dma_wait3A_62 = tpu.memref_slice %arg2[%dma_wait3A_60, %dma_wait3A_61] : memref<8192x1024xf32, #tpu.memory_space<hbm>> -> memref<8192x1024xf32, #tpu.memory_space<hbm>>
    tpu.wait_indirect_dma semaphore(%arg9 : memref<!tpu.dma_semaphore, #tpu.memory_space<semaphore_mem>>) src(%dma_wait3A_62 : memref<8192x1024xf32, #tpu.memory_space<hbm>>) dst(%dma_wait3A_57 : memref<56x1024xf32, #tpu.memory_space<vmem>>)
    %add3A_63 = arith.constant 56 : i32
    %add3A_64 = arith.addi %mul3A_2, %add3A_63 : i32
    %dma_start3A_65 = arith.constant 0 : i32
    %dma_start3A_66 = arith.constant 0 : i32
    %dma_start3A_67 = tpu.memref_slice %arg7[%dma_start3A_65, %dma_start3A_66] : memref<56x1024xf32, #tpu.memory_space<vmem>> -> memref<56x1024xf32, #tpu.memory_space<vmem>>
    %dma_start3A_68 = arith.constant 0 : i32
    %dma_start3A_69 = tpu.memref_slice %arg4[%add3A_64, %dma_start3A_68] : memref<32768x1024xf32, #tpu.memory_space<hbm>> -> memref<56x1024xf32, #tpu.memory_space<hbm>>
    %dma_start3A_70 = arith.constant 0 : i32
    %dma_start3A_71 = tpu.memref_slice %arg4[%add3A_64, %dma_start3A_70] : memref<32768x1024xf32, #tpu.memory_space<hbm>> -> memref<56x1024xf32, #tpu.memory_space<hbm>>
    %dma_start3A_72 = arith.constant 0 : i32
    %dma_start3A_73 = arith.constant 0 : i32
    %dma_start3A_74 = tpu.memref_slice %arg7[%dma_start3A_72, %dma_start3A_73] : memref<56x1024xf32, #tpu.memory_space<vmem>> -> memref<56x1024xf32, #tpu.memory_space<vmem>>
    tpu.enqueue_dma source(%dma_start3A_74 : memref<56x1024xf32, #tpu.memory_space<vmem>>) target(%dma_start3A_71 : memref<56x1024xf32, #tpu.memory_space<hbm>>) target_semaphore(%arg11 : memref<!tpu.dma_semaphore, #tpu.memory_space<semaphore_mem>>)
    %dma_wait3A_75 = arith.constant 0 : i32
    %dma_wait3A_76 = arith.constant 0 : i32
    %dma_wait3A_77 = tpu.memref_slice %arg7[%dma_wait3A_75, %dma_wait3A_76] : memref<56x1024xf32, #tpu.memory_space<vmem>> -> memref<56x1024xf32, #tpu.memory_space<vmem>>
    %dma_wait3A_78 = arith.constant 0 : i32
    %dma_wait3A_79 = tpu.memref_slice %arg4[%mul3A_2, %dma_wait3A_78] : memref<32768x1024xf32, #tpu.memory_space<hbm>> -> memref<56x1024xf32, #tpu.memory_space<hbm>>
    %dma_wait3A_80 = arith.constant 0 : i32
    %dma_wait3A_81 = tpu.memref_slice %arg4[%mul3A_2, %dma_wait3A_80] : memref<32768x1024xf32, #tpu.memory_space<hbm>> -> memref<56x1024xf32, #tpu.memory_space<hbm>>
    %dma_wait3A_82 = arith.constant 0 : i32
    %dma_wait3A_83 = arith.constant 0 : i32
    %dma_wait3A_84 = tpu.memref_slice %arg7[%dma_wait3A_82, %dma_wait3A_83] : memref<56x1024xf32, #tpu.memory_space<vmem>> -> memref<56x1024xf32, #tpu.memory_space<vmem>>
    tpu.wait_dma2 semaphore(%arg11 : memref<!tpu.dma_semaphore, #tpu.memory_space<semaphore_mem>>) src(%dma_wait3A_84 : memref<56x1024xf32, #tpu.memory_space<vmem>>) dst(%dma_wait3A_81 : memref<56x1024xf32, #tpu.memory_space<hbm>>)
    %dma_start3A_85 = arith.constant 0 : i32
    %dma_start3A_86 = arith.constant 0 : i32
    %dma_start3A_87 = tpu.memref_slice %arg7[%dma_start3A_85, %dma_start3A_86] : memref<56x1024xf32, #tpu.memory_space<vmem>> -> memref<56x1024xf32, #tpu.memory_space<vmem>>
    %dma_start3A_88 = arith.constant 168 : i32
    %dma_start3A_89 = tpu.memref_slice %arg5[%dma_start3A_88] : memref<1024xi32, #tpu.memory_space<vmem>> -> memref<56xi32, #tpu.memory_space<vmem>>
    %dma_start3A_90 = arith.constant 0 : i32
    %dma_start3A_91 = arith.constant 0 : i32
    %dma_start3A_92 = tpu.memref_slice %arg2[%dma_start3A_90, %dma_start3A_91] : memref<8192x1024xf32, #tpu.memory_space<hbm>> -> memref<8192x1024xf32, #tpu.memory_space<hbm>>
    tpu.enqueue_indirect_dma source(%dma_start3A_92 : memref<8192x1024xf32, #tpu.memory_space<hbm>>) target(%dma_start3A_87 : memref<56x1024xf32, #tpu.memory_space<vmem>>) offsets(%dma_start3A_89 : memref<56xi32, #tpu.memory_space<vmem>>) semaphore(%arg9 : memref<!tpu.dma_semaphore, #tpu.memory_space<semaphore_mem>>)
    %dma_wait3A_93 = arith.constant 0 : i32
    %dma_wait3A_94 = arith.constant 0 : i32
    %dma_wait3A_95 = tpu.memref_slice %arg6[%dma_wait3A_93, %dma_wait3A_94] : memref<56x1024xf32, #tpu.memory_space<vmem>> -> memref<56x1024xf32, #tpu.memory_space<vmem>>
    %dma_wait3A_96 = arith.constant 0 : i32
    %dma_wait3A_97 = tpu.memref_slice %arg5[%dma_wait3A_96] : memref<1024xi32, #tpu.memory_space<vmem>> -> memref<56xi32, #tpu.memory_space<vmem>>
    %dma_wait3A_98 = arith.constant 0 : i32
    %dma_wait3A_99 = arith.constant 0 : i32
    %dma_wait3A_100 = tpu.memref_slice %arg2[%dma_wait3A_98, %dma_wait3A_99] : memref<8192x1024xf32, #tpu.memory_space<hbm>> -> memref<8192x1024xf32, #tpu.memory_space<hbm>>
    tpu.wait_indirect_dma semaphore(%arg8 : memref<!tpu.dma_semaphore, #tpu.memory_space<semaphore_mem>>) src(%dma_wait3A_100 : memref<8192x1024xf32, #tpu.memory_space<hbm>>) dst(%dma_wait3A_95 : memref<56x1024xf32, #tpu.memory_space<vmem>>)
    %add3A_101 = arith.constant 112 : i32
    %add3A_102 = arith.addi %mul3A_2, %add3A_101 : i32
    %dma_start3A_103 = arith.constant 0 : i32
    %dma_start3A_104 = arith.constant 0 : i32
    %dma_start3A_105 = tpu.memref_slice %arg6[%dma_start3A_103, %dma_start3A_104] : memref<56x1024xf32, #tpu.memory_space<vmem>> -> memref<56x1024xf32, #tpu.memory_space<vmem>>
    %dma_start3A_106 = arith.constant 0 : i32
    %dma_start3A_107 = tpu.memref_slice %arg4[%add3A_102, %dma_start3A_106] : memref<32768x1024xf32, #tpu.memory_space<hbm>> -> memref<56x1024xf32, #tpu.memory_space<hbm>>
    %dma_start3A_108 = arith.constant 0 : i32
    %dma_start3A_109 = tpu.memref_slice %arg4[%add3A_102, %dma_start3A_108] : memref<32768x1024xf32, #tpu.memory_space<hbm>> -> memref<56x1024xf32, #tpu.memory_space<hbm>>
    %dma_start3A_110 = arith.constant 0 : i32
    %dma_start3A_111 = arith.constant 0 : i32
    %dma_start3A_112 = tpu.memref_slice %arg6[%dma_start3A_110, %dma_start3A_111] : memref<56x1024xf32, #tpu.memory_space<vmem>> -> memref<56x1024xf32, #tpu.memory_space<vmem>>
    tpu.enqueue_dma source(%dma_start3A_112 : memref<56x1024xf32, #tpu.memory_space<vmem>>) target(%dma_start3A_109 : memref<56x1024xf32, #tpu.memory_space<hbm>>) target_semaphore(%arg10 : memref<!tpu.dma_semaphore, #tpu.memory_space<semaphore_mem>>)
    %dma_wait3A_113 = arith.constant 0 : i32
    %dma_wait3A_114 = arith.constant 0 : i32
    %dma_wait3A_115 = tpu.memref_slice %arg6[%dma_wait3A_113, %dma_wait3A_114] : memref<56x1024xf32, #tpu.memory_space<vmem>> -> memref<56x1024xf32, #tpu.memory_space<vmem>>
    %dma_wait3A_116 = arith.constant 0 : i32
    %dma_wait3A_117 = tpu.memref_slice %arg4[%mul3A_2, %dma_wait3A_116] : memref<32768x1024xf32, #tpu.memory_space<hbm>> -> memref<56x1024xf32, #tpu.memory_space<hbm>>
    %dma_wait3A_118 = arith.constant 0 : i32
    %dma_wait3A_119 = tpu.memref_slice %arg4[%mul3A_2, %dma_wait3A_118] : memref<32768x1024xf32, #tpu.memory_space<hbm>> -> memref<56x1024xf32, #tpu.memory_space<hbm>>
    %dma_wait3A_120 = arith.constant 0 : i32
    %dma_wait3A_121 = arith.constant 0 : i32
    %dma_wait3A_122 = tpu.memref_slice %arg6[%dma_wait3A_120, %dma_wait3A_121] : memref<56x1024xf32, #tpu.memory_space<vmem>> -> memref<56x1024xf32, #tpu.memory_space<vmem>>
    tpu.wait_dma2 semaphore(%arg10 : memref<!tpu.dma_semaphore, #tpu.memory_space<semaphore_mem>>) src(%dma_wait3A_122 : memref<56x1024xf32, #tpu.memory_space<vmem>>) dst(%dma_wait3A_119 : memref<56x1024xf32, #tpu.memory_space<hbm>>)
    %dma_start3A_123 = arith.constant 0 : i32
    %dma_start3A_124 = arith.constant 0 : i32
    %dma_start3A_125 = tpu.memref_slice %arg6[%dma_start3A_123, %dma_start3A_124] : memref<56x1024xf32, #tpu.memory_space<vmem>> -> memref<56x1024xf32, #tpu.memory_space<vmem>>
    %dma_start3A_126 = arith.constant 224 : i32
    %dma_start3A_127 = tpu.memref_slice %arg5[%dma_start3A_126] : memref<1024xi32, #tpu.memory_space<vmem>> -> memref<56xi32, #tpu.memory_space<vmem>>
    %dma_start3A_128 = arith.constant 0 : i32
    %dma_start3A_129 = arith.constant 0 : i32
    %dma_start3A_130 = tpu.memref_slice %arg2[%dma_start3A_128, %dma_start3A_129] : memref<8192x1024xf32, #tpu.memory_space<hbm>> -> memref<8192x1024xf32, #tpu.memory_space<hbm>>
    tpu.enqueue_indirect_dma source(%dma_start3A_130 : memref<8192x1024xf32, #tpu.memory_space<hbm>>) target(%dma_start3A_125 : memref<56x1024xf32, #tpu.memory_space<vmem>>) offsets(%dma_start3A_127 : memref<56xi32, #tpu.memory_space<vmem>>) semaphore(%arg8 : memref<!tpu.dma_semaphore, #tpu.memory_space<semaphore_mem>>)
    %dma_wait3A_131 = arith.constant 0 : i32
    %dma_wait3A_132 = arith.constant 0 : i32
    %dma_wait3A_133 = tpu.memref_slice %arg7[%dma_wait3A_131, %dma_wait3A_132] : memref<56x1024xf32, #tpu.memory_space<vmem>> -> memref<56x1024xf32, #tpu.memory_space<vmem>>
    %dma_wait3A_134 = arith.constant 0 : i32
    %dma_wait3A_135 = tpu.memref_slice %arg5[%dma_wait3A_134] : memref<1024xi32, #tpu.memory_space<vmem>> -> memref<56xi32, #tpu.memory_space<vmem>>
    %dma_wait3A_136 = arith.constant 0 : i32
    %dma_wait3A_137 = arith.constant 0 : i32
    %dma_wait3A_138 = tpu.memref_slice %arg2[%dma_wait3A_136, %dma_wait3A_137] : memref<8192x1024xf32, #tpu.memory_space<hbm>> -> memref<8192x1024xf32, #tpu.memory_space<hbm>>
    tpu.wait_indirect_dma semaphore(%arg9 : memref<!tpu.dma_semaphore, #tpu.memory_space<semaphore_mem>>) src(%dma_wait3A_138 : memref<8192x1024xf32, #tpu.memory_space<hbm>>) dst(%dma_wait3A_133 : memref<56x1024xf32, #tpu.memory_space<vmem>>)
    %add3A_139 = arith.constant 168 : i32
    %add3A_140 = arith.addi %mul3A_2, %add3A_139 : i32
    %dma_start3A_141 = arith.constant 0 : i32
    %dma_start3A_142 = arith.constant 0 : i32
    %dma_start3A_143 = tpu.memref_slice %arg7[%dma_start3A_141, %dma_start3A_142] : memref<56x1024xf32, #tpu.memory_space<vmem>> -> memref<56x1024xf32, #tpu.memory_space<vmem>>
    %dma_start3A_144 = arith.constant 0 : i32
    %dma_start3A_145 = tpu.memref_slice %arg4[%add3A_140, %dma_start3A_144] : memref<32768x1024xf32, #tpu.memory_space<hbm>> -> memref<56x1024xf32, #tpu.memory_space<hbm>>
    %dma_start3A_146 = arith.constant 0 : i32
    %dma_start3A_147 = tpu.memref_slice %arg4[%add3A_140, %dma_start3A_146] : memref<32768x1024xf32, #tpu.memory_space<hbm>> -> memref<56x1024xf32, #tpu.memory_space<hbm>>
    %dma_start3A_148 = arith.constant 0 : i32
    %dma_start3A_149 = arith.constant 0 : i32
    %dma_start3A_150 = tpu.memref_slice %arg7[%dma_start3A_148, %dma_start3A_149] : memref<56x1024xf32, #tpu.memory_space<vmem>> -> memref<56x1024xf32, #tpu.memory_space<vmem>>
    tpu.enqueue_dma source(%dma_start3A_150 : memref<56x1024xf32, #tpu.memory_space<vmem>>) target(%dma_start3A_147 : memref<56x1024xf32, #tpu.memory_space<hbm>>) target_semaphore(%arg11 : memref<!tpu.dma_semaphore, #tpu.memory_space<semaphore_mem>>)
    %dma_wait3A_151 = arith.constant 0 : i32
    %dma_wait3A_152 = arith.constant 0 : i32
    %dma_wait3A_153 = tpu.memref_slice %arg7[%dma_wait3A_151, %dma_wait3A_152] : memref<56x1024xf32, #tpu.memory_space<vmem>> -> memref<56x1024xf32, #tpu.memory_space<vmem>>
    %dma_wait3A_154 = arith.constant 0 : i32
    %dma_wait3A_155 = tpu.memref_slice %arg4[%mul3A_2, %dma_wait3A_154] : memref<32768x1024xf32, #tpu.memory_space<hbm>> -> memref<56x1024xf32, #tpu.memory_space<hbm>>
    %dma_wait3A_156 = arith.constant 0 : i32
    %dma_wait3A_157 = tpu.memref_slice %arg4[%mul3A_2, %dma_wait3A_156] : memref<32768x1024xf32, #tpu.memory_space<hbm>> -> memref<56x1024xf32, #tpu.memory_space<hbm>>
    %dma_wait3A_158 = arith.constant 0 : i32
    %dma_wait3A_159 = arith.constant 0 : i32
    %dma_wait3A_160 = tpu.memref_slice %arg7[%dma_wait3A_158, %dma_wait3A_159] : memref<56x1024xf32, #tpu.memory_space<vmem>> -> memref<56x1024xf32, #tpu.memory_space<vmem>>
    tpu.wait_dma2 semaphore(%arg11 : memref<!tpu.dma_semaphore, #tpu.memory_space<semaphore_mem>>) src(%dma_wait3A_160 : memref<56x1024xf32, #tpu.memory_space<vmem>>) dst(%dma_wait3A_157 : memref<56x1024xf32, #tpu.memory_space<hbm>>)
    %dma_start3A_161 = arith.constant 0 : i32
    %dma_start3A_162 = arith.constant 0 : i32
    %dma_start3A_163 = tpu.memref_slice %arg7[%dma_start3A_161, %dma_start3A_162] : memref<56x1024xf32, #tpu.memory_space<vmem>> -> memref<56x1024xf32, #tpu.memory_space<vmem>>
    %dma_start3A_164 = arith.constant 280 : i32
    %dma_start3A_165 = tpu.memref_slice %arg5[%dma_start3A_164] : memref<1024xi32, #tpu.memory_space<vmem>> -> memref<56xi32, #tpu.memory_space<vmem>>
    %dma_start3A_166 = arith.constant 0 : i32
    %dma_start3A_167 = arith.constant 0 : i32
    %dma_start3A_168 = tpu.memref_slice %arg2[%dma_start3A_166, %dma_start3A_167] : memref<8192x1024xf32, #tpu.memory_space<hbm>> -> memref<8192x1024xf32, #tpu.memory_space<hbm>>
    tpu.enqueue_indirect_dma source(%dma_start3A_168 : memref<8192x1024xf32, #tpu.memory_space<hbm>>) target(%dma_start3A_163 : memref<56x1024xf32, #tpu.memory_space<vmem>>) offsets(%dma_start3A_165 : memref<56xi32, #tpu.memory_space<vmem>>) semaphore(%arg9 : memref<!tpu.dma_semaphore, #tpu.memory_space<semaphore_mem>>)
    %dma_wait3A_169 = arith.constant 0 : i32
    %dma_wait3A_170 = arith.constant 0 : i32
    %dma_wait3A_171 = tpu.memref_slice %arg6[%dma_wait3A_169, %dma_wait3A_170] : memref<56x1024xf32, #tpu.memory_space<vmem>> -> memref<56x1024xf32, #tpu.memory_space<vmem>>
    %dma_wait3A_172 = arith.constant 0 : i32
    %dma_wait3A_173 = tpu.memref_slice %arg5[%dma_wait3A_172] : memref<1024xi32, #tpu.memory_space<vmem>> -> memref<56xi32, #tpu.memory_space<vmem>>
    %dma_wait3A_174 = arith.constant 0 : i32
    %dma_wait3A_175 = arith.constant 0 : i32
    %dma_wait3A_176 = tpu.memref_slice %arg2[%dma_wait3A_174, %dma_wait3A_175] : memref<8192x1024xf32, #tpu.memory_space<hbm>> -> memref<8192x1024xf32, #tpu.memory_space<hbm>>
    tpu.wait_indirect_dma semaphore(%arg8 : memref<!tpu.dma_semaphore, #tpu.memory_space<semaphore_mem>>) src(%dma_wait3A_176 : memref<8192x1024xf32, #tpu.memory_space<hbm>>) dst(%dma_wait3A_171 : memref<56x1024xf32, #tpu.memory_space<vmem>>)
    %add3A_177 = arith.constant 224 : i32
    %add3A_178 = arith.addi %mul3A_2, %add3A_177 : i32
    %dma_start3A_179 = arith.constant 0 : i32
    %dma_start3A_180 = arith.constant 0 : i32
    %dma_start3A_181 = tpu.memref_slice %arg6[%dma_start3A_179, %dma_start3A_180] : memref<56x1024xf32, #tpu.memory_space<vmem>> -> memref<56x1024xf32, #tpu.memory_space<vmem>>
    %dma_start3A_182 = arith.constant 0 : i32
    %dma_start3A_183 = tpu.memref_slice %arg4[%add3A_178, %dma_start3A_182] : memref<32768x1024xf32, #tpu.memory_space<hbm>> -> memref<56x1024xf32, #tpu.memory_space<hbm>>
    %dma_start3A_184 = arith.constant 0 : i32
    %dma_start3A_185 = tpu.memref_slice %arg4[%add3A_178, %dma_start3A_184] : memref<32768x1024xf32, #tpu.memory_space<hbm>> -> memref<56x1024xf32, #tpu.memory_space<hbm>>
    %dma_start3A_186 = arith.constant 0 : i32
    %dma_start3A_187 = arith.constant 0 : i32
    %dma_start3A_188 = tpu.memref_slice %arg6[%dma_start3A_186, %dma_start3A_187] : memref<56x1024xf32, #tpu.memory_space<vmem>> -> memref<56x1024xf32, #tpu.memory_space<vmem>>
    tpu.enqueue_dma source(%dma_start3A_188 : memref<56x1024xf32, #tpu.memory_space<vmem>>) target(%dma_start3A_185 : memref<56x1024xf32, #tpu.memory_space<hbm>>) target_semaphore(%arg10 : memref<!tpu.dma_semaphore, #tpu.memory_space<semaphore_mem>>)
    %dma_wait3A_189 = arith.constant 0 : i32
    %dma_wait3A_190 = arith.constant 0 : i32
    %dma_wait3A_191 = tpu.memref_slice %arg6[%dma_wait3A_189, %dma_wait3A_190] : memref<56x1024xf32, #tpu.memory_space<vmem>> -> memref<56x1024xf32, #tpu.memory_space<vmem>>
    %dma_wait3A_192 = arith.constant 0 : i32
    %dma_wait3A_193 = tpu.memref_slice %arg4[%mul3A_2, %dma_wait3A_192] : memref<32768x1024xf32, #tpu.memory_space<hbm>> -> memref<56x1024xf32, #tpu.memory_space<hbm>>
    %dma_wait3A_194 = arith.constant 0 : i32
    %dma_wait3A_195 = tpu.memref_slice %arg4[%mul3A_2, %dma_wait3A_194] : memref<32768x1024xf32, #tpu.memory_space<hbm>> -> memref<56x1024xf32, #tpu.memory_space<hbm>>
    %dma_wait3A_196 = arith.constant 0 : i32
    %dma_wait3A_197 = arith.constant 0 : i32
    %dma_wait3A_198 = tpu.memref_slice %arg6[%dma_wait3A_196, %dma_wait3A_197] : memref<56x1024xf32, #tpu.memory_space<vmem>> -> memref<56x1024xf32, #tpu.memory_space<vmem>>
    tpu.wait_dma2 semaphore(%arg10 : memref<!tpu.dma_semaphore, #tpu.memory_space<semaphore_mem>>) src(%dma_wait3A_198 : memref<56x1024xf32, #tpu.memory_space<vmem>>) dst(%dma_wait3A_195 : memref<56x1024xf32, #tpu.memory_space<hbm>>)
    %dma_start3A_199 = arith.constant 0 : i32
    %dma_start3A_200 = arith.constant 0 : i32
    %dma_start3A_201 = tpu.memref_slice %arg6[%dma_start3A_199, %dma_start3A_200] : memref<56x1024xf32, #tpu.memory_space<vmem>> -> memref<56x1024xf32, #tpu.memory_space<vmem>>
    %dma_start3A_202 = arith.constant 336 : i32
    %dma_start3A_203 = tpu.memref_slice %arg5[%dma_start3A_202] : memref<1024xi32, #tpu.memory_space<vmem>> -> memref<56xi32, #tpu.memory_space<vmem>>
    %dma_start3A_204 = arith.constant 0 : i32
    %dma_start3A_205 = arith.constant 0 : i32
    %dma_start3A_206 = tpu.memref_slice %arg2[%dma_start3A_204, %dma_start3A_205] : memref<8192x1024xf32, #tpu.memory_space<hbm>> -> memref<8192x1024xf32, #tpu.memory_space<hbm>>
    tpu.enqueue_indirect_dma source(%dma_start3A_206 : memref<8192x1024xf32, #tpu.memory_space<hbm>>) target(%dma_start3A_201 : memref<56x1024xf32, #tpu.memory_space<vmem>>) offsets(%dma_start3A_203 : memref<56xi32, #tpu.memory_space<vmem>>) semaphore(%arg8 : memref<!tpu.dma_semaphore, #tpu.memory_space<semaphore_mem>>)
    %dma_wait3A_207 = arith.constant 0 : i32
    %dma_wait3A_208 = arith.constant 0 : i32
    %dma_wait3A_209 = tpu.memref_slice %arg7[%dma_wait3A_207, %dma_wait3A_208] : memref<56x1024xf32, #tpu.memory_space<vmem>> -> memref<56x1024xf32, #tpu.memory_space<vmem>>
    %dma_wait3A_210 = arith.constant 0 : i32
    %dma_wait3A_211 = tpu.memref_slice %arg5[%dma_wait3A_210] : memref<1024xi32, #tpu.memory_space<vmem>> -> memref<56xi32, #tpu.memory_space<vmem>>
    %dma_wait3A_212 = arith.constant 0 : i32
    %dma_wait3A_213 = arith.constant 0 : i32
    %dma_wait3A_214 = tpu.memref_slice %arg2[%dma_wait3A_212, %dma_wait3A_213] : memref<8192x1024xf32, #tpu.memory_space<hbm>> -> memref<8192x1024xf32, #tpu.memory_space<hbm>>
    tpu.wait_indirect_dma semaphore(%arg9 : memref<!tpu.dma_semaphore, #tpu.memory_space<semaphore_mem>>) src(%dma_wait3A_214 : memref<8192x1024xf32, #tpu.memory_space<hbm>>) dst(%dma_wait3A_209 : memref<56x1024xf32, #tpu.memory_space<vmem>>)
    %add3A_215 = arith.constant 280 : i32
    %add3A_216 = arith.addi %mul3A_2, %add3A_215 : i32
    %dma_start3A_217 = arith.constant 0 : i32
    %dma_start3A_218 = arith.constant 0 : i32
    %dma_start3A_219 = tpu.memref_slice %arg7[%dma_start3A_217, %dma_start3A_218] : memref<56x1024xf32, #tpu.memory_space<vmem>> -> memref<56x1024xf32, #tpu.memory_space<vmem>>
    %dma_start3A_220 = arith.constant 0 : i32
    %dma_start3A_221 = tpu.memref_slice %arg4[%add3A_216, %dma_start3A_220] : memref<32768x1024xf32, #tpu.memory_space<hbm>> -> memref<56x1024xf32, #tpu.memory_space<hbm>>
    %dma_start3A_222 = arith.constant 0 : i32
    %dma_start3A_223 = tpu.memref_slice %arg4[%add3A_216, %dma_start3A_222] : memref<32768x1024xf32, #tpu.memory_space<hbm>> -> memref<56x1024xf32, #tpu.memory_space<hbm>>
    %dma_start3A_224 = arith.constant 0 : i32
    %dma_start3A_225 = arith.constant 0 : i32
    %dma_start3A_226 = tpu.memref_slice %arg7[%dma_start3A_224, %dma_start3A_225] : memref<56x1024xf32, #tpu.memory_space<vmem>> -> memref<56x1024xf32, #tpu.memory_space<vmem>>
    tpu.enqueue_dma source(%dma_start3A_226 : memref<56x1024xf32, #tpu.memory_space<vmem>>) target(%dma_start3A_223 : memref<56x1024xf32, #tpu.memory_space<hbm>>) target_semaphore(%arg11 : memref<!tpu.dma_semaphore, #tpu.memory_space<semaphore_mem>>)
    %dma_wait3A_227 = arith.constant 0 : i32
    %dma_wait3A_228 = arith.constant 0 : i32
    %dma_wait3A_229 = tpu.memref_slice %arg7[%dma_wait3A_227, %dma_wait3A_228] : memref<56x1024xf32, #tpu.memory_space<vmem>> -> memref<56x1024xf32, #tpu.memory_space<vmem>>
    %dma_wait3A_230 = arith.constant 0 : i32
    %dma_wait3A_231 = tpu.memref_slice %arg4[%mul3A_2, %dma_wait3A_230] : memref<32768x1024xf32, #tpu.memory_space<hbm>> -> memref<56x1024xf32, #tpu.memory_space<hbm>>
    %dma_wait3A_232 = arith.constant 0 : i32
    %dma_wait3A_233 = tpu.memref_slice %arg4[%mul3A_2, %dma_wait3A_232] : memref<32768x1024xf32, #tpu.memory_space<hbm>> -> memref<56x1024xf32, #tpu.memory_space<hbm>>
    %dma_wait3A_234 = arith.constant 0 : i32
    %dma_wait3A_235 = arith.constant 0 : i32
    %dma_wait3A_236 = tpu.memref_slice %arg7[%dma_wait3A_234, %dma_wait3A_235] : memref<56x1024xf32, #tpu.memory_space<vmem>> -> memref<56x1024xf32, #tpu.memory_space<vmem>>
    tpu.wait_dma2 semaphore(%arg11 : memref<!tpu.dma_semaphore, #tpu.memory_space<semaphore_mem>>) src(%dma_wait3A_236 : memref<56x1024xf32, #tpu.memory_space<vmem>>) dst(%dma_wait3A_233 : memref<56x1024xf32, #tpu.memory_space<hbm>>)
    %dma_start3A_237 = arith.constant 0 : i32
    %dma_start3A_238 = arith.constant 0 : i32
    %dma_start3A_239 = tpu.memref_slice %arg7[%dma_start3A_237, %dma_start3A_238] : memref<56x1024xf32, #tpu.memory_space<vmem>> -> memref<56x1024xf32, #tpu.memory_space<vmem>>
    %dma_start3A_240 = arith.constant 392 : i32
    %dma_start3A_241 = tpu.memref_slice %arg5[%dma_start3A_240] : memref<1024xi32, #tpu.memory_space<vmem>> -> memref<56xi32, #tpu.memory_space<vmem>>
    %dma_start3A_242 = arith.constant 0 : i32
    %dma_start3A_243 = arith.constant 0 : i32
    %dma_start3A_244 = tpu.memref_slice %arg2[%dma_start3A_242, %dma_start3A_243] : memref<8192x1024xf32, #tpu.memory_space<hbm>> -> memref<8192x1024xf32, #tpu.memory_space<hbm>>
    tpu.enqueue_indirect_dma source(%dma_start3A_244 : memref<8192x1024xf32, #tpu.memory_space<hbm>>) target(%dma_start3A_239 : memref<56x1024xf32, #tpu.memory_space<vmem>>) offsets(%dma_start3A_241 : memref<56xi32, #tpu.memory_space<vmem>>) semaphore(%arg9 : memref<!tpu.dma_semaphore, #tpu.memory_space<semaphore_mem>>)
    %dma_wait3A_245 = arith.constant 0 : i32
    %dma_wait3A_246 = arith.constant 0 : i32
    %dma_wait3A_247 = tpu.memref_slice %arg6[%dma_wait3A_245, %dma_wait3A_246] : memref<56x1024xf32, #tpu.memory_space<vmem>> -> memref<56x1024xf32, #tpu.memory_space<vmem>>
    %dma_wait3A_248 = arith.constant 0 : i32
    %dma_wait3A_249 = tpu.memref_slice %arg5[%dma_wait3A_248] : memref<1024xi32, #tpu.memory_space<vmem>> -> memref<56xi32, #tpu.memory_space<vmem>>
    %dma_wait3A_250 = arith.constant 0 : i32
    %dma_wait3A_251 = arith.constant 0 : i32
    %dma_wait3A_252 = tpu.memref_slice %arg2[%dma_wait3A_250, %dma_wait3A_251] : memref<8192x1024xf32, #tpu.memory_space<hbm>> -> memref<8192x1024xf32, #tpu.memory_space<hbm>>
    tpu.wait_indirect_dma semaphore(%arg8 : memref<!tpu.dma_semaphore, #tpu.memory_space<semaphore_mem>>) src(%dma_wait3A_252 : memref<8192x1024xf32, #tpu.memory_space<hbm>>) dst(%dma_wait3A_247 : memref<56x1024xf32, #tpu.memory_space<vmem>>)
    %add3A_253 = arith.constant 336 : i32
    %add3A_254 = arith.addi %mul3A_2, %add3A_253 : i32
    %dma_start3A_255 = arith.constant 0 : i32
    %dma_start3A_256 = arith.constant 0 : i32
    %dma_start3A_257 = tpu.memref_slice %arg6[%dma_start3A_255, %dma_start3A_256] : memref<56x1024xf32, #tpu.memory_space<vmem>> -> memref<56x1024xf32, #tpu.memory_space<vmem>>
    %dma_start3A_258 = arith.constant 0 : i32
    %dma_start3A_259 = tpu.memref_slice %arg4[%add3A_254, %dma_start3A_258] : memref<32768x1024xf32, #tpu.memory_space<hbm>> -> memref<56x1024xf32, #tpu.memory_space<hbm>>
    %dma_start3A_260 = arith.constant 0 : i32
    %dma_start3A_261 = tpu.memref_slice %arg4[%add3A_254, %dma_start3A_260] : memref<32768x1024xf32, #tpu.memory_space<hbm>> -> memref<56x1024xf32, #tpu.memory_space<hbm>>
    %dma_start3A_262 = arith.constant 0 : i32
    %dma_start3A_263 = arith.constant 0 : i32
    %dma_start3A_264 = tpu.memref_slice %arg6[%dma_start3A_262, %dma_start3A_263] : memref<56x1024xf32, #tpu.memory_space<vmem>> -> memref<56x1024xf32, #tpu.memory_space<vmem>>
    tpu.enqueue_dma source(%dma_start3A_264 : memref<56x1024xf32, #tpu.memory_space<vmem>>) target(%dma_start3A_261 : memref<56x1024xf32, #tpu.memory_space<hbm>>) target_semaphore(%arg10 : memref<!tpu.dma_semaphore, #tpu.memory_space<semaphore_mem>>)
    %dma_wait3A_265 = arith.constant 0 : i32
    %dma_wait3A_266 = arith.constant 0 : i32
    %dma_wait3A_267 = tpu.memref_slice %arg6[%dma_wait3A_265, %dma_wait3A_266] : memref<56x1024xf32, #tpu.memory_space<vmem>> -> memref<56x1024xf32, #tpu.memory_space<vmem>>
    %dma_wait3A_268 = arith.constant 0 : i32
    %dma_wait3A_269 = tpu.memref_slice %arg4[%mul3A_2, %dma_wait3A_268] : memref<32768x1024xf32, #tpu.memory_space<hbm>> -> memref<56x1024xf32, #tpu.memory_space<hbm>>
    %dma_wait3A_270 = arith.constant 0 : i32
    %dma_wait3A_271 = tpu.memref_slice %arg4[%mul3A_2, %dma_wait3A_270] : memref<32768x1024xf32, #tpu.memory_space<hbm>> -> memref<56x1024xf32, #tpu.memory_space<hbm>>
    %dma_wait3A_272 = arith.constant 0 : i32
    %dma_wait3A_273 = arith.constant 0 : i32
    %dma_wait3A_274 = tpu.memref_slice %arg6[%dma_wait3A_272, %dma_wait3A_273] : memref<56x1024xf32, #tpu.memory_space<vmem>> -> memref<56x1024xf32, #tpu.memory_space<vmem>>
    tpu.wait_dma2 semaphore(%arg10 : memref<!tpu.dma_semaphore, #tpu.memory_space<semaphore_mem>>) src(%dma_wait3A_274 : memref<56x1024xf32, #tpu.memory_space<vmem>>) dst(%dma_wait3A_271 : memref<56x1024xf32, #tpu.memory_space<hbm>>)
    %dma_start3A_275 = arith.constant 0 : i32
    %dma_start3A_276 = arith.constant 0 : i32
    %dma_start3A_277 = tpu.memref_slice %arg6[%dma_start3A_275, %dma_start3A_276] : memref<56x1024xf32, #tpu.memory_space<vmem>> -> memref<56x1024xf32, #tpu.memory_space<vmem>>
    %dma_start3A_278 = arith.constant 448 : i32
    %dma_start3A_279 = tpu.memref_slice %arg5[%dma_start3A_278] : memref<1024xi32, #tpu.memory_space<vmem>> -> memref<56xi32, #tpu.memory_space<vmem>>
    %dma_start3A_280 = arith.constant 0 : i32
    %dma_start3A_281 = arith.constant 0 : i32
    %dma_start3A_282 = tpu.memref_slice %arg2[%dma_start3A_280, %dma_start3A_281] : memref<8192x1024xf32, #tpu.memory_space<hbm>> -> memref<8192x1024xf32, #tpu.memory_space<hbm>>
    tpu.enqueue_indirect_dma source(%dma_start3A_282 : memref<8192x1024xf32, #tpu.memory_space<hbm>>) target(%dma_start3A_277 : memref<56x1024xf32, #tpu.memory_space<vmem>>) offsets(%dma_start3A_279 : memref<56xi32, #tpu.memory_space<vmem>>) semaphore(%arg8 : memref<!tpu.dma_semaphore, #tpu.memory_space<semaphore_mem>>)
    %dma_wait3A_283 = arith.constant 0 : i32
    %dma_wait3A_284 = arith.constant 0 : i32
    %dma_wait3A_285 = tpu.memref_slice %arg7[%dma_wait3A_283, %dma_wait3A_284] : memref<56x1024xf32, #tpu.memory_space<vmem>> -> memref<56x1024xf32, #tpu.memory_space<vmem>>
    %dma_wait3A_286 = arith.constant 0 : i32
    %dma_wait3A_287 = tpu.memref_slice %arg5[%dma_wait3A_286] : memref<1024xi32, #tpu.memory_space<vmem>> -> memref<56xi32, #tpu.memory_space<vmem>>
    %dma_wait3A_288 = arith.constant 0 : i32
    %dma_wait3A_289 = arith.constant 0 : i32
    %dma_wait3A_290 = tpu.memref_slice %arg2[%dma_wait3A_288, %dma_wait3A_289] : memref<8192x1024xf32, #tpu.memory_space<hbm>> -> memref<8192x1024xf32, #tpu.memory_space<hbm>>
    tpu.wait_indirect_dma semaphore(%arg9 : memref<!tpu.dma_semaphore, #tpu.memory_space<semaphore_mem>>) src(%dma_wait3A_290 : memref<8192x1024xf32, #tpu.memory_space<hbm>>) dst(%dma_wait3A_285 : memref<56x1024xf32, #tpu.memory_space<vmem>>)
    %add3A_291 = arith.constant 392 : i32
    %add3A_292 = arith.addi %mul3A_2, %add3A_291 : i32
    %dma_start3A_293 = arith.constant 0 : i32
    %dma_start3A_294 = arith.constant 0 : i32
    %dma_start3A_295 = tpu.memref_slice %arg7[%dma_start3A_293, %dma_start3A_294] : memref<56x1024xf32, #tpu.memory_space<vmem>> -> memref<56x1024xf32, #tpu.memory_space<vmem>>
    %dma_start3A_296 = arith.constant 0 : i32
    %dma_start3A_297 = tpu.memref_slice %arg4[%add3A_292, %dma_start3A_296] : memref<32768x1024xf32, #tpu.memory_space<hbm>> -> memref<56x1024xf32, #tpu.memory_space<hbm>>
    %dma_start3A_298 = arith.constant 0 : i32
    %dma_start3A_299 = tpu.memref_slice %arg4[%add3A_292, %dma_start3A_298] : memref<32768x1024xf32, #tpu.memory_space<hbm>> -> memref<56x1024xf32, #tpu.memory_space<hbm>>
    %dma_start3A_300 = arith.constant 0 : i32
    %dma_start3A_301 = arith.constant 0 : i32
    %dma_start3A_302 = tpu.memref_slice %arg7[%dma_start3A_300, %dma_start3A_301] : memref<56x1024xf32, #tpu.memory_space<vmem>> -> memref<56x1024xf32, #tpu.memory_space<vmem>>
    tpu.enqueue_dma source(%dma_start3A_302 : memref<56x1024xf32, #tpu.memory_space<vmem>>) target(%dma_start3A_299 : memref<56x1024xf32, #tpu.memory_space<hbm>>) target_semaphore(%arg11 : memref<!tpu.dma_semaphore, #tpu.memory_space<semaphore_mem>>)
    %dma_wait3A_303 = arith.constant 0 : i32
    %dma_wait3A_304 = arith.constant 0 : i32
    %dma_wait3A_305 = tpu.memref_slice %arg7[%dma_wait3A_303, %dma_wait3A_304] : memref<56x1024xf32, #tpu.memory_space<vmem>> -> memref<56x1024xf32, #tpu.memory_space<vmem>>
    %dma_wait3A_306 = arith.constant 0 : i32
    %dma_wait3A_307 = tpu.memref_slice %arg4[%mul3A_2, %dma_wait3A_306] : memref<32768x1024xf32, #tpu.memory_space<hbm>> -> memref<56x1024xf32, #tpu.memory_space<hbm>>
    %dma_wait3A_308 = arith.constant 0 : i32
    %dma_wait3A_309 = tpu.memref_slice %arg4[%mul3A_2, %dma_wait3A_308] : memref<32768x1024xf32, #tpu.memory_space<hbm>> -> memref<56x1024xf32, #tpu.memory_space<hbm>>
    %dma_wait3A_310 = arith.constant 0 : i32
    %dma_wait3A_311 = arith.constant 0 : i32
    %dma_wait3A_312 = tpu.memref_slice %arg7[%dma_wait3A_310, %dma_wait3A_311] : memref<56x1024xf32, #tpu.memory_space<vmem>> -> memref<56x1024xf32, #tpu.memory_space<vmem>>
    tpu.wait_dma2 semaphore(%arg11 : memref<!tpu.dma_semaphore, #tpu.memory_space<semaphore_mem>>) src(%dma_wait3A_312 : memref<56x1024xf32, #tpu.memory_space<vmem>>) dst(%dma_wait3A_309 : memref<56x1024xf32, #tpu.memory_space<hbm>>)
    %dma_start3A_313 = arith.constant 0 : i32
    %dma_start3A_314 = arith.constant 0 : i32
    %dma_start3A_315 = tpu.memref_slice %arg7[%dma_start3A_313, %dma_start3A_314] : memref<56x1024xf32, #tpu.memory_space<vmem>> -> memref<56x1024xf32, #tpu.memory_space<vmem>>
    %dma_start3A_316 = arith.constant 504 : i32
    %dma_start3A_317 = tpu.memref_slice %arg5[%dma_start3A_316] : memref<1024xi32, #tpu.memory_space<vmem>> -> memref<56xi32, #tpu.memory_space<vmem>>
    %dma_start3A_318 = arith.constant 0 : i32
    %dma_start3A_319 = arith.constant 0 : i32
    %dma_start3A_320 = tpu.memref_slice %arg2[%dma_start3A_318, %dma_start3A_319] : memref<8192x1024xf32, #tpu.memory_space<hbm>> -> memref<8192x1024xf32, #tpu.memory_space<hbm>>
    tpu.enqueue_indirect_dma source(%dma_start3A_320 : memref<8192x1024xf32, #tpu.memory_space<hbm>>) target(%dma_start3A_315 : memref<56x1024xf32, #tpu.memory_space<vmem>>) offsets(%dma_start3A_317 : memref<56xi32, #tpu.memory_space<vmem>>) semaphore(%arg9 : memref<!tpu.dma_semaphore, #tpu.memory_space<semaphore_mem>>)
    %dma_wait3A_321 = arith.constant 0 : i32
    %dma_wait3A_322 = arith.constant 0 : i32
    %dma_wait3A_323 = tpu.memref_slice %arg6[%dma_wait3A_321, %dma_wait3A_322] : memref<56x1024xf32, #tpu.memory_space<vmem>> -> memref<56x1024xf32, #tpu.memory_space<vmem>>
    %dma_wait3A_324 = arith.constant 0 : i32
    %dma_wait3A_325 = tpu.memref_slice %arg5[%dma_wait3A_324] : memref<1024xi32, #tpu.memory_space<vmem>> -> memref<56xi32, #tpu.memory_space<vmem>>
    %dma_wait3A_326 = arith.constant 0 : i32
    %dma_wait3A_327 = arith.constant 0 : i32
    %dma_wait3A_328 = tpu.memref_slice %arg2[%dma_wait3A_326, %dma_wait3A_327] : memref<8192x1024xf32, #tpu.memory_space<hbm>> -> memref<8192x1024xf32, #tpu.memory_space<hbm>>
    tpu.wait_indirect_dma semaphore(%arg8 : memref<!tpu.dma_semaphore, #tpu.memory_space<semaphore_mem>>) src(%dma_wait3A_328 : memref<8192x1024xf32, #tpu.memory_space<hbm>>) dst(%dma_wait3A_323 : memref<56x1024xf32, #tpu.memory_space<vmem>>)
    %add3A_329 = arith.constant 448 : i32
    %add3A_330 = arith.addi %mul3A_2, %add3A_329 : i32
    %dma_start3A_331 = arith.constant 0 : i32
    %dma_start3A_332 = arith.constant 0 : i32
    %dma_start3A_333 = tpu.memref_slice %arg6[%dma_start3A_331, %dma_start3A_332] : memref<56x1024xf32, #tpu.memory_space<vmem>> -> memref<56x1024xf32, #tpu.memory_space<vmem>>
    %dma_start3A_334 = arith.constant 0 : i32
    %dma_start3A_335 = tpu.memref_slice %arg4[%add3A_330, %dma_start3A_334] : memref<32768x1024xf32, #tpu.memory_space<hbm>> -> memref<56x1024xf32, #tpu.memory_space<hbm>>
    %dma_start3A_336 = arith.constant 0 : i32
    %dma_start3A_337 = tpu.memref_slice %arg4[%add3A_330, %dma_start3A_336] : memref<32768x1024xf32, #tpu.memory_space<hbm>> -> memref<56x1024xf32, #tpu.memory_space<hbm>>
    %dma_start3A_338 = arith.constant 0 : i32
    %dma_start3A_339 = arith.constant 0 : i32
    %dma_start3A_340 = tpu.memref_slice %arg6[%dma_start3A_338, %dma_start3A_339] : memref<56x1024xf32, #tpu.memory_space<vmem>> -> memref<56x1024xf32, #tpu.memory_space<vmem>>
    tpu.enqueue_dma source(%dma_start3A_340 : memref<56x1024xf32, #tpu.memory_space<vmem>>) target(%dma_start3A_337 : memref<56x1024xf32, #tpu.memory_space<hbm>>) target_semaphore(%arg10 : memref<!tpu.dma_semaphore, #tpu.memory_space<semaphore_mem>>)
    %dma_wait3A_341 = arith.constant 0 : i32
    %dma_wait3A_342 = arith.constant 0 : i32
    %dma_wait3A_343 = tpu.memref_slice %arg6[%dma_wait3A_341, %dma_wait3A_342] : memref<56x1024xf32, #tpu.memory_space<vmem>> -> memref<56x1024xf32, #tpu.memory_space<vmem>>
    %dma_wait3A_344 = arith.constant 0 : i32
    %dma_wait3A_345 = tpu.memref_slice %arg4[%mul3A_2, %dma_wait3A_344] : memref<32768x1024xf32, #tpu.memory_space<hbm>> -> memref<56x1024xf32, #tpu.memory_space<hbm>>
    %dma_wait3A_346 = arith.constant 0 : i32
    %dma_wait3A_347 = tpu.memref_slice %arg4[%mul3A_2, %dma_wait3A_346] : memref<32768x1024xf32, #tpu.memory_space<hbm>> -> memref<56x1024xf32, #tpu.memory_space<hbm>>
    %dma_wait3A_348 = arith.constant 0 : i32
    %dma_wait3A_349 = arith.constant 0 : i32
    %dma_wait3A_350 = tpu.memref_slice %arg6[%dma_wait3A_348, %dma_wait3A_349] : memref<56x1024xf32, #tpu.memory_space<vmem>> -> memref<56x1024xf32, #tpu.memory_space<vmem>>
    tpu.wait_dma2 semaphore(%arg10 : memref<!tpu.dma_semaphore, #tpu.memory_space<semaphore_mem>>) src(%dma_wait3A_350 : memref<56x1024xf32, #tpu.memory_space<vmem>>) dst(%dma_wait3A_347 : memref<56x1024xf32, #tpu.memory_space<hbm>>)
    %dma_start3A_351 = arith.constant 0 : i32
    %dma_start3A_352 = arith.constant 0 : i32
    %dma_start3A_353 = tpu.memref_slice %arg6[%dma_start3A_351, %dma_start3A_352] : memref<56x1024xf32, #tpu.memory_space<vmem>> -> memref<56x1024xf32, #tpu.memory_space<vmem>>
    %dma_start3A_354 = arith.constant 560 : i32
    %dma_start3A_355 = tpu.memref_slice %arg5[%dma_start3A_354] : memref<1024xi32, #tpu.memory_space<vmem>> -> memref<56xi32, #tpu.memory_space<vmem>>
    %dma_start3A_356 = arith.constant 0 : i32
    %dma_start3A_357 = arith.constant 0 : i32
    %dma_start3A_358 = tpu.memref_slice %arg2[%dma_start3A_356, %dma_start3A_357] : memref<8192x1024xf32, #tpu.memory_space<hbm>> -> memref<8192x1024xf32, #tpu.memory_space<hbm>>
    tpu.enqueue_indirect_dma source(%dma_start3A_358 : memref<8192x1024xf32, #tpu.memory_space<hbm>>) target(%dma_start3A_353 : memref<56x1024xf32, #tpu.memory_space<vmem>>) offsets(%dma_start3A_355 : memref<56xi32, #tpu.memory_space<vmem>>) semaphore(%arg8 : memref<!tpu.dma_semaphore, #tpu.memory_space<semaphore_mem>>)
    %dma_wait3A_359 = arith.constant 0 : i32
    %dma_wait3A_360 = arith.constant 0 : i32
    %dma_wait3A_361 = tpu.memref_slice %arg7[%dma_wait3A_359, %dma_wait3A_360] : memref<56x1024xf32, #tpu.memory_space<vmem>> -> memref<56x1024xf32, #tpu.memory_space<vmem>>
    %dma_wait3A_362 = arith.constant 0 : i32
    %dma_wait3A_363 = tpu.memref_slice %arg5[%dma_wait3A_362] : memref<1024xi32, #tpu.memory_space<vmem>> -> memref<56xi32, #tpu.memory_space<vmem>>
    %dma_wait3A_364 = arith.constant 0 : i32
    %dma_wait3A_365 = arith.constant 0 : i32
    %dma_wait3A_366 = tpu.memref_slice %arg2[%dma_wait3A_364, %dma_wait3A_365] : memref<8192x1024xf32, #tpu.memory_space<hbm>> -> memref<8192x1024xf32, #tpu.memory_space<hbm>>
    tpu.wait_indirect_dma semaphore(%arg9 : memref<!tpu.dma_semaphore, #tpu.memory_space<semaphore_mem>>) src(%dma_wait3A_366 : memref<8192x1024xf32, #tpu.memory_space<hbm>>) dst(%dma_wait3A_361 : memref<56x1024xf32, #tpu.memory_space<vmem>>)
    %add3A_367 = arith.constant 504 : i32
    %add3A_368 = arith.addi %mul3A_2, %add3A_367 : i32
    %dma_start3A_369 = arith.constant 0 : i32
    %dma_start3A_370 = arith.constant 0 : i32
    %dma_start3A_371 = tpu.memref_slice %arg7[%dma_start3A_369, %dma_start3A_370] : memref<56x1024xf32, #tpu.memory_space<vmem>> -> memref<56x1024xf32, #tpu.memory_space<vmem>>
    %dma_start3A_372 = arith.constant 0 : i32
    %dma_start3A_373 = tpu.memref_slice %arg4[%add3A_368, %dma_start3A_372] : memref<32768x1024xf32, #tpu.memory_space<hbm>> -> memref<56x1024xf32, #tpu.memory_space<hbm>>
    %dma_start3A_374 = arith.constant 0 : i32
    %dma_start3A_375 = tpu.memref_slice %arg4[%add3A_368, %dma_start3A_374] : memref<32768x1024xf32, #tpu.memory_space<hbm>> -> memref<56x1024xf32, #tpu.memory_space<hbm>>
    %dma_start3A_376 = arith.constant 0 : i32
    %dma_start3A_377 = arith.constant 0 : i32
    %dma_start3A_378 = tpu.memref_slice %arg7[%dma_start3A_376, %dma_start3A_377] : memref<56x1024xf32, #tpu.memory_space<vmem>> -> memref<56x1024xf32, #tpu.memory_space<vmem>>
    tpu.enqueue_dma source(%dma_start3A_378 : memref<56x1024xf32, #tpu.memory_space<vmem>>) target(%dma_start3A_375 : memref<56x1024xf32, #tpu.memory_space<hbm>>) target_semaphore(%arg11 : memref<!tpu.dma_semaphore, #tpu.memory_space<semaphore_mem>>)
    %dma_wait3A_379 = arith.constant 0 : i32
    %dma_wait3A_380 = arith.constant 0 : i32
    %dma_wait3A_381 = tpu.memref_slice %arg7[%dma_wait3A_379, %dma_wait3A_380] : memref<56x1024xf32, #tpu.memory_space<vmem>> -> memref<56x1024xf32, #tpu.memory_space<vmem>>
    %dma_wait3A_382 = arith.constant 0 : i32
    %dma_wait3A_383 = tpu.memref_slice %arg4[%mul3A_2, %dma_wait3A_382] : memref<32768x1024xf32, #tpu.memory_space<hbm>> -> memref<56x1024xf32, #tpu.memory_space<hbm>>
    %dma_wait3A_384 = arith.constant 0 : i32
    %dma_wait3A_385 = tpu.memref_slice %arg4[%mul3A_2, %dma_wait3A_384] : memref<32768x1024xf32, #tpu.memory_space<hbm>> -> memref<56x1024xf32, #tpu.memory_space<hbm>>
    %dma_wait3A_386 = arith.constant 0 : i32
    %dma_wait3A_387 = arith.constant 0 : i32
    %dma_wait3A_388 = tpu.memref_slice %arg7[%dma_wait3A_386, %dma_wait3A_387] : memref<56x1024xf32, #tpu.memory_space<vmem>> -> memref<56x1024xf32, #tpu.memory_space<vmem>>
    tpu.wait_dma2 semaphore(%arg11 : memref<!tpu.dma_semaphore, #tpu.memory_space<semaphore_mem>>) src(%dma_wait3A_388 : memref<56x1024xf32, #tpu.memory_space<vmem>>) dst(%dma_wait3A_385 : memref<56x1024xf32, #tpu.memory_space<hbm>>)
    %dma_start3A_389 = arith.constant 0 : i32
    %dma_start3A_390 = arith.constant 0 : i32
    %dma_start3A_391 = tpu.memref_slice %arg7[%dma_start3A_389, %dma_start3A_390] : memref<56x1024xf32, #tpu.memory_space<vmem>> -> memref<56x1024xf32, #tpu.memory_space<vmem>>
    %dma_start3A_392 = arith.constant 616 : i32
    %dma_start3A_393 = tpu.memref_slice %arg5[%dma_start3A_392] : memref<1024xi32, #tpu.memory_space<vmem>> -> memref<56xi32, #tpu.memory_space<vmem>>
    %dma_start3A_394 = arith.constant 0 : i32
    %dma_start3A_395 = arith.constant 0 : i32
    %dma_start3A_396 = tpu.memref_slice %arg2[%dma_start3A_394, %dma_start3A_395] : memref<8192x1024xf32, #tpu.memory_space<hbm>> -> memref<8192x1024xf32, #tpu.memory_space<hbm>>
    tpu.enqueue_indirect_dma source(%dma_start3A_396 : memref<8192x1024xf32, #tpu.memory_space<hbm>>) target(%dma_start3A_391 : memref<56x1024xf32, #tpu.memory_space<vmem>>) offsets(%dma_start3A_393 : memref<56xi32, #tpu.memory_space<vmem>>) semaphore(%arg9 : memref<!tpu.dma_semaphore, #tpu.memory_space<semaphore_mem>>)
    %dma_wait3A_397 = arith.constant 0 : i32
    %dma_wait3A_398 = arith.constant 0 : i32
    %dma_wait3A_399 = tpu.memref_slice %arg6[%dma_wait3A_397, %dma_wait3A_398] : memref<56x1024xf32, #tpu.memory_space<vmem>> -> memref<56x1024xf32, #tpu.memory_space<vmem>>
    %dma_wait3A_400 = arith.constant 0 : i32
    %dma_wait3A_401 = tpu.memref_slice %arg5[%dma_wait3A_400] : memref<1024xi32, #tpu.memory_space<vmem>> -> memref<56xi32, #tpu.memory_space<vmem>>
    %dma_wait3A_402 = arith.constant 0 : i32
    %dma_wait3A_403 = arith.constant 0 : i32
    %dma_wait3A_404 = tpu.memref_slice %arg2[%dma_wait3A_402, %dma_wait3A_403] : memref<8192x1024xf32, #tpu.memory_space<hbm>> -> memref<8192x1024xf32, #tpu.memory_space<hbm>>
    tpu.wait_indirect_dma semaphore(%arg8 : memref<!tpu.dma_semaphore, #tpu.memory_space<semaphore_mem>>) src(%dma_wait3A_404 : memref<8192x1024xf32, #tpu.memory_space<hbm>>) dst(%dma_wait3A_399 : memref<56x1024xf32, #tpu.memory_space<vmem>>)
    %add3A_405 = arith.constant 560 : i32
    %add3A_406 = arith.addi %mul3A_2, %add3A_405 : i32
    %dma_start3A_407 = arith.constant 0 : i32
    %dma_start3A_408 = arith.constant 0 : i32
    %dma_start3A_409 = tpu.memref_slice %arg6[%dma_start3A_407, %dma_start3A_408] : memref<56x1024xf32, #tpu.memory_space<vmem>> -> memref<56x1024xf32, #tpu.memory_space<vmem>>
    %dma_start3A_410 = arith.constant 0 : i32
    %dma_start3A_411 = tpu.memref_slice %arg4[%add3A_406, %dma_start3A_410] : memref<32768x1024xf32, #tpu.memory_space<hbm>> -> memref<56x1024xf32, #tpu.memory_space<hbm>>
    %dma_start3A_412 = arith.constant 0 : i32
    %dma_start3A_413 = tpu.memref_slice %arg4[%add3A_406, %dma_start3A_412] : memref<32768x1024xf32, #tpu.memory_space<hbm>> -> memref<56x1024xf32, #tpu.memory_space<hbm>>
    %dma_start3A_414 = arith.constant 0 : i32
    %dma_start3A_415 = arith.constant 0 : i32
    %dma_start3A_416 = tpu.memref_slice %arg6[%dma_start3A_414, %dma_start3A_415] : memref<56x1024xf32, #tpu.memory_space<vmem>> -> memref<56x1024xf32, #tpu.memory_space<vmem>>
    tpu.enqueue_dma source(%dma_start3A_416 : memref<56x1024xf32, #tpu.memory_space<vmem>>) target(%dma_start3A_413 : memref<56x1024xf32, #tpu.memory_space<hbm>>) target_semaphore(%arg10 : memref<!tpu.dma_semaphore, #tpu.memory_space<semaphore_mem>>)
    %dma_wait3A_417 = arith.constant 0 : i32
    %dma_wait3A_418 = arith.constant 0 : i32
    %dma_wait3A_419 = tpu.memref_slice %arg6[%dma_wait3A_417, %dma_wait3A_418] : memref<56x1024xf32, #tpu.memory_space<vmem>> -> memref<56x1024xf32, #tpu.memory_space<vmem>>
    %dma_wait3A_420 = arith.constant 0 : i32
    %dma_wait3A_421 = tpu.memref_slice %arg4[%mul3A_2, %dma_wait3A_420] : memref<32768x1024xf32, #tpu.memory_space<hbm>> -> memref<56x1024xf32, #tpu.memory_space<hbm>>
    %dma_wait3A_422 = arith.constant 0 : i32
    %dma_wait3A_423 = tpu.memref_slice %arg4[%mul3A_2, %dma_wait3A_422] : memref<32768x1024xf32, #tpu.memory_space<hbm>> -> memref<56x1024xf32, #tpu.memory_space<hbm>>
    %dma_wait3A_424 = arith.constant 0 : i32
    %dma_wait3A_425 = arith.constant 0 : i32
    %dma_wait3A_426 = tpu.memref_slice %arg6[%dma_wait3A_424, %dma_wait3A_425] : memref<56x1024xf32, #tpu.memory_space<vmem>> -> memref<56x1024xf32, #tpu.memory_space<vmem>>
    tpu.wait_dma2 semaphore(%arg10 : memref<!tpu.dma_semaphore, #tpu.memory_space<semaphore_mem>>) src(%dma_wait3A_426 : memref<56x1024xf32, #tpu.memory_space<vmem>>) dst(%dma_wait3A_423 : memref<56x1024xf32, #tpu.memory_space<hbm>>)
    %dma_start3A_427 = arith.constant 0 : i32
    %dma_start3A_428 = arith.constant 0 : i32
    %dma_start3A_429 = tpu.memref_slice %arg6[%dma_start3A_427, %dma_start3A_428] : memref<56x1024xf32, #tpu.memory_space<vmem>> -> memref<56x1024xf32, #tpu.memory_space<vmem>>
    %dma_start3A_430 = arith.constant 672 : i32
    %dma_start3A_431 = tpu.memref_slice %arg5[%dma_start3A_430] : memref<1024xi32, #tpu.memory_space<vmem>> -> memref<56xi32, #tpu.memory_space<vmem>>
    %dma_start3A_432 = arith.constant 0 : i32
    %dma_start3A_433 = arith.constant 0 : i32
    %dma_start3A_434 = tpu.memref_slice %arg2[%dma_start3A_432, %dma_start3A_433] : memref<8192x1024xf32, #tpu.memory_space<hbm>> -> memref<8192x1024xf32, #tpu.memory_space<hbm>>
    tpu.enqueue_indirect_dma source(%dma_start3A_434 : memref<8192x1024xf32, #tpu.memory_space<hbm>>) target(%dma_start3A_429 : memref<56x1024xf32, #tpu.memory_space<vmem>>) offsets(%dma_start3A_431 : memref<56xi32, #tpu.memory_space<vmem>>) semaphore(%arg8 : memref<!tpu.dma_semaphore, #tpu.memory_space<semaphore_mem>>)
    %dma_wait3A_435 = arith.constant 0 : i32
    %dma_wait3A_436 = arith.constant 0 : i32
    %dma_wait3A_437 = tpu.memref_slice %arg7[%dma_wait3A_435, %dma_wait3A_436] : memref<56x1024xf32, #tpu.memory_space<vmem>> -> memref<56x1024xf32, #tpu.memory_space<vmem>>
    %dma_wait3A_438 = arith.constant 0 : i32
    %dma_wait3A_439 = tpu.memref_slice %arg5[%dma_wait3A_438] : memref<1024xi32, #tpu.memory_space<vmem>> -> memref<56xi32, #tpu.memory_space<vmem>>
    %dma_wait3A_440 = arith.constant 0 : i32
    %dma_wait3A_441 = arith.constant 0 : i32
    %dma_wait3A_442 = tpu.memref_slice %arg2[%dma_wait3A_440, %dma_wait3A_441] : memref<8192x1024xf32, #tpu.memory_space<hbm>> -> memref<8192x1024xf32, #tpu.memory_space<hbm>>
    tpu.wait_indirect_dma semaphore(%arg9 : memref<!tpu.dma_semaphore, #tpu.memory_space<semaphore_mem>>) src(%dma_wait3A_442 : memref<8192x1024xf32, #tpu.memory_space<hbm>>) dst(%dma_wait3A_437 : memref<56x1024xf32, #tpu.memory_space<vmem>>)
    %add3A_443 = arith.constant 616 : i32
    %add3A_444 = arith.addi %mul3A_2, %add3A_443 : i32
    %dma_start3A_445 = arith.constant 0 : i32
    %dma_start3A_446 = arith.constant 0 : i32
    %dma_start3A_447 = tpu.memref_slice %arg7[%dma_start3A_445, %dma_start3A_446] : memref<56x1024xf32, #tpu.memory_space<vmem>> -> memref<56x1024xf32, #tpu.memory_space<vmem>>
    %dma_start3A_448 = arith.constant 0 : i32
    %dma_start3A_449 = tpu.memref_slice %arg4[%add3A_444, %dma_start3A_448] : memref<32768x1024xf32, #tpu.memory_space<hbm>> -> memref<56x1024xf32, #tpu.memory_space<hbm>>
    %dma_start3A_450 = arith.constant 0 : i32
    %dma_start3A_451 = tpu.memref_slice %arg4[%add3A_444, %dma_start3A_450] : memref<32768x1024xf32, #tpu.memory_space<hbm>> -> memref<56x1024xf32, #tpu.memory_space<hbm>>
    %dma_start3A_452 = arith.constant 0 : i32
    %dma_start3A_453 = arith.constant 0 : i32
    %dma_start3A_454 = tpu.memref_slice %arg7[%dma_start3A_452, %dma_start3A_453] : memref<56x1024xf32, #tpu.memory_space<vmem>> -> memref<56x1024xf32, #tpu.memory_space<vmem>>
    tpu.enqueue_dma source(%dma_start3A_454 : memref<56x1024xf32, #tpu.memory_space<vmem>>) target(%dma_start3A_451 : memref<56x1024xf32, #tpu.memory_space<hbm>>) target_semaphore(%arg11 : memref<!tpu.dma_semaphore, #tpu.memory_space<semaphore_mem>>)
    %dma_wait3A_455 = arith.constant 0 : i32
    %dma_wait3A_456 = arith.constant 0 : i32
    %dma_wait3A_457 = tpu.memref_slice %arg7[%dma_wait3A_455, %dma_wait3A_456] : memref<56x1024xf32, #tpu.memory_space<vmem>> -> memref<56x1024xf32, #tpu.memory_space<vmem>>
    %dma_wait3A_458 = arith.constant 0 : i32
    %dma_wait3A_459 = tpu.memref_slice %arg4[%mul3A_2, %dma_wait3A_458] : memref<32768x1024xf32, #tpu.memory_space<hbm>> -> memref<56x1024xf32, #tpu.memory_space<hbm>>
    %dma_wait3A_460 = arith.constant 0 : i32
    %dma_wait3A_461 = tpu.memref_slice %arg4[%mul3A_2, %dma_wait3A_460] : memref<32768x1024xf32, #tpu.memory_space<hbm>> -> memref<56x1024xf32, #tpu.memory_space<hbm>>
    %dma_wait3A_462 = arith.constant 0 : i32
    %dma_wait3A_463 = arith.constant 0 : i32
    %dma_wait3A_464 = tpu.memref_slice %arg7[%dma_wait3A_462, %dma_wait3A_463] : memref<56x1024xf32, #tpu.memory_space<vmem>> -> memref<56x1024xf32, #tpu.memory_space<vmem>>
    tpu.wait_dma2 semaphore(%arg11 : memref<!tpu.dma_semaphore, #tpu.memory_space<semaphore_mem>>) src(%dma_wait3A_464 : memref<56x1024xf32, #tpu.memory_space<vmem>>) dst(%dma_wait3A_461 : memref<56x1024xf32, #tpu.memory_space<hbm>>)
    %dma_start3A_465 = arith.constant 0 : i32
    %dma_start3A_466 = arith.constant 0 : i32
    %dma_start3A_467 = tpu.memref_slice %arg7[%dma_start3A_465, %dma_start3A_466] : memref<56x1024xf32, #tpu.memory_space<vmem>> -> memref<56x1024xf32, #tpu.memory_space<vmem>>
    %dma_start3A_468 = arith.constant 728 : i32
    %dma_start3A_469 = tpu.memref_slice %arg5[%dma_start3A_468] : memref<1024xi32, #tpu.memory_space<vmem>> -> memref<56xi32, #tpu.memory_space<vmem>>
    %dma_start3A_470 = arith.constant 0 : i32
    %dma_start3A_471 = arith.constant 0 : i32
    %dma_start3A_472 = tpu.memref_slice %arg2[%dma_start3A_470, %dma_start3A_471] : memref<8192x1024xf32, #tpu.memory_space<hbm>> -> memref<8192x1024xf32, #tpu.memory_space<hbm>>
    tpu.enqueue_indirect_dma source(%dma_start3A_472 : memref<8192x1024xf32, #tpu.memory_space<hbm>>) target(%dma_start3A_467 : memref<56x1024xf32, #tpu.memory_space<vmem>>) offsets(%dma_start3A_469 : memref<56xi32, #tpu.memory_space<vmem>>) semaphore(%arg9 : memref<!tpu.dma_semaphore, #tpu.memory_space<semaphore_mem>>)
    %dma_wait3A_473 = arith.constant 0 : i32
    %dma_wait3A_474 = arith.constant 0 : i32
    %dma_wait3A_475 = tpu.memref_slice %arg6[%dma_wait3A_473, %dma_wait3A_474] : memref<56x1024xf32, #tpu.memory_space<vmem>> -> memref<56x1024xf32, #tpu.memory_space<vmem>>
    %dma_wait3A_476 = arith.constant 0 : i32
    %dma_wait3A_477 = tpu.memref_slice %arg5[%dma_wait3A_476] : memref<1024xi32, #tpu.memory_space<vmem>> -> memref<56xi32, #tpu.memory_space<vmem>>
    %dma_wait3A_478 = arith.constant 0 : i32
    %dma_wait3A_479 = arith.constant 0 : i32
    %dma_wait3A_480 = tpu.memref_slice %arg2[%dma_wait3A_478, %dma_wait3A_479] : memref<8192x1024xf32, #tpu.memory_space<hbm>> -> memref<8192x1024xf32, #tpu.memory_space<hbm>>
    tpu.wait_indirect_dma semaphore(%arg8 : memref<!tpu.dma_semaphore, #tpu.memory_space<semaphore_mem>>) src(%dma_wait3A_480 : memref<8192x1024xf32, #tpu.memory_space<hbm>>) dst(%dma_wait3A_475 : memref<56x1024xf32, #tpu.memory_space<vmem>>)
    %add3A_481 = arith.constant 672 : i32
    %add3A_482 = arith.addi %mul3A_2, %add3A_481 : i32
    %dma_start3A_483 = arith.constant 0 : i32
    %dma_start3A_484 = arith.constant 0 : i32
    %dma_start3A_485 = tpu.memref_slice %arg6[%dma_start3A_483, %dma_start3A_484] : memref<56x1024xf32, #tpu.memory_space<vmem>> -> memref<56x1024xf32, #tpu.memory_space<vmem>>
    %dma_start3A_486 = arith.constant 0 : i32
    %dma_start3A_487 = tpu.memref_slice %arg4[%add3A_482, %dma_start3A_486] : memref<32768x1024xf32, #tpu.memory_space<hbm>> -> memref<56x1024xf32, #tpu.memory_space<hbm>>
    %dma_start3A_488 = arith.constant 0 : i32
    %dma_start3A_489 = tpu.memref_slice %arg4[%add3A_482, %dma_start3A_488] : memref<32768x1024xf32, #tpu.memory_space<hbm>> -> memref<56x1024xf32, #tpu.memory_space<hbm>>
    %dma_start3A_490 = arith.constant 0 : i32
    %dma_start3A_491 = arith.constant 0 : i32
    %dma_start3A_492 = tpu.memref_slice %arg6[%dma_start3A_490, %dma_start3A_491] : memref<56x1024xf32, #tpu.memory_space<vmem>> -> memref<56x1024xf32, #tpu.memory_space<vmem>>
    tpu.enqueue_dma source(%dma_start3A_492 : memref<56x1024xf32, #tpu.memory_space<vmem>>) target(%dma_start3A_489 : memref<56x1024xf32, #tpu.memory_space<hbm>>) target_semaphore(%arg10 : memref<!tpu.dma_semaphore, #tpu.memory_space<semaphore_mem>>)
    %dma_wait3A_493 = arith.constant 0 : i32
    %dma_wait3A_494 = arith.constant 0 : i32
    %dma_wait3A_495 = tpu.memref_slice %arg6[%dma_wait3A_493, %dma_wait3A_494] : memref<56x1024xf32, #tpu.memory_space<vmem>> -> memref<56x1024xf32, #tpu.memory_space<vmem>>
    %dma_wait3A_496 = arith.constant 0 : i32
    %dma_wait3A_497 = tpu.memref_slice %arg4[%mul3A_2, %dma_wait3A_496] : memref<32768x1024xf32, #tpu.memory_space<hbm>> -> memref<56x1024xf32, #tpu.memory_space<hbm>>
    %dma_wait3A_498 = arith.constant 0 : i32
    %dma_wait3A_499 = tpu.memref_slice %arg4[%mul3A_2, %dma_wait3A_498] : memref<32768x1024xf32, #tpu.memory_space<hbm>> -> memref<56x1024xf32, #tpu.memory_space<hbm>>
    %dma_wait3A_500 = arith.constant 0 : i32
    %dma_wait3A_501 = arith.constant 0 : i32
    %dma_wait3A_502 = tpu.memref_slice %arg6[%dma_wait3A_500, %dma_wait3A_501] : memref<56x1024xf32, #tpu.memory_space<vmem>> -> memref<56x1024xf32, #tpu.memory_space<vmem>>
    tpu.wait_dma2 semaphore(%arg10 : memref<!tpu.dma_semaphore, #tpu.memory_space<semaphore_mem>>) src(%dma_wait3A_502 : memref<56x1024xf32, #tpu.memory_space<vmem>>) dst(%dma_wait3A_499 : memref<56x1024xf32, #tpu.memory_space<hbm>>)
    %dma_start3A_503 = arith.constant 0 : i32
    %dma_start3A_504 = arith.constant 0 : i32
    %dma_start3A_505 = tpu.memref_slice %arg6[%dma_start3A_503, %dma_start3A_504] : memref<56x1024xf32, #tpu.memory_space<vmem>> -> memref<56x1024xf32, #tpu.memory_space<vmem>>
    %dma_start3A_506 = arith.constant 784 : i32
    %dma_start3A_507 = tpu.memref_slice %arg5[%dma_start3A_506] : memref<1024xi32, #tpu.memory_space<vmem>> -> memref<56xi32, #tpu.memory_space<vmem>>
    %dma_start3A_508 = arith.constant 0 : i32
    %dma_start3A_509 = arith.constant 0 : i32
    %dma_start3A_510 = tpu.memref_slice %arg2[%dma_start3A_508, %dma_start3A_509] : memref<8192x1024xf32, #tpu.memory_space<hbm>> -> memref<8192x1024xf32, #tpu.memory_space<hbm>>
    tpu.enqueue_indirect_dma source(%dma_start3A_510 : memref<8192x1024xf32, #tpu.memory_space<hbm>>) target(%dma_start3A_505 : memref<56x1024xf32, #tpu.memory_space<vmem>>) offsets(%dma_start3A_507 : memref<56xi32, #tpu.memory_space<vmem>>) semaphore(%arg8 : memref<!tpu.dma_semaphore, #tpu.memory_space<semaphore_mem>>)
    %dma_wait3A_511 = arith.constant 0 : i32
    %dma_wait3A_512 = arith.constant 0 : i32
    %dma_wait3A_513 = tpu.memref_slice %arg7[%dma_wait3A_511, %dma_wait3A_512] : memref<56x1024xf32, #tpu.memory_space<vmem>> -> memref<56x1024xf32, #tpu.memory_space<vmem>>
    %dma_wait3A_514 = arith.constant 0 : i32
    %dma_wait3A_515 = tpu.memref_slice %arg5[%dma_wait3A_514] : memref<1024xi32, #tpu.memory_space<vmem>> -> memref<56xi32, #tpu.memory_space<vmem>>
    %dma_wait3A_516 = arith.constant 0 : i32
    %dma_wait3A_517 = arith.constant 0 : i32
    %dma_wait3A_518 = tpu.memref_slice %arg2[%dma_wait3A_516, %dma_wait3A_517] : memref<8192x1024xf32, #tpu.memory_space<hbm>> -> memref<8192x1024xf32, #tpu.memory_space<hbm>>
    tpu.wait_indirect_dma semaphore(%arg9 : memref<!tpu.dma_semaphore, #tpu.memory_space<semaphore_mem>>) src(%dma_wait3A_518 : memref<8192x1024xf32, #tpu.memory_space<hbm>>) dst(%dma_wait3A_513 : memref<56x1024xf32, #tpu.memory_space<vmem>>)
    %add3A_519 = arith.constant 728 : i32
    %add3A_520 = arith.addi %mul3A_2, %add3A_519 : i32
    %dma_start3A_521 = arith.constant 0 : i32
    %dma_start3A_522 = arith.constant 0 : i32
    %dma_start3A_523 = tpu.memref_slice %arg7[%dma_start3A_521, %dma_start3A_522] : memref<56x1024xf32, #tpu.memory_space<vmem>> -> memref<56x1024xf32, #tpu.memory_space<vmem>>
    %dma_start3A_524 = arith.constant 0 : i32
    %dma_start3A_525 = tpu.memref_slice %arg4[%add3A_520, %dma_start3A_524] : memref<32768x1024xf32, #tpu.memory_space<hbm>> -> memref<56x1024xf32, #tpu.memory_space<hbm>>
    %dma_start3A_526 = arith.constant 0 : i32
    %dma_start3A_527 = tpu.memref_slice %arg4[%add3A_520, %dma_start3A_526] : memref<32768x1024xf32, #tpu.memory_space<hbm>> -> memref<56x1024xf32, #tpu.memory_space<hbm>>
    %dma_start3A_528 = arith.constant 0 : i32
    %dma_start3A_529 = arith.constant 0 : i32
    %dma_start3A_530 = tpu.memref_slice %arg7[%dma_start3A_528, %dma_start3A_529] : memref<56x1024xf32, #tpu.memory_space<vmem>> -> memref<56x1024xf32, #tpu.memory_space<vmem>>
    tpu.enqueue_dma source(%dma_start3A_530 : memref<56x1024xf32, #tpu.memory_space<vmem>>) target(%dma_start3A_527 : memref<56x1024xf32, #tpu.memory_space<hbm>>) target_semaphore(%arg11 : memref<!tpu.dma_semaphore, #tpu.memory_space<semaphore_mem>>)
    %dma_wait3A_531 = arith.constant 0 : i32
    %dma_wait3A_532 = arith.constant 0 : i32
    %dma_wait3A_533 = tpu.memref_slice %arg7[%dma_wait3A_531, %dma_wait3A_532] : memref<56x1024xf32, #tpu.memory_space<vmem>> -> memref<56x1024xf32, #tpu.memory_space<vmem>>
    %dma_wait3A_534 = arith.constant 0 : i32
    %dma_wait3A_535 = tpu.memref_slice %arg4[%mul3A_2, %dma_wait3A_534] : memref<32768x1024xf32, #tpu.memory_space<hbm>> -> memref<56x1024xf32, #tpu.memory_space<hbm>>
    %dma_wait3A_536 = arith.constant 0 : i32
    %dma_wait3A_537 = tpu.memref_slice %arg4[%mul3A_2, %dma_wait3A_536] : memref<32768x1024xf32, #tpu.memory_space<hbm>> -> memref<56x1024xf32, #tpu.memory_space<hbm>>
    %dma_wait3A_538 = arith.constant 0 : i32
    %dma_wait3A_539 = arith.constant 0 : i32
    %dma_wait3A_540 = tpu.memref_slice %arg7[%dma_wait3A_538, %dma_wait3A_539] : memref<56x1024xf32, #tpu.memory_space<vmem>> -> memref<56x1024xf32, #tpu.memory_space<vmem>>
    tpu.wait_dma2 semaphore(%arg11 : memref<!tpu.dma_semaphore, #tpu.memory_space<semaphore_mem>>) src(%dma_wait3A_540 : memref<56x1024xf32, #tpu.memory_space<vmem>>) dst(%dma_wait3A_537 : memref<56x1024xf32, #tpu.memory_space<hbm>>)
    %dma_start3A_541 = arith.constant 0 : i32
    %dma_start3A_542 = arith.constant 0 : i32
    %dma_start3A_543 = tpu.memref_slice %arg7[%dma_start3A_541, %dma_start3A_542] : memref<56x1024xf32, #tpu.memory_space<vmem>> -> memref<56x1024xf32, #tpu.memory_space<vmem>>
    %dma_start3A_544 = arith.constant 840 : i32
    %dma_start3A_545 = tpu.memref_slice %arg5[%dma_start3A_544] : memref<1024xi32, #tpu.memory_space<vmem>> -> memref<56xi32, #tpu.memory_space<vmem>>
    %dma_start3A_546 = arith.constant 0 : i32
    %dma_start3A_547 = arith.constant 0 : i32
    %dma_start3A_548 = tpu.memref_slice %arg2[%dma_start3A_546, %dma_start3A_547] : memref<8192x1024xf32, #tpu.memory_space<hbm>> -> memref<8192x1024xf32, #tpu.memory_space<hbm>>
    tpu.enqueue_indirect_dma source(%dma_start3A_548 : memref<8192x1024xf32, #tpu.memory_space<hbm>>) target(%dma_start3A_543 : memref<56x1024xf32, #tpu.memory_space<vmem>>) offsets(%dma_start3A_545 : memref<56xi32, #tpu.memory_space<vmem>>) semaphore(%arg9 : memref<!tpu.dma_semaphore, #tpu.memory_space<semaphore_mem>>)
    %dma_wait3A_549 = arith.constant 0 : i32
    %dma_wait3A_550 = arith.constant 0 : i32
    %dma_wait3A_551 = tpu.memref_slice %arg6[%dma_wait3A_549, %dma_wait3A_550] : memref<56x1024xf32, #tpu.memory_space<vmem>> -> memref<56x1024xf32, #tpu.memory_space<vmem>>
    %dma_wait3A_552 = arith.constant 0 : i32
    %dma_wait3A_553 = tpu.memref_slice %arg5[%dma_wait3A_552] : memref<1024xi32, #tpu.memory_space<vmem>> -> memref<56xi32, #tpu.memory_space<vmem>>
    %dma_wait3A_554 = arith.constant 0 : i32
    %dma_wait3A_555 = arith.constant 0 : i32
    %dma_wait3A_556 = tpu.memref_slice %arg2[%dma_wait3A_554, %dma_wait3A_555] : memref<8192x1024xf32, #tpu.memory_space<hbm>> -> memref<8192x1024xf32, #tpu.memory_space<hbm>>
    tpu.wait_indirect_dma semaphore(%arg8 : memref<!tpu.dma_semaphore, #tpu.memory_space<semaphore_mem>>) src(%dma_wait3A_556 : memref<8192x1024xf32, #tpu.memory_space<hbm>>) dst(%dma_wait3A_551 : memref<56x1024xf32, #tpu.memory_space<vmem>>)
    %add3A_557 = arith.constant 784 : i32
    %add3A_558 = arith.addi %mul3A_2, %add3A_557 : i32
    %dma_start3A_559 = arith.constant 0 : i32
    %dma_start3A_560 = arith.constant 0 : i32
    %dma_start3A_561 = tpu.memref_slice %arg6[%dma_start3A_559, %dma_start3A_560] : memref<56x1024xf32, #tpu.memory_space<vmem>> -> memref<56x1024xf32, #tpu.memory_space<vmem>>
    %dma_start3A_562 = arith.constant 0 : i32
    %dma_start3A_563 = tpu.memref_slice %arg4[%add3A_558, %dma_start3A_562] : memref<32768x1024xf32, #tpu.memory_space<hbm>> -> memref<56x1024xf32, #tpu.memory_space<hbm>>
    %dma_start3A_564 = arith.constant 0 : i32
    %dma_start3A_565 = tpu.memref_slice %arg4[%add3A_558, %dma_start3A_564] : memref<32768x1024xf32, #tpu.memory_space<hbm>> -> memref<56x1024xf32, #tpu.memory_space<hbm>>
    %dma_start3A_566 = arith.constant 0 : i32
    %dma_start3A_567 = arith.constant 0 : i32
    %dma_start3A_568 = tpu.memref_slice %arg6[%dma_start3A_566, %dma_start3A_567] : memref<56x1024xf32, #tpu.memory_space<vmem>> -> memref<56x1024xf32, #tpu.memory_space<vmem>>
    tpu.enqueue_dma source(%dma_start3A_568 : memref<56x1024xf32, #tpu.memory_space<vmem>>) target(%dma_start3A_565 : memref<56x1024xf32, #tpu.memory_space<hbm>>) target_semaphore(%arg10 : memref<!tpu.dma_semaphore, #tpu.memory_space<semaphore_mem>>)
    %dma_wait3A_569 = arith.constant 0 : i32
    %dma_wait3A_570 = arith.constant 0 : i32
    %dma_wait3A_571 = tpu.memref_slice %arg6[%dma_wait3A_569, %dma_wait3A_570] : memref<56x1024xf32, #tpu.memory_space<vmem>> -> memref<56x1024xf32, #tpu.memory_space<vmem>>
    %dma_wait3A_572 = arith.constant 0 : i32
    %dma_wait3A_573 = tpu.memref_slice %arg4[%mul3A_2, %dma_wait3A_572] : memref<32768x1024xf32, #tpu.memory_space<hbm>> -> memref<56x1024xf32, #tpu.memory_space<hbm>>
    %dma_wait3A_574 = arith.constant 0 : i32
    %dma_wait3A_575 = tpu.memref_slice %arg4[%mul3A_2, %dma_wait3A_574] : memref<32768x1024xf32, #tpu.memory_space<hbm>> -> memref<56x1024xf32, #tpu.memory_space<hbm>>
    %dma_wait3A_576 = arith.constant 0 : i32
    %dma_wait3A_577 = arith.constant 0 : i32
    %dma_wait3A_578 = tpu.memref_slice %arg6[%dma_wait3A_576, %dma_wait3A_577] : memref<56x1024xf32, #tpu.memory_space<vmem>> -> memref<56x1024xf32, #tpu.memory_space<vmem>>
    tpu.wait_dma2 semaphore(%arg10 : memref<!tpu.dma_semaphore, #tpu.memory_space<semaphore_mem>>) src(%dma_wait3A_578 : memref<56x1024xf32, #tpu.memory_space<vmem>>) dst(%dma_wait3A_575 : memref<56x1024xf32, #tpu.memory_space<hbm>>)
    %dma_start3A_579 = arith.constant 0 : i32
    %dma_start3A_580 = arith.constant 0 : i32
    %dma_start3A_581 = tpu.memref_slice %arg6[%dma_start3A_579, %dma_start3A_580] : memref<56x1024xf32, #tpu.memory_space<vmem>> -> memref<56x1024xf32, #tpu.memory_space<vmem>>
    %dma_start3A_582 = arith.constant 896 : i32
    %dma_start3A_583 = tpu.memref_slice %arg5[%dma_start3A_582] : memref<1024xi32, #tpu.memory_space<vmem>> -> memref<56xi32, #tpu.memory_space<vmem>>
    %dma_start3A_584 = arith.constant 0 : i32
    %dma_start3A_585 = arith.constant 0 : i32
    %dma_start3A_586 = tpu.memref_slice %arg2[%dma_start3A_584, %dma_start3A_585] : memref<8192x1024xf32, #tpu.memory_space<hbm>> -> memref<8192x1024xf32, #tpu.memory_space<hbm>>
    tpu.enqueue_indirect_dma source(%dma_start3A_586 : memref<8192x1024xf32, #tpu.memory_space<hbm>>) target(%dma_start3A_581 : memref<56x1024xf32, #tpu.memory_space<vmem>>) offsets(%dma_start3A_583 : memref<56xi32, #tpu.memory_space<vmem>>) semaphore(%arg8 : memref<!tpu.dma_semaphore, #tpu.memory_space<semaphore_mem>>)
    %dma_wait3A_587 = arith.constant 0 : i32
    %dma_wait3A_588 = arith.constant 0 : i32
    %dma_wait3A_589 = tpu.memref_slice %arg7[%dma_wait3A_587, %dma_wait3A_588] : memref<56x1024xf32, #tpu.memory_space<vmem>> -> memref<56x1024xf32, #tpu.memory_space<vmem>>
    %dma_wait3A_590 = arith.constant 0 : i32
    %dma_wait3A_591 = tpu.memref_slice %arg5[%dma_wait3A_590] : memref<1024xi32, #tpu.memory_space<vmem>> -> memref<56xi32, #tpu.memory_space<vmem>>
    %dma_wait3A_592 = arith.constant 0 : i32
    %dma_wait3A_593 = arith.constant 0 : i32
    %dma_wait3A_594 = tpu.memref_slice %arg2[%dma_wait3A_592, %dma_wait3A_593] : memref<8192x1024xf32, #tpu.memory_space<hbm>> -> memref<8192x1024xf32, #tpu.memory_space<hbm>>
    tpu.wait_indirect_dma semaphore(%arg9 : memref<!tpu.dma_semaphore, #tpu.memory_space<semaphore_mem>>) src(%dma_wait3A_594 : memref<8192x1024xf32, #tpu.memory_space<hbm>>) dst(%dma_wait3A_589 : memref<56x1024xf32, #tpu.memory_space<vmem>>)
    %add3A_595 = arith.constant 840 : i32
    %add3A_596 = arith.addi %mul3A_2, %add3A_595 : i32
    %dma_start3A_597 = arith.constant 0 : i32
    %dma_start3A_598 = arith.constant 0 : i32
    %dma_start3A_599 = tpu.memref_slice %arg7[%dma_start3A_597, %dma_start3A_598] : memref<56x1024xf32, #tpu.memory_space<vmem>> -> memref<56x1024xf32, #tpu.memory_space<vmem>>
    %dma_start3A_600 = arith.constant 0 : i32
    %dma_start3A_601 = tpu.memref_slice %arg4[%add3A_596, %dma_start3A_600] : memref<32768x1024xf32, #tpu.memory_space<hbm>> -> memref<56x1024xf32, #tpu.memory_space<hbm>>
    %dma_start3A_602 = arith.constant 0 : i32
    %dma_start3A_603 = tpu.memref_slice %arg4[%add3A_596, %dma_start3A_602] : memref<32768x1024xf32, #tpu.memory_space<hbm>> -> memref<56x1024xf32, #tpu.memory_space<hbm>>
    %dma_start3A_604 = arith.constant 0 : i32
    %dma_start3A_605 = arith.constant 0 : i32
    %dma_start3A_606 = tpu.memref_slice %arg7[%dma_start3A_604, %dma_start3A_605] : memref<56x1024xf32, #tpu.memory_space<vmem>> -> memref<56x1024xf32, #tpu.memory_space<vmem>>
    tpu.enqueue_dma source(%dma_start3A_606 : memref<56x1024xf32, #tpu.memory_space<vmem>>) target(%dma_start3A_603 : memref<56x1024xf32, #tpu.memory_space<hbm>>) target_semaphore(%arg11 : memref<!tpu.dma_semaphore, #tpu.memory_space<semaphore_mem>>)
    %dma_wait3A_607 = arith.constant 0 : i32
    %dma_wait3A_608 = arith.constant 0 : i32
    %dma_wait3A_609 = tpu.memref_slice %arg7[%dma_wait3A_607, %dma_wait3A_608] : memref<56x1024xf32, #tpu.memory_space<vmem>> -> memref<56x1024xf32, #tpu.memory_space<vmem>>
    %dma_wait3A_610 = arith.constant 0 : i32
    %dma_wait3A_611 = tpu.memref_slice %arg4[%mul3A_2, %dma_wait3A_610] : memref<32768x1024xf32, #tpu.memory_space<hbm>> -> memref<56x1024xf32, #tpu.memory_space<hbm>>
    %dma_wait3A_612 = arith.constant 0 : i32
    %dma_wait3A_613 = tpu.memref_slice %arg4[%mul3A_2, %dma_wait3A_612] : memref<32768x1024xf32, #tpu.memory_space<hbm>> -> memref<56x1024xf32, #tpu.memory_space<hbm>>
    %dma_wait3A_614 = arith.constant 0 : i32
    %dma_wait3A_615 = arith.constant 0 : i32
    %dma_wait3A_616 = tpu.memref_slice %arg7[%dma_wait3A_614, %dma_wait3A_615] : memref<56x1024xf32, #tpu.memory_space<vmem>> -> memref<56x1024xf32, #tpu.memory_space<vmem>>
    tpu.wait_dma2 semaphore(%arg11 : memref<!tpu.dma_semaphore, #tpu.memory_space<semaphore_mem>>) src(%dma_wait3A_616 : memref<56x1024xf32, #tpu.memory_space<vmem>>) dst(%dma_wait3A_613 : memref<56x1024xf32, #tpu.memory_space<hbm>>)
    %dma_start3A_617 = arith.constant 0 : i32
    %dma_start3A_618 = arith.constant 0 : i32
    %dma_start3A_619 = tpu.memref_slice %arg7[%dma_start3A_617, %dma_start3A_618] : memref<56x1024xf32, #tpu.memory_space<vmem>> -> memref<56x1024xf32, #tpu.memory_space<vmem>>
    %dma_start3A_620 = arith.constant 952 : i32
    %dma_start3A_621 = tpu.memref_slice %arg5[%dma_start3A_620] : memref<1024xi32, #tpu.memory_space<vmem>> -> memref<56xi32, #tpu.memory_space<vmem>>
    %dma_start3A_622 = arith.constant 0 : i32
    %dma_start3A_623 = arith.constant 0 : i32
    %dma_start3A_624 = tpu.memref_slice %arg2[%dma_start3A_622, %dma_start3A_623] : memref<8192x1024xf32, #tpu.memory_space<hbm>> -> memref<8192x1024xf32, #tpu.memory_space<hbm>>
    tpu.enqueue_indirect_dma source(%dma_start3A_624 : memref<8192x1024xf32, #tpu.memory_space<hbm>>) target(%dma_start3A_619 : memref<56x1024xf32, #tpu.memory_space<vmem>>) offsets(%dma_start3A_621 : memref<56xi32, #tpu.memory_space<vmem>>) semaphore(%arg9 : memref<!tpu.dma_semaphore, #tpu.memory_space<semaphore_mem>>)
    %dma_wait3A_625 = arith.constant 0 : i32
    %dma_wait3A_626 = arith.constant 0 : i32
    %dma_wait3A_627 = tpu.memref_slice %arg6[%dma_wait3A_625, %dma_wait3A_626] : memref<56x1024xf32, #tpu.memory_space<vmem>> -> memref<56x1024xf32, #tpu.memory_space<vmem>>
    %dma_wait3A_628 = arith.constant 0 : i32
    %dma_wait3A_629 = tpu.memref_slice %arg5[%dma_wait3A_628] : memref<1024xi32, #tpu.memory_space<vmem>> -> memref<56xi32, #tpu.memory_space<vmem>>
    %dma_wait3A_630 = arith.constant 0 : i32
    %dma_wait3A_631 = arith.constant 0 : i32
    %dma_wait3A_632 = tpu.memref_slice %arg2[%dma_wait3A_630, %dma_wait3A_631] : memref<8192x1024xf32, #tpu.memory_space<hbm>> -> memref<8192x1024xf32, #tpu.memory_space<hbm>>
    tpu.wait_indirect_dma semaphore(%arg8 : memref<!tpu.dma_semaphore, #tpu.memory_space<semaphore_mem>>) src(%dma_wait3A_632 : memref<8192x1024xf32, #tpu.memory_space<hbm>>) dst(%dma_wait3A_627 : memref<56x1024xf32, #tpu.memory_space<vmem>>)
    %add3A_633 = arith.constant 896 : i32
    %add3A_634 = arith.addi %mul3A_2, %add3A_633 : i32
    %dma_start3A_635 = arith.constant 0 : i32
    %dma_start3A_636 = arith.constant 0 : i32
    %dma_start3A_637 = tpu.memref_slice %arg6[%dma_start3A_635, %dma_start3A_636] : memref<56x1024xf32, #tpu.memory_space<vmem>> -> memref<56x1024xf32, #tpu.memory_space<vmem>>
    %dma_start3A_638 = arith.constant 0 : i32
    %dma_start3A_639 = tpu.memref_slice %arg4[%add3A_634, %dma_start3A_638] : memref<32768x1024xf32, #tpu.memory_space<hbm>> -> memref<56x1024xf32, #tpu.memory_space<hbm>>
    %dma_start3A_640 = arith.constant 0 : i32
    %dma_start3A_641 = tpu.memref_slice %arg4[%add3A_634, %dma_start3A_640] : memref<32768x1024xf32, #tpu.memory_space<hbm>> -> memref<56x1024xf32, #tpu.memory_space<hbm>>
    %dma_start3A_642 = arith.constant 0 : i32
    %dma_start3A_643 = arith.constant 0 : i32
    %dma_start3A_644 = tpu.memref_slice %arg6[%dma_start3A_642, %dma_start3A_643] : memref<56x1024xf32, #tpu.memory_space<vmem>> -> memref<56x1024xf32, #tpu.memory_space<vmem>>
    tpu.enqueue_dma source(%dma_start3A_644 : memref<56x1024xf32, #tpu.memory_space<vmem>>) target(%dma_start3A_641 : memref<56x1024xf32, #tpu.memory_space<hbm>>) target_semaphore(%arg10 : memref<!tpu.dma_semaphore, #tpu.memory_space<semaphore_mem>>)
    %dma_wait3A_645 = arith.constant 0 : i32
    %dma_wait3A_646 = arith.constant 0 : i32
    %dma_wait3A_647 = tpu.memref_slice %arg6[%dma_wait3A_645, %dma_wait3A_646] : memref<56x1024xf32, #tpu.memory_space<vmem>> -> memref<56x1024xf32, #tpu.memory_space<vmem>>
    %dma_wait3A_648 = arith.constant 0 : i32
    %dma_wait3A_649 = tpu.memref_slice %arg4[%mul3A_2, %dma_wait3A_648] : memref<32768x1024xf32, #tpu.memory_space<hbm>> -> memref<56x1024xf32, #tpu.memory_space<hbm>>
    %dma_wait3A_650 = arith.constant 0 : i32
    %dma_wait3A_651 = tpu.memref_slice %arg4[%mul3A_2, %dma_wait3A_650] : memref<32768x1024xf32, #tpu.memory_space<hbm>> -> memref<56x1024xf32, #tpu.memory_space<hbm>>
    %dma_wait3A_652 = arith.constant 0 : i32
    %dma_wait3A_653 = arith.constant 0 : i32
    %dma_wait3A_654 = tpu.memref_slice %arg6[%dma_wait3A_652, %dma_wait3A_653] : memref<56x1024xf32, #tpu.memory_space<vmem>> -> memref<56x1024xf32, #tpu.memory_space<vmem>>
    tpu.wait_dma2 semaphore(%arg10 : memref<!tpu.dma_semaphore, #tpu.memory_space<semaphore_mem>>) src(%dma_wait3A_654 : memref<56x1024xf32, #tpu.memory_space<vmem>>) dst(%dma_wait3A_651 : memref<56x1024xf32, #tpu.memory_space<hbm>>)
    %dma_start3A_655 = arith.constant 0 : i32
    %dma_start3A_656 = arith.constant 0 : i32
    %dma_start3A_657 = tpu.memref_slice %arg6[%dma_start3A_655, %dma_start3A_656] : memref<56x1024xf32, #tpu.memory_space<vmem>> -> memref<16x1024xf32, #tpu.memory_space<vmem>>
    %dma_start3A_658 = arith.constant 1008 : i32
    %dma_start3A_659 = tpu.memref_slice %arg5[%dma_start3A_658] : memref<1024xi32, #tpu.memory_space<vmem>> -> memref<16xi32, #tpu.memory_space<vmem>>
    %dma_start3A_660 = arith.constant 0 : i32
    %dma_start3A_661 = arith.constant 0 : i32
    %dma_start3A_662 = tpu.memref_slice %arg2[%dma_start3A_660, %dma_start3A_661] : memref<8192x1024xf32, #tpu.memory_space<hbm>> -> memref<8192x1024xf32, #tpu.memory_space<hbm>>
    tpu.enqueue_indirect_dma source(%dma_start3A_662 : memref<8192x1024xf32, #tpu.memory_space<hbm>>) target(%dma_start3A_657 : memref<16x1024xf32, #tpu.memory_space<vmem>>) offsets(%dma_start3A_659 : memref<16xi32, #tpu.memory_space<vmem>>) semaphore(%arg8 : memref<!tpu.dma_semaphore, #tpu.memory_space<semaphore_mem>>)
    %dma_wait3A_663 = arith.constant 0 : i32
    %dma_wait3A_664 = arith.constant 0 : i32
    %dma_wait3A_665 = tpu.memref_slice %arg7[%dma_wait3A_663, %dma_wait3A_664] : memref<56x1024xf32, #tpu.memory_space<vmem>> -> memref<56x1024xf32, #tpu.memory_space<vmem>>
    %dma_wait3A_666 = arith.constant 0 : i32
    %dma_wait3A_667 = tpu.memref_slice %arg5[%dma_wait3A_666] : memref<1024xi32, #tpu.memory_space<vmem>> -> memref<56xi32, #tpu.memory_space<vmem>>
    %dma_wait3A_668 = arith.constant 0 : i32
    %dma_wait3A_669 = arith.constant 0 : i32
    %dma_wait3A_670 = tpu.memref_slice %arg2[%dma_wait3A_668, %dma_wait3A_669] : memref<8192x1024xf32, #tpu.memory_space<hbm>> -> memref<8192x1024xf32, #tpu.memory_space<hbm>>
    tpu.wait_indirect_dma semaphore(%arg9 : memref<!tpu.dma_semaphore, #tpu.memory_space<semaphore_mem>>) src(%dma_wait3A_670 : memref<8192x1024xf32, #tpu.memory_space<hbm>>) dst(%dma_wait3A_665 : memref<56x1024xf32, #tpu.memory_space<vmem>>)
    %add3A_671 = arith.constant 952 : i32
    %add3A_672 = arith.addi %mul3A_2, %add3A_671 : i32
    %dma_start3A_673 = arith.constant 0 : i32
    %dma_start3A_674 = arith.constant 0 : i32
    %dma_start3A_675 = tpu.memref_slice %arg7[%dma_start3A_673, %dma_start3A_674] : memref<56x1024xf32, #tpu.memory_space<vmem>> -> memref<56x1024xf32, #tpu.memory_space<vmem>>
    %dma_start3A_676 = arith.constant 0 : i32
    %dma_start3A_677 = tpu.memref_slice %arg4[%add3A_672, %dma_start3A_676] : memref<32768x1024xf32, #tpu.memory_space<hbm>> -> memref<56x1024xf32, #tpu.memory_space<hbm>>
    %dma_start3A_678 = arith.constant 0 : i32
    %dma_start3A_679 = tpu.memref_slice %arg4[%add3A_672, %dma_start3A_678] : memref<32768x1024xf32, #tpu.memory_space<hbm>> -> memref<56x1024xf32, #tpu.memory_space<hbm>>
    %dma_start3A_680 = arith.constant 0 : i32
    %dma_start3A_681 = arith.constant 0 : i32
    %dma_start3A_682 = tpu.memref_slice %arg7[%dma_start3A_680, %dma_start3A_681] : memref<56x1024xf32, #tpu.memory_space<vmem>> -> memref<56x1024xf32, #tpu.memory_space<vmem>>
    tpu.enqueue_dma source(%dma_start3A_682 : memref<56x1024xf32, #tpu.memory_space<vmem>>) target(%dma_start3A_679 : memref<56x1024xf32, #tpu.memory_space<hbm>>) target_semaphore(%arg11 : memref<!tpu.dma_semaphore, #tpu.memory_space<semaphore_mem>>)
    %dma_wait3A_683 = arith.constant 0 : i32
    %dma_wait3A_684 = arith.constant 0 : i32
    %dma_wait3A_685 = tpu.memref_slice %arg6[%dma_wait3A_683, %dma_wait3A_684] : memref<56x1024xf32, #tpu.memory_space<vmem>> -> memref<16x1024xf32, #tpu.memory_space<vmem>>
    %dma_wait3A_686 = arith.constant 0 : i32
    %dma_wait3A_687 = tpu.memref_slice %arg5[%dma_wait3A_686] : memref<1024xi32, #tpu.memory_space<vmem>> -> memref<16xi32, #tpu.memory_space<vmem>>
    %dma_wait3A_688 = arith.constant 0 : i32
    %dma_wait3A_689 = arith.constant 0 : i32
    %dma_wait3A_690 = tpu.memref_slice %arg2[%dma_wait3A_688, %dma_wait3A_689] : memref<8192x1024xf32, #tpu.memory_space<hbm>> -> memref<8192x1024xf32, #tpu.memory_space<hbm>>
    tpu.wait_indirect_dma semaphore(%arg8 : memref<!tpu.dma_semaphore, #tpu.memory_space<semaphore_mem>>) src(%dma_wait3A_690 : memref<8192x1024xf32, #tpu.memory_space<hbm>>) dst(%dma_wait3A_685 : memref<16x1024xf32, #tpu.memory_space<vmem>>)
    %add3A_691 = arith.constant 1008 : i32
    %add3A_692 = arith.addi %mul3A_2, %add3A_691 : i32
    %dma_start3A_693 = arith.constant 0 : i32
    %dma_start3A_694 = arith.constant 0 : i32
    %dma_start3A_695 = tpu.memref_slice %arg6[%dma_start3A_693, %dma_start3A_694] : memref<56x1024xf32, #tpu.memory_space<vmem>> -> memref<16x1024xf32, #tpu.memory_space<vmem>>
    %dma_start3A_696 = arith.constant 0 : i32
    %dma_start3A_697 = tpu.memref_slice %arg4[%add3A_692, %dma_start3A_696] : memref<32768x1024xf32, #tpu.memory_space<hbm>> -> memref<16x1024xf32, #tpu.memory_space<hbm>>
    %dma_start3A_698 = arith.constant 0 : i32
    %dma_start3A_699 = tpu.memref_slice %arg4[%add3A_692, %dma_start3A_698] : memref<32768x1024xf32, #tpu.memory_space<hbm>> -> memref<16x1024xf32, #tpu.memory_space<hbm>>
    %dma_start3A_700 = arith.constant 0 : i32
    %dma_start3A_701 = arith.constant 0 : i32
    %dma_start3A_702 = tpu.memref_slice %arg6[%dma_start3A_700, %dma_start3A_701] : memref<56x1024xf32, #tpu.memory_space<vmem>> -> memref<16x1024xf32, #tpu.memory_space<vmem>>
    tpu.enqueue_dma source(%dma_start3A_702 : memref<16x1024xf32, #tpu.memory_space<vmem>>) target(%dma_start3A_699 : memref<16x1024xf32, #tpu.memory_space<hbm>>) target_semaphore(%arg10 : memref<!tpu.dma_semaphore, #tpu.memory_space<semaphore_mem>>)
    %dma_wait3A_703 = arith.constant 0 : i32
    %dma_wait3A_704 = arith.constant 0 : i32
    %dma_wait3A_705 = tpu.memref_slice %arg6[%dma_wait3A_703, %dma_wait3A_704] : memref<56x1024xf32, #tpu.memory_space<vmem>> -> memref<16x1024xf32, #tpu.memory_space<vmem>>
    %dma_wait3A_706 = arith.constant 0 : i32
    %dma_wait3A_707 = tpu.memref_slice %arg4[%mul3A_2, %dma_wait3A_706] : memref<32768x1024xf32, #tpu.memory_space<hbm>> -> memref<16x1024xf32, #tpu.memory_space<hbm>>
    %dma_wait3A_708 = arith.constant 0 : i32
    %dma_wait3A_709 = tpu.memref_slice %arg4[%mul3A_2, %dma_wait3A_708] : memref<32768x1024xf32, #tpu.memory_space<hbm>> -> memref<16x1024xf32, #tpu.memory_space<hbm>>
    %dma_wait3A_710 = arith.constant 0 : i32
    %dma_wait3A_711 = arith.constant 0 : i32
    %dma_wait3A_712 = tpu.memref_slice %arg6[%dma_wait3A_710, %dma_wait3A_711] : memref<56x1024xf32, #tpu.memory_space<vmem>> -> memref<16x1024xf32, #tpu.memory_space<vmem>>
    tpu.wait_dma2 semaphore(%arg10 : memref<!tpu.dma_semaphore, #tpu.memory_space<semaphore_mem>>) src(%dma_wait3A_712 : memref<16x1024xf32, #tpu.memory_space<vmem>>) dst(%dma_wait3A_709 : memref<16x1024xf32, #tpu.memory_space<hbm>>)
    %dma_wait3A_713 = arith.constant 0 : i32
    %dma_wait3A_714 = arith.constant 0 : i32
    %dma_wait3A_715 = tpu.memref_slice %arg7[%dma_wait3A_713, %dma_wait3A_714] : memref<56x1024xf32, #tpu.memory_space<vmem>> -> memref<56x1024xf32, #tpu.memory_space<vmem>>
    %dma_wait3A_716 = arith.constant 0 : i32
    %dma_wait3A_717 = tpu.memref_slice %arg4[%mul3A_2, %dma_wait3A_716] : memref<32768x1024xf32, #tpu.memory_space<hbm>> -> memref<56x1024xf32, #tpu.memory_space<hbm>>
    %dma_wait3A_718 = arith.constant 0 : i32
    %dma_wait3A_719 = tpu.memref_slice %arg4[%mul3A_2, %dma_wait3A_718] : memref<32768x1024xf32, #tpu.memory_space<hbm>> -> memref<56x1024xf32, #tpu.memory_space<hbm>>
    %dma_wait3A_720 = arith.constant 0 : i32
    %dma_wait3A_721 = arith.constant 0 : i32
    %dma_wait3A_722 = tpu.memref_slice %arg7[%dma_wait3A_720, %dma_wait3A_721] : memref<56x1024xf32, #tpu.memory_space<vmem>> -> memref<56x1024xf32, #tpu.memory_space<vmem>>
    tpu.wait_dma2 semaphore(%arg11 : memref<!tpu.dma_semaphore, #tpu.memory_space<semaphore_mem>>) src(%dma_wait3A_722 : memref<56x1024xf32, #tpu.memory_space<vmem>>) dst(%dma_wait3A_719 : memref<56x1024xf32, #tpu.memory_space<hbm>>)
    return
  }
}

</mosaic_0001>

<sc_bundles>
// kernel: kernel.3.cloned.1.call-start
scs
__scs_entry_jumppad:
0x0: {  	(pc) =	sbr.rel $0x88, $3  }
0x1: {  	(tag) =	ssettag $0x0;
	lr =	simm.s32 $0x1  }
0x2: {  	[smem:$0x3F9F] =	sst lr;
	_ =	strace $0xD0000000  }
0x3: {  	_ = 	snop  }
0x4: {  	_ = 	snop  }
0x5: {  	_ = 	snop  }
0x6: {  	_ = 	snop  }
0x7: {  	_ = 	snop  }
__scs_overlays_trampoline_lowered:
0x8: {  	[smem:$0x3FAE] =	sst s0  }
0x9: {  	[smem:$0x3FAF] =	sst s1  }
0xa: {  	[smem:$0x3FB0] =	sst s2  }
0xb: {  	[smem:$0x3FB1] =	sst s3  }
0xc: {  	[smem:$0x3FB2] =	sst s4  }
0xd: {  	[smem:$0x3FB3] =	sst s5  }
0xe: {  	[smem:$0x3FB4] =	sst s6  }
0xf: {  	[smem:$0x3FB5] =	sst s7  }
0x10: {  	[smem:$0x3FB6] =	sst s8  }
0x11: {  	[smem:$0x3FB7] =	sst s9;
	s0 =	simm.s32 @!p0 $0x0  }
0x12: {  	s1 =	sld [smem:$0x3F9D];
	s0 =	simm.s32 @p0 $0x1  }
0x13: {  	[smem:$0x3FB8] =	sst s0;
	s0 =	simm.s32 @!p1 $0x0  }
0x14: {  	s2 =	sld [smem:$0x3F9C];
	s0 =	simm.s32 @p1 $0x1  }
0x15: {  	[smem:$0x3FB9] =	sst s0;
	s0 =	simm.s32 @!p2 $0x0  }
0x16: {  	s3 =	sld [smem:$0x3FDB];
	s0 =	simm.s32 @p2 $0x1  }
0x17: {  	s4 =	simm.s32 $0x1BF5;
	[smem:$0x3FBB] =	sst s0  }
0x18: {  	s0 =	sld [smem:$0x3F9E];
	_ =	swait.ge [sflag:s4], $0x0  }
0x19: {  	s7 =	sld [smem:$0x3F9F]  }
0x1a: {  	s8 =	sadd.s32 $0xFFFFE003, lr  }
0x1b: {  	s9 =	sadd.s32 $0xFFFFFEF7, lr;
	s5 =	simm.s32 $0xFFFFFFFF;
	p2 =	slt.u32 s8, $0xFFFFF086  }
0x1c: {  	p1 =	slt.u32 s9, $0xF7A;
	s5 =	simm.s32 @!p2 $0x0  }
0x1d: {  	s5 =	simm.s32 @p1 $0x1;
	p0 =	seq.s32 s7, s2  }
0x1e: {  	s7 =	smul.u32 @!p0 $0xF7A, s2;
	p2 =	seq.s32 @!p0 s5, $0x0  }
0x1f: {  	s9 =	smul.u32 $0xF7A, s1;
	s8 =	simm.s32 @!p0 $0x1BF5;
	p2 =	por !p2, p0  }
0x20: {  	[sflag:s8] =	ssyncset.s32 @!p0 $0xFFFFF086;
	s6 =	sadd.s32 @!p0 s3, s7;
	s7 =	simm.s32 @!p0 $0x108  }
0x21: {  	s3 =	sadd.s32 s3, s9;
	s6 =	sadd.s32 @!p0 $0x88, s6;
	s7 =	simm.s32 @p2 $0x1082  }
0x22: {  	[simem:s7], [sflag:s8] =	dma.local @!p0 [hbm:s6], $0xF7A  }
0x23: {  	s9 =	sor.u32 $0xD0000000, s2;
	s6 =	simm.s32 $0x108;
	_ =	swait.ge @!p0 [sflag:s8], $0x0  }
0x24: {  	s3 =	sadd.s32 $0x88, s3;
	s6 =	simm.s32 @!p1 $0x1082;
	[sflag:s4] =	ssyncset.s32 $0xFFFFF086  }
0x25: {  	[simem:s6], [sflag:s4] =	dma.local [hbm:s3], $0xF7A  }
0x26: {  	[smem:$0x3F9F] =	sst s1;
	(tag) =	ssettag s2;
	_ =	strace s9  }
0x27: {  	s1 =	sld [smem:$0x3FAF]  }
0x28: {  	s2 =	sld [smem:$0x3FB0]  }
0x29: {  	s4 =	sld [smem:$0x3FB2]  }
0x2a: {  	p0 =	seq.s32 s5, $0x0;
	s5 =	sld [smem:$0x3FB3]  }
0x2b: {  	s6 =	sld [smem:$0x3FB4]  }
0x2c: {  	s7 =	sld [smem:$0x3FB5]  }
0x2d: {  	s3 =	simm.s32 $0x108;
	s8 =	sld [smem:$0x3FB6]  }
0x2e: {  	s3 =	simm.s32 @!p0 $0x1082;
	s9 =	sld [smem:$0x3FB7]  }
0x2f: {  	lr =	sadd.s32 s0, s3;
	s0 =	sld [smem:$0x3FAE]  }
0x30: {  	s3 =	sld [smem:$0x3FB1]  }
0x31: {  	[smem:$0x3FBA] =	sst s10  }
0x32: {  	s10 =	sld [smem:$0x3FB8];
	_ =	sdelay $0x3  }
0x33: {  	p0 =	seq.s32 s10, $0x1;
	s10 =	sld [smem:$0x3FBA];
	_ =	sdelay $0x3  }
0x34: {  	[smem:$0x3FBA] =	sst s10  }
0x35: {  	s10 =	sld [smem:$0x3FB9];
	_ =	sdelay $0x3  }
0x36: {  	p1 =	seq.s32 s10, $0x1;
	s10 =	sld [smem:$0x3FBA];
	_ =	sdelay $0x3  }
0x37: {  	[smem:$0x3FBA] =	sst s10  }
0x38: {  	s10 =	sld [smem:$0x3FBB]  }
0x39: {  	_ = 	snop;
	(pc) =	sbr.ind lr, $3  }
0x3a: {  	_ = 	snop  }
0x3b: {  	_ = 	snop  }
0x3c: {  	p2 =	seq.s32 s10, $0x1;
	s10 =	sld [smem:$0x3FBA]  }
0x3d: {  	_ =	shalt  }
0x3e: {  	_ =	shalt  }
0x3f: {  	_ =	shalt  }
0x40: {  	_ =	shalt  }
0x41: {  	_ =	shalt  }
0x42: {  	_ =	shalt  }
0x43: {  	_ =	shalt  }
0x44: {  	_ =	shalt  }
0x45: {  	_ =	shalt  }
0x46: {  	_ =	shalt  }
0x47: {  	_ =	shalt  }
0x48: {  	_ =	shalt  }
0x49: {  	_ =	shalt  }
0x4a: {  	_ =	shalt  }
0x4b: {  	_ =	shalt  }
0x4c: {  	_ =	shalt  }
0x4d: {  	_ =	shalt  }
0x4e: {  	_ =	shalt  }
0x4f: {  	_ =	shalt  }
0x50: {  	_ =	shalt  }
0x51: {  	_ =	shalt  }
0x52: {  	_ =	shalt  }
0x53: {  	_ =	shalt  }
0x54: {  	_ =	shalt  }
0x55: {  	_ =	shalt  }
0x56: {  	_ =	shalt  }
0x57: {  	_ =	shalt  }
0x58: {  	_ =	shalt  }
0x59: {  	_ =	shalt  }
0x5a: {  	_ =	shalt  }
0x5b: {  	_ =	shalt  }
0x5c: {  	_ =	shalt  }
0x5d: {  	_ =	shalt  }
0x5e: {  	_ =	shalt  }
0x5f: {  	_ =	shalt  }
0x60: {  	_ =	shalt  }
0x61: {  	_ =	shalt  }
0x62: {  	_ =	shalt  }
0x63: {  	_ =	shalt  }
0x64: {  	_ =	shalt  }
0x65: {  	_ =	shalt  }
0x66: {  	_ =	shalt  }
0x67: {  	_ =	shalt  }
0x68: {  	_ =	shalt  }
0x69: {  	_ =	shalt  }
0x6a: {  	_ =	shalt  }
0x6b: {  	_ =	shalt  }
0x6c: {  	_ =	shalt  }
0x6d: {  	_ =	shalt  }
0x6e: {  	_ =	shalt  }
0x6f: {  	_ =	shalt  }
0x70: {  	_ =	shalt  }
0x71: {  	_ =	shalt  }
0x72: {  	_ =	shalt  }
0x73: {  	_ =	shalt  }
0x74: {  	_ =	shalt  }
0x75: {  	_ =	shalt  }
0x76: {  	_ =	shalt  }
0x77: {  	_ =	shalt  }
0x78: {  	_ =	shalt  }
0x79: {  	_ =	shalt  }
0x7a: {  	_ =	shalt  }
0x7b: {  	_ =	shalt  }
0x7c: {  	_ =	shalt  }
0x7d: {  	_ =	shalt  }
0x7e: {  	_ =	shalt  }
0x7f: {  	_ =	shalt  }
0x80: {  	_ =	shalt  }
0x81: {  	_ =	shalt  }
0x82: {  	_ =	shalt  }
0x83: {  	_ =	shalt  }
0x84: {  	_ =	shalt  }
0x85: {  	_ =	shalt  }
0x86: {  	_ =	shalt  }
0x87: {  	_ =	shalt  }
.Lfunc_end0:
.L_simem_size_0:
called_computation_lowered:
.L_overlay_start_0:
0x88: {  	s2 =	sld [smem:$0x3FD9]  }
0x89: {  	s3 =	sld [smem:$0x3FFE];
	_ =	sdelay $0x1  }
0x8a: {  	s1 =	srdreg.scid  }
0x8b: {  	s0 =	sand.u32 $0x1, s1  }
0x8c: {  	s17 =	sshll.u32 s0, $0xA;
	s2 =	sadd.s32 s3, s2  }
0x8d: {  	s2 =	sadd.s32 s2, s17  }
0x8e: {  	[smem:$0x3FC6] =	sst s2  }
0x8f: {  	_ = 	snop  }
0x90: {  	s2 =	sld [smem:$0x3FC8]  }
0x91: {  	s18 =	sld [smem:$0x3FD0];
	(tm) =	ssettm $0x1  }
0x92: {  	s4 =	sld [smem:$0x3FFB];
	_ =	sdelay $0x3  }
0x93: {  	_ =	strace s4  }
0x94: {  	s4 =	sld [smem:$0x3FFC];
	_ =	sdelay $0x3  }
0x95: {  	_ =	strace s4  }
0x96: {  	s4 =	sld [smem:$0x3FFD];
	_ =	sdelay $0x3  }
0x97: {  	_ =	strace s4  }
0x98: {  	_ =	strace $0x8FFFFFFF  }
0x99: {  	s19 =	sld [smem:$0x3FDB];
	_ =	sdelay $0x1  }
0x9a: {  	s5 =	simm.s32 $_scs_section_size  }
0x9b: {  	s6 =	simm.s32 $_size__tile_overlayer_lowered;
	s7 =	simm.s32 $_tile_overlayer_lowered  }
0x9c: {  	s22 =	simm.s32 $0x1BFF;
	s21 =	sshll.u32 s7, $0x1;
	s4 =	sadd.s32 s5, s19  }
0x9d: {  	s8 =	simm.s32 $0x0;
	s20 =	sshll.u32 s6, $0x1;
	s6 =	sadd.s32 s21, s4  }
0x9e: {  	[timem:s8], [sflag:s22] =	dma.local [hbm:s6], s20  }
0x9f: {  	_ =	swait.ge [sflag:s22], s20  }
0xa0: {  	s5 =	ssub.s32 $0x0, s20;
	[sflag:s22] =	ssyncset.done $0x0  }
0xa1: {  	[sflag:s22] =	ssyncadd.s32 s5;
	_ =	sdelay $0x1  }
0xa2: {  	s23 =	simm.s32 $0x1B8B  }
0xa3: {  	_ =	swait.ge [sflag:s23], $0x1  }
0xa4: {  	[sflag:s23] =	ssyncset.done $0x0  }
0xa5: {  	s25 =	simm.s32 $0x1B8E;
	s24 =	sld [smem:$0x3FFE];
	[sflag:s23] =	ssyncadd.s32 $0xFFFFFFFF  }
0xa6: {  	s26 =	simm.s32 $execute0_lowered;
	[smem:$0x3FD2] =	sst s25  }
0xa7: {  	s6 =	sshll.u32 s26, $0x1;
	_ =	strace $0x80000046;
	[dreg:$0x1] =	wrdreg $0xFFFFFFFF  }
0xa8: {  	s28 =	simm.s32 $_size_execute0_lowered;
	s4 =	sadd.s32 s4, s6;
	[dreg:$0x0] =	wrdreg $0x0  }
0xa9: {  	s6 =	sshll.u32 s28, $0x1;
	[dreg:$0x2] =	wrdreg s4  }
0xaa: {  	[dreg:$0x3] =	wrdreg s6  }
0xab: {  	[dreg:$0x4] =	wrdreg $0xC0  }
0xac: {  	_ =	task [dreg:s8], $0x5FFFF  }
0xad: {  	[dreg:$0x1] =	wrdreg $0xFFFFFFFF  }
0xae: {  	[dreg:$0x0] =	wrdreg $0x60  }
0xaf: {  	[dreg:$0x2] =	wrdreg s2  }
0xb0: {  	[dreg:$0x3] =	wrdreg s24  }
0xb1: {  	[dreg:$0x4] =	wrdreg s18  }
0xb2: {  	[dreg:$0x5] =	wrdreg $0x9  }
0xb3: {  	_ =	task.clear_ibuf [dreg:s8], $0x6FFFF;
	_ =	strace $0x90000046  }
0xb4: {  	s29 =	simm.s32 $0x9;
	_ =	strace $0x80000048  }
0xb5: {  	_ =	swait.ge [sflag:s29], $0x1  }
0xb6: {  	[sflag:s29] =	ssyncadd.s32 $0xFFFFFFFF  }
0xb7: {  	_ =	strace $0x90000048  }
0xb8: {  	_ =	sfence  }
0xb9: {  	s30 =	sld [smem:$0x0];
	_ =	sdelay $0x2  }
0xba: {  	s31 =	sshll.u32 s1, $0xD;
	s1 =	sshrl.u32 s1, $0x2  }
0xbb: {  	s3 =	sand.u32 $0x4000, s31;
	s1 =	sadd.s32 s1, s30  }
0xbc: {  	s0 =	sor.u32 s3, s0;
	s1 =	sshll.u32 s1, $0x11  }
0xbd: {  	s0 =	sor.u32 s1, s0  }
0xbe: {  	s0 =	sadd.s32 $0x8F2B, s0  }
0xbf: {  	[sflag:s0] =	ssyncadd.remote.s32 $0x1  }
0xc0: {  	_ =	sfence.sel $0xFFFF  }
0xc1: {  	[dreg:$0x0] =	wrdreg $0xFFFFFFFF;
	(pc) =	sbr.abs _section_cstart, $3  }
0xc2: {  	[dreg:$0x1] =	wrdreg $0xFFFFFFFF  }
0xc3: {  	_ =	task.clear_ibuf [dreg:s8], $0x2FFFF;
	_ =	strace $0x9FFFFFFF  }
0xc4: {  	(tm) =	ssettm $0x7FFFFFFF  }
0xc5: {  	_ =	shalt  }
tec
execute0_lowered:
.L_overlay_start_1:
0x0: {  	(tag) =	ssettag $0x1  }
0x1: {  	s0 =	srdreg.scid  }
0x2: {  	s1 =	rddreg [dreg:$0x0];
	s3 =	stileid.u32;
	s0 =	sand.u32 $0x1, s0  }
0x3: {  	s2 =	rddreg [dreg:$0x1];
	s3 =	sshll.u32 s3, $0xB;
	s4 =	sshll.u32 s0, $0xA  }
0x4: {  	s5 =	rddreg [dreg:$0x2];
	s4 =	sor.u32 s4, s3  }
0x5: {  	s3 =	simm.s32 $0x0;
	s6 =	sshrl.u32 s4, $0x3;
	s4 =	sshll.u32 s4, $0x7  }
0x6: {  	[smem:$0x7FF] =	sst s3;
	s2 =	sadd.s32 s6, s2;
	s8 =	sadd.s32 s5, s4  }
0x7: {  	_ =	strace $0x80000047;
	s2 =	sadd.s32 $0x400, s2;
	[dreg:$0x17] =	wrdreg s8  }
0x8: {  	s12 =	sadd.s32 $0x1C00, s8;
	[dreg:$0x4] =	wrdreg s2  }
0x9: {  	s13 =	sadd.s32 $0x3800, s8;
	[dreg:$0x5] =	wrdreg s12  }
0xa: {  	s14 =	sadd.s32 $0x5400, s8;
	[dreg:$0x6] =	wrdreg s13  }
0xb: {  	s15 =	sadd.s32 $0x7000, s8;
	[dreg:$0x7] =	wrdreg s14  }
0xc: {  	s16 =	sadd.s32 $0x8C00, s8;
	[dreg:$0x8] =	wrdreg s15  }
0xd: {  	s17 =	sadd.s32 $0xA800, s8;
	[dreg:$0x9] =	wrdreg s16  }
0xe: {  	s18 =	sadd.s32 $0xC400, s8;
	[dreg:$0xa] =	wrdreg s17  }
0xf: {  	s19 =	sadd.s32 $0xE000, s8;
	[dreg:$0xb] =	wrdreg s18  }
0x10: {  	s20 =	sadd.s32 $0xFC00, s8;
	[dreg:$0xc] =	wrdreg s19  }
0x11: {  	s9 =	simm.s32 $0x1;
	s21 =	sadd.s32 $0x11800, s8;
	[dreg:$0xd] =	wrdreg s20  }
0x12: {  	s7 =	sadd.s32 $0x300, s1;
	s22 =	sadd.s32 $0x13400, s8;
	[dreg:$0xe] =	wrdreg s21  }
0x13: {  	s0 =	ssub.s32 $0x2, s0;
	s23 =	sadd.s32 $0x15000, s8;
	[dreg:$0xf] =	wrdreg s22  }
0x14: {  	s25 =	sshrl.u32 s0, $0x1;
	s24 =	sadd.s32 $0x16C00, s8;
	[dreg:$0x10] =	wrdreg s23  }
0x15: {  	s0 =	ssub.s32 s0, s25;
	s26 =	sadd.s32 $0x18800, s8;
	[dreg:$0x11] =	wrdreg s24  }
0x16: {  	s5 =	sadd.s32 $0x100, s1;
	s28 =	sadd.s32 $0x1A400, s8;
	[dreg:$0x12] =	wrdreg s26  }
0x17: {  	s6 =	sadd.s32 $0x200, s1;
	s29 =	sadd.s32 $0x1C000, s8;
	[dreg:$0x13] =	wrdreg s28  }
0x18: {  	v2 =	vlaneseq.u32;
	s0 =	smax.u32 s0, $0x1;
	s30 =	sadd.s32 $0x1DC00, s8;
	[dreg:$0x14] =	wrdreg s29  }
0x19: {  	vm0 =	vmmov $0xffff;
	v1 =	vshrl.u32 v2, $0x3;
	s4 =	simm.s32 $0x3;
	s31 =	sadd.s32 $0x1F800, s8;
	[dreg:$0x15] =	wrdreg s30  }
0x1a: {  	v0 =	vand.u32 $0x7, v2;
	v2 =	vor.u32 $0x8, v2;
	v1 =	vmul.u32 $0x8, v1;
	[dreg:$0x16] =	wrdreg s31;
	s18 =	simm.s32 $0x2;
	s19 =	simm.s32 $0x4  }
.LBB2_1:
0x1b: {  	[dreg:$0x18] =	wrdreg s0  }
0x1c: {  	s20 =	rddreg [dreg:$0x4];
	s29 =	simm.s32 $0x5  }
0x1d: {  	[tilespmem:s3], [sflag:$0x5] =	stream.linear.gather [hbm4b:s20+s3], $0x400, $0x38;
	[tilespmem:$0x1C400] =	vst v63  }
0x1e: {  	_ =	swait.ge [sflag:s29], $0x400  }
0x1f: {  	[sflag:s29] =	ssyncset.done $0x0  }
0x20: {  	[sflag:s29] =	ssyncadd.s32 $0xFFFFFC00  }
0x21: {  	v3 =	vld [tilespmem:$0x0];
	_ =	sdelay $0x4  }
0x22: {  	v4 =	vshll.u32 v3, $0x3  }
0x23: {  	v3 =	vand.u32 $0x7, v3;
	v4 =	vand.u32 $0xFFFFFFC0, v4  }
0x24: {  	v3 =	vor.u32 v3, v4  }
0x25: {  	v4 =	vperm.xlane v3, v0;
	_ =	sdelay $0x1  }
0x26: {  	v4 =	vadd.s32 v1, v4;
	_ =	sdelay $0x3  }
0x27: {  	s30 =	simm.s32 $0x400  }
0x28: {  	[tilespmem:s30], [sflag:$0x1] =	stream.indirect_vreg.gather [hbm4b:s1+s3], $0x80, v4, vm0, $0xb8;
	[tilespmem:$0x1C400] =	vst v63  }
0x29: {  	s31 =	simm.s32 $0xC00;
	v3 =	vperm.xlane v3, v2  }
0x2a: {  	[tilespmem:s31], [sflag:$0x1] =	stream.indirect_vreg.gather [hbm4b:s5+s3], $0x80, v4, vm0, $0xb8;
	[tilespmem:$0x1C400] =	vst v63  }
0x2b: {  	s2 =	simm.s32 $0x1400;
	v3 =	vadd.s32 v1, v3  }
0x2c: {  	[tilespmem:s2], [sflag:$0x1] =	stream.indirect_vreg.gather [hbm4b:s6+s3], $0x80, v4, vm0, $0xb8;
	[tilespmem:$0x1C400] =	vst v63  }
0x2d: {  	s8 =	simm.s32 $0x1C00  }
0x2e: {  	[tilespmem:s8], [sflag:$0x1] =	stream.indirect_vreg.gather [hbm4b:s7+s3], $0x80, v4, vm0, $0xb8;
	[tilespmem:$0x1C400] =	vst v63  }
0x2f: {  	s10 =	simm.s32 $0x2400  }
0x30: {  	[tilespmem:s10], [sflag:$0x1] =	stream.indirect_vreg.gather [hbm4b:s1+s3], $0x80, v3, vm0, $0xb8;
	[tilespmem:$0x1C400] =	vst v63  }
0x31: {  	s11 =	simm.s32 $0x2C00  }
0x32: {  	[tilespmem:s11], [sflag:$0x1] =	stream.indirect_vreg.gather [hbm4b:s5+s3], $0x80, v3, vm0, $0xb8;
	[tilespmem:$0x1C400] =	vst v63  }
0x33: {  	s13 =	simm.s32 $0x3400  }
0x34: {  	[tilespmem:s13], [sflag:$0x1] =	stream.indirect_vreg.gather [hbm4b:s6+s3], $0x80, v3, vm0, $0xb8;
	[tilespmem:$0x1C400] =	vst v63  }
0x35: {  	s14 =	simm.s32 $0x3C00  }
0x36: {  	[tilespmem:s14], [sflag:$0x1] =	stream.indirect_vreg.gather [hbm4b:s7+s3], $0x80, v3, vm0, $0xb8;
	[tilespmem:$0x1C400] =	vst v63  }
0x37: {  	v3 =	vld [tilespmem:$0x10];
	_ =	sdelay $0x4  }
0x38: {  	v48 =	vshll.u32 v3, $0x3  }
0x39: {  	v3 =	vand.u32 $0x7, v3;
	v4 =	vand.u32 $0xFFFFFFC0, v48  }
0x3a: {  	v3 =	vor.u32 v3, v4  }
0x3b: {  	v4 =	vperm.xlane v3, v0;
	_ =	sdelay $0x1  }
0x3c: {  	v4 =	vadd.s32 v1, v4;
	_ =	sdelay $0x3  }
0x3d: {  	s15 =	simm.s32 $0x4400  }
0x3e: {  	[tilespmem:s15], [sflag:$0x1] =	stream.indirect_vreg.gather [hbm4b:s1+s3], $0x80, v4, vm0, $0xb8;
	[tilespmem:$0x1C400] =	vst v63  }
0x3f: {  	s16 =	simm.s32 $0x4C00;
	v3 =	vperm.xlane v3, v2  }
0x40: {  	[tilespmem:s16], [sflag:$0x1] =	stream.indirect_vreg.gather [hbm4b:s5+s3], $0x80, v4, vm0, $0xb8;
	[tilespmem:$0x1C400] =	vst v63  }
0x41: {  	s17 =	simm.s32 $0x5400;
	v3 =	vadd.s32 v1, v3  }
0x42: {  	[tilespmem:s17], [sflag:$0x1] =	stream.indirect_vreg.gather [hbm4b:s6+s3], $0x80, v4, vm0, $0xb8;
	[tilespmem:$0x1C400] =	vst v63  }
0x43: {  	s20 =	simm.s32 $0x5C00  }
0x44: {  	[tilespmem:s20], [sflag:$0x1] =	stream.indirect_vreg.gather [hbm4b:s7+s3], $0x80, v4, vm0, $0xb8;
	[tilespmem:$0x1C400] =	vst v63  }
0x45: {  	s21 =	simm.s32 $0x6400  }
0x46: {  	[tilespmem:s21], [sflag:$0x1] =	stream.indirect_vreg.gather [hbm4b:s1+s3], $0x80, v3, vm0, $0xb8;
	[tilespmem:$0x1C400] =	vst v63  }
0x47: {  	s22 =	simm.s32 $0x6C00  }
0x48: {  	[tilespmem:s22], [sflag:$0x1] =	stream.indirect_vreg.gather [hbm4b:s5+s3], $0x80, v3, vm0, $0xb8;
	[tilespmem:$0x1C400] =	vst v63  }
0x49: {  	s23 =	simm.s32 $0x7400  }
0x4a: {  	[tilespmem:s23], [sflag:$0x1] =	stream.indirect_vreg.gather [hbm4b:s6+s3], $0x80, v3, vm0, $0xb8;
	[tilespmem:$0x1C400] =	vst v63  }
0x4b: {  	s24 =	simm.s32 $0x7C00  }
0x4c: {  	[tilespmem:s24], [sflag:$0x1] =	stream.indirect_vreg.gather [hbm4b:s7+s3], $0x80, v3, vm0, $0xb8;
	[tilespmem:$0x1C400] =	vst v63  }
0x4d: {  	v3 =	vld [tilespmem:$0x20];
	_ =	sdelay $0x4  }
0x4e: {  	v49 =	vshll.u32 v3, $0x3  }
0x4f: {  	v3 =	vand.u32 $0x7, v3;
	v4 =	vand.u32 $0xFFFFFFC0, v49  }
0x50: {  	v3 =	vor.u32 v3, v4  }
0x51: {  	v4 =	vperm.xlane v3, v0;
	_ =	sdelay $0x1  }
0x52: {  	v4 =	vadd.s32 v1, v4;
	_ =	sdelay $0x3  }
0x53: {  	s25 =	simm.s32 $0x8400  }
0x54: {  	[tilespmem:s25], [sflag:$0x1] =	stream.indirect_vreg.gather [hbm4b:s1+s3], $0x80, v4, vm0, $0xb8;
	[tilespmem:$0x1C400] =	vst v63  }
0x55: {  	s26 =	simm.s32 $0x8C00;
	v3 =	vperm.xlane v3, v2  }
0x56: {  	[tilespmem:s26], [sflag:$0x1] =	stream.indirect_vreg.gather [hbm4b:s5+s3], $0x80, v4, vm0, $0xb8;
	[tilespmem:$0x1C400] =	vst v63  }
0x57: {  	s28 =	simm.s32 $0x9400;
	v3 =	vadd.s32 v1, v3  }
0x58: {  	[tilespmem:s28], [sflag:$0x1] =	stream.indirect_vreg.gather [hbm4b:s6+s3], $0x80, v4, vm0, $0xb8;
	[tilespmem:$0x1C400] =	vst v63  }
0x59: {  	s29 =	simm.s32 $0x9C00  }
0x5a: {  	[tilespmem:s29], [sflag:$0x1] =	stream.indirect_vreg.gather [hbm4b:s7+s3], $0x80, v4, vm0, $0xb8;
	[tilespmem:$0x1C400] =	vst v63  }
0x5b: {  	s30 =	simm.s32 $0xA400  }
0x5c: {  	[tilespmem:s30], [sflag:$0x1] =	stream.indirect_vreg.gather [hbm4b:s1+s3], $0x80, v3, vm0, $0xb8;
	[tilespmem:$0x1C400] =	vst v63  }
0x5d: {  	s15 =	simm.s32 $0xAC00  }
0x5e: {  	[tilespmem:s15], [sflag:$0x1] =	stream.indirect_vreg.gather [hbm4b:s5+s3], $0x80, v3, vm0, $0xb8;
	[tilespmem:$0x1C400] =	vst v63  }
0x5f: {  	s16 =	simm.s32 $0xB400  }
0x60: {  	[tilespmem:s16], [sflag:$0x1] =	stream.indirect_vreg.gather [hbm4b:s6+s3], $0x80, v3, vm0, $0xb8;
	[tilespmem:$0x1C400] =	vst v63  }
0x61: {  	s20 =	simm.s32 $0xBC00  }
0x62: {  	[tilespmem:s20], [sflag:$0x1] =	stream.indirect_vreg.gather [hbm4b:s7+s3], $0x80, v3, vm0, $0xb8;
	[tilespmem:$0x1C400] =	vst v63  }
0x63: {  	v3 =	vld.msk [tilespmem:$0x30], $0xff;
	_ =	sdelay $0x4  }
0x64: {  	v50 =	vshll.u32 v3, $0x3  }
0x65: {  	v3 =	vand.u32 $0x7, v3;
	v4 =	vand.u32 $0xFFFFFFC0, v50  }
0x66: {  	v3 =	vor.u32 v3, v4  }
0x67: {  	v3 =	vperm.xlane v3, v0;
	_ =	sdelay $0x1  }
0x68: {  	v3 =	vadd.s32 v1, v3;
	_ =	sdelay $0x3  }
0x69: {  	s24 =	simm.s32 $0xC400  }
0x6a: {  	[tilespmem:s24], [sflag:$0x1] =	stream.indirect_vreg.gather [hbm4b:s1+s3], $0x80, v3, vm0, $0xb8;
	[tilespmem:$0x1C400] =	vst v63  }
0x6b: {  	s25 =	simm.s32 $0xCC00  }
0x6c: {  	[tilespmem:s25], [sflag:$0x1] =	stream.indirect_vreg.gather [hbm4b:s5+s3], $0x80, v3, vm0, $0xb8;
	[tilespmem:$0x1C400] =	vst v63  }
0x6d: {  	s30 =	simm.s32 $0xD400  }
0x6e: {  	[tilespmem:s30], [sflag:$0x1] =	stream.indirect_vreg.gather [hbm4b:s6+s3], $0x80, v3, vm0, $0xb8;
	[tilespmem:$0x1C400] =	vst v63  }
0x6f: {  	s16 =	simm.s32 $0xDC00  }
0x70: {  	[tilespmem:s16], [sflag:$0x1] =	stream.indirect_vreg.gather [hbm4b:s7+s3], $0x80, v3, vm0, $0xb8;
	[tilespmem:$0x1C400] =	vst v63  }
0x71: {  	v3 =	vld [tilespmem:$0x38];
	_ =	sdelay $0x4  }
0x72: {  	v51 =	vshll.u32 v3, $0x3  }
0x73: {  	v3 =	vand.u32 $0x7, v3;
	v4 =	vand.u32 $0xFFFFFFC0, v51  }
0x74: {  	v3 =	vor.u32 v3, v4  }
0x75: {  	v4 =	vperm.xlane v3, v0;
	_ =	sdelay $0x1  }
0x76: {  	v4 =	vadd.s32 v1, v4;
	_ =	sdelay $0x3  }
0x77: {  	s20 =	simm.s32 $0xE400  }
0x78: {  	[tilespmem:s20], [sflag:$0x2] =	stream.indirect_vreg.gather [hbm4b:s1+s3], $0x80, v4, vm0, $0xb8;
	[tilespmem:$0x1C400] =	vst v63  }
0x79: {  	v3 =	vperm.xlane v3, v2;
	s20 =	simm.s32 $0xEC00  }
0x7a: {  	[tilespmem:s20], [sflag:$0x2] =	stream.indirect_vreg.gather [hbm4b:s5+s3], $0x80, v4, vm0, $0xb8;
	[tilespmem:$0x1C400] =	vst v63  }
0x7b: {  	v3 =	vadd.s32 v1, v3;
	s20 =	simm.s32 $0xF400  }
0x7c: {  	[tilespmem:s20], [sflag:$0x2] =	stream.indirect_vreg.gather [hbm4b:s6+s3], $0x80, v4, vm0, $0xb8;
	[tilespmem:$0x1C400] =	vst v63  }
0x7d: {  	s20 =	simm.s32 $0xFC00  }
0x7e: {  	[tilespmem:s20], [sflag:$0x2] =	stream.indirect_vreg.gather [hbm4b:s7+s3], $0x80, v4, vm0, $0xb8;
	[tilespmem:$0x1C400] =	vst v63  }
0x7f: {  	s20 =	simm.s32 $0x10400  }
0x80: {  	[tilespmem:s20], [sflag:$0x2] =	stream.indirect_vreg.gather [hbm4b:s1+s3], $0x80, v3, vm0, $0xb8;
	[tilespmem:$0x1C400] =	vst v63  }
0x81: {  	s20 =	simm.s32 $0x10C00  }
0x82: {  	[tilespmem:s20], [sflag:$0x2] =	stream.indirect_vreg.gather [hbm4b:s5+s3], $0x80, v3, vm0, $0xb8;
	[tilespmem:$0x1C400] =	vst v63  }
0x83: {  	s20 =	simm.s32 $0x11400  }
0x84: {  	[tilespmem:s20], [sflag:$0x2] =	stream.indirect_vreg.gather [hbm4b:s6+s3], $0x80, v3, vm0, $0xb8;
	[tilespmem:$0x1C400] =	vst v63  }
0x85: {  	s20 =	simm.s32 $0x11C00  }
0x86: {  	[tilespmem:s20], [sflag:$0x2] =	stream.indirect_vreg.gather [hbm4b:s7+s3], $0x80, v3, vm0, $0xb8;
	[tilespmem:$0x1C400] =	vst v63  }
0x87: {  	v3 =	vld [tilespmem:$0x48];
	_ =	sdelay $0x4  }
0x88: {  	v52 =	vshll.u32 v3, $0x3  }
0x89: {  	v3 =	vand.u32 $0x7, v3;
	v4 =	vand.u32 $0xFFFFFFC0, v52  }
0x8a: {  	v3 =	vor.u32 v3, v4  }
0x8b: {  	v4 =	vperm.xlane v3, v0;
	_ =	sdelay $0x1  }
0x8c: {  	v4 =	vadd.s32 v1, v4;
	_ =	sdelay $0x3  }
0x8d: {  	s20 =	simm.s32 $0x12400  }
0x8e: {  	[tilespmem:s20], [sflag:$0x2] =	stream.indirect_vreg.gather [hbm4b:s1+s3], $0x80, v4, vm0, $0xb8;
	[tilespmem:$0x1C400] =	vst v63  }
0x8f: {  	v3 =	vperm.xlane v3, v2;
	s20 =	simm.s32 $0x12C00  }
0x90: {  	[tilespmem:s20], [sflag:$0x2] =	stream.indirect_vreg.gather [hbm4b:s5+s3], $0x80, v4, vm0, $0xb8;
	[tilespmem:$0x1C400] =	vst v63  }
0x91: {  	v3 =	vadd.s32 v1, v3;
	s20 =	simm.s32 $0x13400  }
0x92: {  	[tilespmem:s20], [sflag:$0x2] =	stream.indirect_vreg.gather [hbm4b:s6+s3], $0x80, v4, vm0, $0xb8;
	[tilespmem:$0x1C400] =	vst v63  }
0x93: {  	s20 =	simm.s32 $0x13C00  }
0x94: {  	[tilespmem:s20], [sflag:$0x2] =	stream.indirect_vreg.gather [hbm4b:s7+s3], $0x80, v4, vm0, $0xb8;
	[tilespmem:$0x1C400] =	vst v63  }
0x95: {  	s20 =	simm.s32 $0x14400  }
0x96: {  	[tilespmem:s20], [sflag:$0x2] =	stream.indirect_vreg.gather [hbm4b:s1+s3], $0x80, v3, vm0, $0xb8;
	[tilespmem:$0x1C400] =	vst v63  }
0x97: {  	s20 =	simm.s32 $0x14C00  }
0x98: {  	[tilespmem:s20], [sflag:$0x2] =	stream.indirect_vreg.gather [hbm4b:s5+s3], $0x80, v3, vm0, $0xb8;
	[tilespmem:$0x1C400] =	vst v63  }
0x99: {  	s20 =	simm.s32 $0x15400  }
0x9a: {  	[tilespmem:s20], [sflag:$0x2] =	stream.indirect_vreg.gather [hbm4b:s6+s3], $0x80, v3, vm0, $0xb8;
	[tilespmem:$0x1C400] =	vst v63  }
0x9b: {  	s20 =	simm.s32 $0x15C00  }
0x9c: {  	[tilespmem:s20], [sflag:$0x2] =	stream.indirect_vreg.gather [hbm4b:s7+s3], $0x80, v3, vm0, $0xb8;
	[tilespmem:$0x1C400] =	vst v63  }
0x9d: {  	v3 =	vld [tilespmem:$0x58];
	_ =	sdelay $0x4  }
0x9e: {  	v53 =	vshll.u32 v3, $0x3  }
0x9f: {  	v3 =	vand.u32 $0x7, v3;
	v4 =	vand.u32 $0xFFFFFFC0, v53  }
0xa0: {  	v3 =	vor.u32 v3, v4  }
0xa1: {  	v4 =	vperm.xlane v3, v0;
	_ =	sdelay $0x1  }
0xa2: {  	v4 =	vadd.s32 v1, v4;
	_ =	sdelay $0x3  }
0xa3: {  	s20 =	simm.s32 $0x16400  }
0xa4: {  	[tilespmem:s20], [sflag:$0x2] =	stream.indirect_vreg.gather [hbm4b:s1+s3], $0x80, v4, vm0, $0xb8;
	[tilespmem:$0x1C400] =	vst v63  }
0xa5: {  	v3 =	vperm.xlane v3, v2;
	s20 =	simm.s32 $0x16C00  }
0xa6: {  	[tilespmem:s20], [sflag:$0x2] =	stream.indirect_vreg.gather [hbm4b:s5+s3], $0x80, v4, vm0, $0xb8;
	[tilespmem:$0x1C400] =	vst v63  }
0xa7: {  	v3 =	vadd.s32 v1, v3;
	s20 =	simm.s32 $0x17400  }
0xa8: {  	[tilespmem:s20], [sflag:$0x2] =	stream.indirect_vreg.gather [hbm4b:s6+s3], $0x80, v4, vm0, $0xb8;
	[tilespmem:$0x1C400] =	vst v63  }
0xa9: {  	s20 =	simm.s32 $0x17C00  }
0xaa: {  	[tilespmem:s20], [sflag:$0x2] =	stream.indirect_vreg.gather [hbm4b:s7+s3], $0x80, v4, vm0, $0xb8;
	[tilespmem:$0x1C400] =	vst v63  }
0xab: {  	s20 =	simm.s32 $0x18400  }
0xac: {  	[tilespmem:s20], [sflag:$0x2] =	stream.indirect_vreg.gather [hbm4b:s1+s3], $0x80, v3, vm0, $0xb8;
	[tilespmem:$0x1C400] =	vst v63  }
0xad: {  	s20 =	simm.s32 $0x18C00  }
0xae: {  	[tilespmem:s20], [sflag:$0x2] =	stream.indirect_vreg.gather [hbm4b:s5+s3], $0x80, v3, vm0, $0xb8;
	[tilespmem:$0x1C400] =	vst v63  }
0xaf: {  	s20 =	simm.s32 $0x19400  }
0xb0: {  	[tilespmem:s20], [sflag:$0x2] =	stream.indirect_vreg.gather [hbm4b:s6+s3], $0x80, v3, vm0, $0xb8;
	[tilespmem:$0x1C400] =	vst v63  }
0xb1: {  	s20 =	simm.s32 $0x19C00  }
0xb2: {  	[tilespmem:s20], [sflag:$0x2] =	stream.indirect_vreg.gather [hbm4b:s7+s3], $0x80, v3, vm0, $0xb8;
	[tilespmem:$0x1C400] =	vst v63  }
0xb3: {  	v3 =	vld.msk [tilespmem:$0x68], $0xff;
	_ =	sdelay $0x4  }
0xb4: {  	v54 =	vshll.u32 v3, $0x3  }
0xb5: {  	v3 =	vand.u32 $0x7, v3;
	v4 =	vand.u32 $0xFFFFFFC0, v54  }
0xb6: {  	v3 =	vor.u32 v3, v4  }
0xb7: {  	v3 =	vperm.xlane v3, v0;
	_ =	sdelay $0x1  }
0xb8: {  	v3 =	vadd.s32 v1, v3;
	_ =	sdelay $0x3  }
0xb9: {  	s20 =	simm.s32 $0x1A400  }
0xba: {  	[tilespmem:s20], [sflag:$0x2] =	stream.indirect_vreg.gather [hbm4b:s1+s3], $0x80, v3, vm0, $0xb8;
	[tilespmem:$0x1C400] =	vst v63  }
0xbb: {  	s20 =	simm.s32 $0x1AC00  }
0xbc: {  	[tilespmem:s20], [sflag:$0x2] =	stream.indirect_vreg.gather [hbm4b:s5+s3], $0x80, v3, vm0, $0xb8;
	[tilespmem:$0x1C400] =	vst v63  }
0xbd: {  	s20 =	simm.s32 $0x1B400  }
0xbe: {  	[tilespmem:s20], [sflag:$0x2] =	stream.indirect_vreg.gather [hbm4b:s6+s3], $0x80, v3, vm0, $0xb8;
	[tilespmem:$0x1C400] =	vst v63  }
0xbf: {  	s20 =	simm.s32 $0x1BC00  }
0xc0: {  	[tilespmem:s20], [sflag:$0x2] =	stream.indirect_vreg.gather [hbm4b:s7+s3], $0x80, v3, vm0, $0xb8;
	[tilespmem:$0x1C400] =	vst v63  }
0xc1: {  	_ =	swait.ge [sflag:s9], $0xE000  }
0xc2: {  	[sflag:s9] =	ssyncset.done $0x0  }
0xc3: {  	s0 =	simm.s32 $0x400;
	s20 =	rddreg [dreg:$0x17];
	[sflag:s9] =	ssyncadd.s32 $0xFFFF2000  }
0xc4: {  	[hbm4b:s20+s3] =	stream.linear.scatter [tilespmem:s0], [sflag:$0x3], $0xE000, $0x38;
	[tilespmem:$0x1C400] =	vst v63  }
0xc5: {  	_ =	swait.ge [sflag:s4], $0xE000  }
0xc6: {  	[sflag:s4] =	ssyncset.done $0x0  }
0xc7: {  	[sflag:s4] =	ssyncadd.s32 $0xFFFF2000  }
0xc8: {  	v3 =	vld [tilespmem:$0x70];
	_ =	sdelay $0x4  }
0xc9: {  	v55 =	vshll.u32 v3, $0x3  }
0xca: {  	v3 =	vand.u32 $0x7, v3;
	v4 =	vand.u32 $0xFFFFFFC0, v55  }
0xcb: {  	v3 =	vor.u32 v3, v4  }
0xcc: {  	v4 =	vperm.xlane v3, v0;
	_ =	sdelay $0x1  }
0xcd: {  	v4 =	vadd.s32 v1, v4;
	_ =	sdelay $0x4  }
0xce: {  	[tilespmem:s0], [sflag:$0x1] =	stream.indirect_vreg.gather [hbm4b:s1+s3], $0x80, v4, vm0, $0xb8;
	[tilespmem:$0x1C400] =	vst v63  }
0xcf: {  	s12 =	simm.s32 $0xC00;
	v3 =	vperm.xlane v3, v2  }
0xd0: {  	[tilespmem:s12], [sflag:$0x1] =	stream.indirect_vreg.gather [hbm4b:s5+s3], $0x80, v4, vm0, $0xb8;
	[tilespmem:$0x1C400] =	vst v63  }
0xd1: {  	v3 =	vadd.s32 v1, v3;
	s12 =	simm.s32 $0x1400  }
0xd2: {  	[tilespmem:s12], [sflag:$0x1] =	stream.indirect_vreg.gather [hbm4b:s6+s3], $0x80, v4, vm0, $0xb8;
	[tilespmem:$0x1C400] =	vst v63  }
0xd3: {  	s31 =	simm.s32 $0x1C00  }
0xd4: {  	[tilespmem:s31], [sflag:$0x1] =	stream.indirect_vreg.gather [hbm4b:s7+s3], $0x80, v4, vm0, $0xb8;
	[tilespmem:$0x1C400] =	vst v63  }
0xd5: {  	s20 =	simm.s32 $0x2400  }
0xd6: {  	[tilespmem:s20], [sflag:$0x1] =	stream.indirect_vreg.gather [hbm4b:s1+s3], $0x80, v3, vm0, $0xb8;
	[tilespmem:$0x1C400] =	vst v63  }
0xd7: {  	s31 =	simm.s32 $0x2C00  }
0xd8: {  	[tilespmem:s31], [sflag:$0x1] =	stream.indirect_vreg.gather [hbm4b:s5+s3], $0x80, v3, vm0, $0xb8;
	[tilespmem:$0x1C400] =	vst v63  }
0xd9: {  	s12 =	simm.s32 $0x3400  }
0xda: {  	[tilespmem:s12], [sflag:$0x1] =	stream.indirect_vreg.gather [hbm4b:s6+s3], $0x80, v3, vm0, $0xb8;
	[tilespmem:$0x1C400] =	vst v63  }
0xdb: {  	s13 =	simm.s32 $0x3C00  }
0xdc: {  	[tilespmem:s13], [sflag:$0x1] =	stream.indirect_vreg.gather [hbm4b:s7+s3], $0x80, v3, vm0, $0xb8;
	[tilespmem:$0x1C400] =	vst v63  }
0xdd: {  	v3 =	vld [tilespmem:$0x80];
	_ =	sdelay $0x4  }
0xde: {  	v56 =	vshll.u32 v3, $0x3  }
0xdf: {  	v3 =	vand.u32 $0x7, v3;
	v4 =	vand.u32 $0xFFFFFFC0, v56  }
0xe0: {  	v3 =	vor.u32 v3, v4  }
0xe1: {  	v4 =	vperm.xlane v3, v0;
	_ =	sdelay $0x1  }
0xe2: {  	v4 =	vadd.s32 v1, v4;
	_ =	sdelay $0x3  }
0xe3: {  	s2 =	simm.s32 $0x4400  }
0xe4: {  	[tilespmem:s2], [sflag:$0x1] =	stream.indirect_vreg.gather [hbm4b:s1+s3], $0x80, v4, vm0, $0xb8;
	[tilespmem:$0x1C400] =	vst v63  }
0xe5: {  	s8 =	simm.s32 $0x4C00;
	v3 =	vperm.xlane v3, v2  }
0xe6: {  	[tilespmem:s8], [sflag:$0x1] =	stream.indirect_vreg.gather [hbm4b:s5+s3], $0x80, v4, vm0, $0xb8;
	[tilespmem:$0x1C400] =	vst v63  }
0xe7: {  	s13 =	simm.s32 $0x5400;
	v3 =	vadd.s32 v1, v3  }
0xe8: {  	[tilespmem:s13], [sflag:$0x1] =	stream.indirect_vreg.gather [hbm4b:s6+s3], $0x80, v4, vm0, $0xb8;
	[tilespmem:$0x1C400] =	vst v63  }
0xe9: {  	s20 =	simm.s32 $0x5C00  }
0xea: {  	[tilespmem:s20], [sflag:$0x1] =	stream.indirect_vreg.gather [hbm4b:s7+s3], $0x80, v4, vm0, $0xb8;
	[tilespmem:$0x1C400] =	vst v63  }
0xeb: {  	s17 =	simm.s32 $0x6400  }
0xec: {  	[tilespmem:s17], [sflag:$0x1] =	stream.indirect_vreg.gather [hbm4b:s1+s3], $0x80, v3, vm0, $0xb8;
	[tilespmem:$0x1C400] =	vst v63  }
0xed: {  	s22 =	simm.s32 $0x6C00  }
0xee: {  	[tilespmem:s22], [sflag:$0x1] =	stream.indirect_vreg.gather [hbm4b:s5+s3], $0x80, v3, vm0, $0xb8;
	[tilespmem:$0x1C400] =	vst v63  }
0xef: {  	s23 =	simm.s32 $0x7400  }
0xf0: {  	[tilespmem:s23], [sflag:$0x1] =	stream.indirect_vreg.gather [hbm4b:s6+s3], $0x80, v3, vm0, $0xb8;
	[tilespmem:$0x1C400] =	vst v63  }
0xf1: {  	s10 =	simm.s32 $0x7C00  }
0xf2: {  	[tilespmem:s10], [sflag:$0x1] =	stream.indirect_vreg.gather [hbm4b:s7+s3], $0x80, v3, vm0, $0xb8;
	[tilespmem:$0x1C400] =	vst v63  }
0xf3: {  	v3 =	vld [tilespmem:$0x90];
	_ =	sdelay $0x4  }
0xf4: {  	v57 =	vshll.u32 v3, $0x3  }
0xf5: {  	v3 =	vand.u32 $0x7, v3;
	v4 =	vand.u32 $0xFFFFFFC0, v57  }
0xf6: {  	v3 =	vor.u32 v3, v4  }
0xf7: {  	v4 =	vperm.xlane v3, v0;
	_ =	sdelay $0x1  }
0xf8: {  	v4 =	vadd.s32 v1, v4;
	_ =	sdelay $0x3  }
0xf9: {  	s11 =	simm.s32 $0x8400  }
0xfa: {  	[tilespmem:s11], [sflag:$0x1] =	stream.indirect_vreg.gather [hbm4b:s1+s3], $0x80, v4, vm0, $0xb8;
	[tilespmem:$0x1C400] =	vst v63  }
0xfb: {  	s14 =	simm.s32 $0x8C00;
	v3 =	vperm.xlane v3, v2  }
0xfc: {  	[tilespmem:s14], [sflag:$0x1] =	stream.indirect_vreg.gather [hbm4b:s5+s3], $0x80, v4, vm0, $0xb8;
	[tilespmem:$0x1C400] =	vst v63  }
0xfd: {  	s26 =	simm.s32 $0x9400;
	v3 =	vadd.s32 v1, v3  }
0xfe: {  	[tilespmem:s26], [sflag:$0x1] =	stream.indirect_vreg.gather [hbm4b:s6+s3], $0x80, v4, vm0, $0xb8;
	[tilespmem:$0x1C400] =	vst v63  }
0xff: {  	s28 =	simm.s32 $0x9C00  }
0x100: {  	[tilespmem:s28], [sflag:$0x1] =	stream.indirect_vreg.gather [hbm4b:s7+s3], $0x80, v4, vm0, $0xb8;
	[tilespmem:$0x1C400] =	vst v63  }
0x101: {  	s29 =	simm.s32 $0xA400  }
0x102: {  	[tilespmem:s29], [sflag:$0x1] =	stream.indirect_vreg.gather [hbm4b:s1+s3], $0x80, v3, vm0, $0xb8;
	[tilespmem:$0x1C400] =	vst v63  }
0x103: {  	s29 =	simm.s32 $0xAC00  }
0x104: {  	[tilespmem:s29], [sflag:$0x1] =	stream.indirect_vreg.gather [hbm4b:s5+s3], $0x80, v3, vm0, $0xb8;
	[tilespmem:$0x1C400] =	vst v63  }
0x105: {  	s21 =	simm.s32 $0xB400  }
0x106: {  	[tilespmem:s21], [sflag:$0x1] =	stream.indirect_vreg.gather [hbm4b:s6+s3], $0x80, v3, vm0, $0xb8;
	[tilespmem:$0x1C400] =	vst v63  }
0x107: {  	s15 =	simm.s32 $0xBC00  }
0x108: {  	[tilespmem:s15], [sflag:$0x1] =	stream.indirect_vreg.gather [hbm4b:s7+s3], $0x80, v3, vm0, $0xb8;
	[tilespmem:$0x1C400] =	vst v63  }
0x109: {  	v3 =	vld.msk [tilespmem:$0xA0], $0xff;
	_ =	sdelay $0x4  }
0x10a: {  	v58 =	vshll.u32 v3, $0x3  }
0x10b: {  	v3 =	vand.u32 $0x7, v3;
	v4 =	vand.u32 $0xFFFFFFC0, v58  }
0x10c: {  	v3 =	vor.u32 v3, v4  }
0x10d: {  	v3 =	vperm.xlane v3, v0;
	_ =	sdelay $0x1  }
0x10e: {  	v3 =	vadd.s32 v1, v3;
	_ =	sdelay $0x3  }
0x10f: {  	s24 =	simm.s32 $0xC400  }
0x110: {  	[tilespmem:s24], [sflag:$0x1] =	stream.indirect_vreg.gather [hbm4b:s1+s3], $0x80, v3, vm0, $0xb8;
	[tilespmem:$0x1C400] =	vst v63  }
0x111: {  	s25 =	simm.s32 $0xCC00  }
0x112: {  	[tilespmem:s25], [sflag:$0x1] =	stream.indirect_vreg.gather [hbm4b:s5+s3], $0x80, v3, vm0, $0xb8;
	[tilespmem:$0x1C400] =	vst v63  }
0x113: {  	s30 =	simm.s32 $0xD400  }
0x114: {  	[tilespmem:s30], [sflag:$0x1] =	stream.indirect_vreg.gather [hbm4b:s6+s3], $0x80, v3, vm0, $0xb8;
	[tilespmem:$0x1C400] =	vst v63  }
0x115: {  	s16 =	simm.s32 $0xDC00  }
0x116: {  	[tilespmem:s16], [sflag:$0x1] =	stream.indirect_vreg.gather [hbm4b:s7+s3], $0x80, v3, vm0, $0xb8;
	[tilespmem:$0x1C400] =	vst v63  }
0x117: {  	_ =	swait.ge [sflag:s18], $0xE000  }
0x118: {  	[sflag:s18] =	ssyncset.done $0x0  }
0x119: {  	s0 =	simm.s32 $0xE400;
	s31 =	rddreg [dreg:$0x5];
	[sflag:s18] =	ssyncadd.s32 $0xFFFF2000  }
0x11a: {  	[hbm4b:s31+s3] =	stream.linear.scatter [tilespmem:s0], [sflag:$0x4], $0xE000, $0x38;
	[tilespmem:$0x1C400] =	vst v63  }
0x11b: {  	_ =	swait.ge [sflag:s19], $0xE000  }
0x11c: {  	[sflag:s19] =	ssyncset.done $0x0  }
0x11d: {  	[sflag:s19] =	ssyncadd.s32 $0xFFFF2000  }
0x11e: {  	v3 =	vld [tilespmem:$0xA8];
	_ =	sdelay $0x4  }
0x11f: {  	v59 =	vshll.u32 v3, $0x3  }
0x120: {  	v3 =	vand.u32 $0x7, v3;
	v4 =	vand.u32 $0xFFFFFFC0, v59  }
0x121: {  	v3 =	vor.u32 v3, v4  }
0x122: {  	v4 =	vperm.xlane v3, v0;
	_ =	sdelay $0x1  }
0x123: {  	v4 =	vadd.s32 v1, v4;
	_ =	sdelay $0x4  }
0x124: {  	[tilespmem:s0], [sflag:$0x2] =	stream.indirect_vreg.gather [hbm4b:s1+s3], $0x80, v4, vm0, $0xb8;
	[tilespmem:$0x1C400] =	vst v63  }
0x125: {  	s8 =	simm.s32 $0xEC00;
	v3 =	vperm.xlane v3, v2  }
0x126: {  	[tilespmem:s8], [sflag:$0x2] =	stream.indirect_vreg.gather [hbm4b:s5+s3], $0x80, v4, vm0, $0xb8;
	[tilespmem:$0x1C400] =	vst v63  }
0x127: {  	s15 =	simm.s32 $0xF400;
	v3 =	vadd.s32 v1, v3  }
0x128: {  	[tilespmem:s15], [sflag:$0x2] =	stream.indirect_vreg.gather [hbm4b:s6+s3], $0x80, v4, vm0, $0xb8;
	[tilespmem:$0x1C400] =	vst v63  }
0x129: {  	s16 =	simm.s32 $0xFC00  }
0x12a: {  	[tilespmem:s16], [sflag:$0x2] =	stream.indirect_vreg.gather [hbm4b:s7+s3], $0x80, v4, vm0, $0xb8;
	[tilespmem:$0x1C400] =	vst v63  }
0x12b: {  	s17 =	simm.s32 $0x10400  }
0x12c: {  	[tilespmem:s17], [sflag:$0x2] =	stream.indirect_vreg.gather [hbm4b:s1+s3], $0x80, v3, vm0, $0xb8;
	[tilespmem:$0x1C400] =	vst v63  }
0x12d: {  	s22 =	simm.s32 $0x10C00  }
0x12e: {  	[tilespmem:s22], [sflag:$0x2] =	stream.indirect_vreg.gather [hbm4b:s5+s3], $0x80, v3, vm0, $0xb8;
	[tilespmem:$0x1C400] =	vst v63  }
0x12f: {  	s23 =	simm.s32 $0x11400  }
0x130: {  	[tilespmem:s23], [sflag:$0x2] =	stream.indirect_vreg.gather [hbm4b:s6+s3], $0x80, v3, vm0, $0xb8;
	[tilespmem:$0x1C400] =	vst v63  }
0x131: {  	s10 =	simm.s32 $0x11C00  }
0x132: {  	[tilespmem:s10], [sflag:$0x2] =	stream.indirect_vreg.gather [hbm4b:s7+s3], $0x80, v3, vm0, $0xb8;
	[tilespmem:$0x1C400] =	vst v63  }
0x133: {  	v3 =	vld [tilespmem:$0xB8];
	_ =	sdelay $0x4  }
0x134: {  	v60 =	vshll.u32 v3, $0x3  }
0x135: {  	v3 =	vand.u32 $0x7, v3;
	v4 =	vand.u32 $0xFFFFFFC0, v60  }
0x136: {  	v3 =	vor.u32 v3, v4  }
0x137: {  	v4 =	vperm.xlane v3, v0;
	_ =	sdelay $0x1  }
0x138: {  	v4 =	vadd.s32 v1, v4;
	_ =	sdelay $0x3  }
0x139: {  	s11 =	simm.s32 $0x12400  }
0x13a: {  	[tilespmem:s11], [sflag:$0x2] =	stream.indirect_vreg.gather [hbm4b:s1+s3], $0x80, v4, vm0, $0xb8;
	[tilespmem:$0x1C400] =	vst v63  }
0x13b: {  	s12 =	simm.s32 $0x12C00;
	v3 =	vperm.xlane v3, v2  }
0x13c: {  	[tilespmem:s12], [sflag:$0x2] =	stream.indirect_vreg.gather [hbm4b:s5+s3], $0x80, v4, vm0, $0xb8;
	[tilespmem:$0x1C400] =	vst v63  }
0x13d: {  	s24 =	simm.s32 $0x13400;
	v3 =	vadd.s32 v1, v3  }
0x13e: {  	[tilespmem:s24], [sflag:$0x2] =	stream.indirect_vreg.gather [hbm4b:s6+s3], $0x80, v4, vm0, $0xb8;
	[tilespmem:$0x1C400] =	vst v63  }
0x13f: {  	s25 =	simm.s32 $0x13C00  }
0x140: {  	[tilespmem:s25], [sflag:$0x2] =	stream.indirect_vreg.gather [hbm4b:s7+s3], $0x80, v4, vm0, $0xb8;
	[tilespmem:$0x1C400] =	vst v63  }
0x141: {  	s26 =	simm.s32 $0x14400  }
0x142: {  	[tilespmem:s26], [sflag:$0x2] =	stream.indirect_vreg.gather [hbm4b:s1+s3], $0x80, v3, vm0, $0xb8;
	[tilespmem:$0x1C400] =	vst v63  }
0x143: {  	s28 =	simm.s32 $0x14C00  }
0x144: {  	[tilespmem:s28], [sflag:$0x2] =	stream.indirect_vreg.gather [hbm4b:s5+s3], $0x80, v3, vm0, $0xb8;
	[tilespmem:$0x1C400] =	vst v63  }
0x145: {  	s29 =	simm.s32 $0x15400  }
0x146: {  	[tilespmem:s29], [sflag:$0x2] =	stream.indirect_vreg.gather [hbm4b:s6+s3], $0x80, v3, vm0, $0xb8;
	[tilespmem:$0x1C400] =	vst v63  }
0x147: {  	s13 =	simm.s32 $0x15C00  }
0x148: {  	[tilespmem:s13], [sflag:$0x2] =	stream.indirect_vreg.gather [hbm4b:s7+s3], $0x80, v3, vm0, $0xb8;
	[tilespmem:$0x1C400] =	vst v63  }
0x149: {  	v3 =	vld [tilespmem:$0xC8];
	_ =	sdelay $0x4  }
0x14a: {  	v61 =	vshll.u32 v3, $0x3  }
0x14b: {  	v3 =	vand.u32 $0x7, v3;
	v4 =	vand.u32 $0xFFFFFFC0, v61  }
0x14c: {  	v3 =	vor.u32 v3, v4  }
0x14d: {  	v4 =	vperm.xlane v3, v0;
	_ =	sdelay $0x1  }
0x14e: {  	v4 =	vadd.s32 v1, v4;
	_ =	sdelay $0x3  }
0x14f: {  	s14 =	simm.s32 $0x16400  }
0x150: {  	[tilespmem:s14], [sflag:$0x2] =	stream.indirect_vreg.gather [hbm4b:s1+s3], $0x80, v4, vm0, $0xb8;
	[tilespmem:$0x1C400] =	vst v63  }
0x151: {  	v3 =	vperm.xlane v3, v2;
	s14 =	simm.s32 $0x16C00  }
0x152: {  	[tilespmem:s14], [sflag:$0x2] =	stream.indirect_vreg.gather [hbm4b:s5+s3], $0x80, v4, vm0, $0xb8;
	[tilespmem:$0x1C400] =	vst v63  }
0x153: {  	s30 =	simm.s32 $0x17400;
	v3 =	vadd.s32 v1, v3  }
0x154: {  	[tilespmem:s30], [sflag:$0x2] =	stream.indirect_vreg.gather [hbm4b:s6+s3], $0x80, v4, vm0, $0xb8;
	[tilespmem:$0x1C400] =	vst v63  }
0x155: {  	s31 =	simm.s32 $0x17C00  }
0x156: {  	[tilespmem:s31], [sflag:$0x2] =	stream.indirect_vreg.gather [hbm4b:s7+s3], $0x80, v4, vm0, $0xb8;
	[tilespmem:$0x1C400] =	vst v63  }
0x157: {  	s2 =	simm.s32 $0x18400  }
0x158: {  	[tilespmem:s2], [sflag:$0x2] =	stream.indirect_vreg.gather [hbm4b:s1+s3], $0x80, v3, vm0, $0xb8;
	[tilespmem:$0x1C400] =	vst v63  }
0x159: {  	s8 =	simm.s32 $0x18C00  }
0x15a: {  	[tilespmem:s8], [sflag:$0x2] =	stream.indirect_vreg.gather [hbm4b:s5+s3], $0x80, v3, vm0, $0xb8;
	[tilespmem:$0x1C400] =	vst v63  }
0x15b: {  	s21 =	simm.s32 $0x19400  }
0x15c: {  	[tilespmem:s21], [sflag:$0x2] =	stream.indirect_vreg.gather [hbm4b:s6+s3], $0x80, v3, vm0, $0xb8;
	[tilespmem:$0x1C400] =	vst v63  }
0x15d: {  	s10 =	simm.s32 $0x19C00  }
0x15e: {  	[tilespmem:s10], [sflag:$0x2] =	stream.indirect_vreg.gather [hbm4b:s7+s3], $0x80, v3, vm0, $0xb8;
	[tilespmem:$0x1C400] =	vst v63  }
0x15f: {  	v3 =	vld.msk [tilespmem:$0xD8], $0xff;
	_ =	sdelay $0x4  }
0x160: {  	v62 =	vshll.u32 v3, $0x3  }
0x161: {  	v3 =	vand.u32 $0x7, v3;
	v4 =	vand.u32 $0xFFFFFFC0, v62  }
0x162: {  	v3 =	vor.u32 v3, v4  }
0x163: {  	v3 =	vperm.xlane v3, v0;
	_ =	sdelay $0x1  }
0x164: {  	v3 =	vadd.s32 v1, v3;
	_ =	sdelay $0x3  }
0x165: {  	s11 =	simm.s32 $0x1A400  }
0x166: {  	[tilespmem:s11], [sflag:$0x2] =	stream.indirect_vreg.gather [hbm4b:s1+s3], $0x80, v3, vm0, $0xb8;
	[tilespmem:$0x1C400] =	vst v63  }
0x167: {  	s12 =	simm.s32 $0x1AC00  }
0x168: {  	[tilespmem:s12], [sflag:$0x2] =	stream.indirect_vreg.gather [hbm4b:s5+s3], $0x80, v3, vm0, $0xb8;
	[tilespmem:$0x1C400] =	vst v63  }
0x169: {  	s13 =	simm.s32 $0x1B400  }
0x16a: {  	[tilespmem:s13], [sflag:$0x2] =	stream.indirect_vreg.gather [hbm4b:s6+s3], $0x80, v3, vm0, $0xb8;
	[tilespmem:$0x1C400] =	vst v63  }
0x16b: {  	s20 =	simm.s32 $0x1BC00  }
0x16c: {  	[tilespmem:s20], [sflag:$0x2] =	stream.indirect_vreg.gather [hbm4b:s7+s3], $0x80, v3, vm0, $0xb8;
	[tilespmem:$0x1C400] =	vst v63  }
0x16d: {  	_ =	swait.ge [sflag:s9], $0xE000  }
0x16e: {  	[sflag:s9] =	ssyncset.done $0x0  }
0x16f: {  	s0 =	simm.s32 $0x400;
	s20 =	rddreg [dreg:$0x6];
	[sflag:s9] =	ssyncadd.s32 $0xFFFF2000  }
0x170: {  	[hbm4b:s20+s3] =	stream.linear.scatter [tilespmem:s0], [sflag:$0x3], $0xE000, $0x38;
	[tilespmem:$0x1C400] =	vst v63  }
0x171: {  	_ =	swait.ge [sflag:s4], $0xE000  }
0x172: {  	[sflag:s4] =	ssyncset.done $0x0  }
0x173: {  	[sflag:s4] =	ssyncadd.s32 $0xFFFF2000  }
0x174: {  	v3 =	vld [tilespmem:$0xE0];
	_ =	sdelay $0x4  }
0x175: {  	v63 =	vshll.u32 v3, $0x3  }
0x176: {  	v3 =	vand.u32 $0x7, v3;
	v4 =	vand.u32 $0xFFFFFFC0, v63  }
0x177: {  	v3 =	vor.u32 v3, v4  }
0x178: {  	v4 =	vperm.xlane v3, v0;
	_ =	sdelay $0x1  }
0x179: {  	v4 =	vadd.s32 v1, v4;
	_ =	sdelay $0x4  }
0x17a: {  	[tilespmem:s0], [sflag:$0x1] =	stream.indirect_vreg.gather [hbm4b:s1+s3], $0x80, v4, vm0, $0xb8;
	[tilespmem:$0x1C400] =	vst v63  }
0x17b: {  	s20 =	simm.s32 $0xC00;
	v3 =	vperm.xlane v3, v2  }
0x17c: {  	[tilespmem:s20], [sflag:$0x1] =	stream.indirect_vreg.gather [hbm4b:s5+s3], $0x80, v4, vm0, $0xb8;
	[tilespmem:$0x1C400] =	vst v63  }
0x17d: {  	v3 =	vadd.s32 v1, v3;
	s20 =	simm.s32 $0x1400  }
0x17e: {  	[tilespmem:s20], [sflag:$0x1] =	stream.indirect_vreg.gather [hbm4b:s6+s3], $0x80, v4, vm0, $0xb8;
	[tilespmem:$0x1C400] =	vst v63  }
0x17f: {  	s20 =	simm.s32 $0x1C00  }
0x180: {  	[tilespmem:s20], [sflag:$0x1] =	stream.indirect_vreg.gather [hbm4b:s7+s3], $0x80, v4, vm0, $0xb8;
	[tilespmem:$0x1C400] =	vst v63  }
0x181: {  	s20 =	simm.s32 $0x2400  }
0x182: {  	[tilespmem:s20], [sflag:$0x1] =	stream.indirect_vreg.gather [hbm4b:s1+s3], $0x80, v3, vm0, $0xb8;
	[tilespmem:$0x1C400] =	vst v63  }
0x183: {  	s20 =	simm.s32 $0x2C00  }
0x184: {  	[tilespmem:s20], [sflag:$0x1] =	stream.indirect_vreg.gather [hbm4b:s5+s3], $0x80, v3, vm0, $0xb8;
	[tilespmem:$0x1C400] =	vst v63  }
0x185: {  	s20 =	simm.s32 $0x3400  }
0x186: {  	[tilespmem:s20], [sflag:$0x1] =	stream.indirect_vreg.gather [hbm4b:s6+s3], $0x80, v3, vm0, $0xb8;
	[tilespmem:$0x1C400] =	vst v63  }
0x187: {  	s20 =	simm.s32 $0x3C00  }
0x188: {  	[tilespmem:s20], [sflag:$0x1] =	stream.indirect_vreg.gather [hbm4b:s7+s3], $0x80, v3, vm0, $0xb8;
	[tilespmem:$0x1C400] =	vst v63  }
0x189: {  	v3 =	vld [tilespmem:$0xF0];
	_ =	sdelay $0x4  }
0x18a: {  	v8 =	vshll.u32 v3, $0x3  }
0x18b: {  	v3 =	vand.u32 $0x7, v3;
	v4 =	vand.u32 $0xFFFFFFC0, v8  }
0x18c: {  	v3 =	vor.u32 v3, v4  }
0x18d: {  	v4 =	vperm.xlane v3, v0;
	_ =	sdelay $0x1  }
0x18e: {  	v4 =	vadd.s32 v1, v4;
	_ =	sdelay $0x3  }
0x18f: {  	s20 =	simm.s32 $0x4400  }
0x190: {  	[tilespmem:s20], [sflag:$0x1] =	stream.indirect_vreg.gather [hbm4b:s1+s3], $0x80, v4, vm0, $0xb8;
	[tilespmem:$0x1C400] =	vst v63  }
0x191: {  	v3 =	vperm.xlane v3, v2;
	s20 =	simm.s32 $0x4C00  }
0x192: {  	[tilespmem:s20], [sflag:$0x1] =	stream.indirect_vreg.gather [hbm4b:s5+s3], $0x80, v4, vm0, $0xb8;
	[tilespmem:$0x1C400] =	vst v63  }
0x193: {  	v3 =	vadd.s32 v1, v3;
	s20 =	simm.s32 $0x5400  }
0x194: {  	[tilespmem:s20], [sflag:$0x1] =	stream.indirect_vreg.gather [hbm4b:s6+s3], $0x80, v4, vm0, $0xb8;
	[tilespmem:$0x1C400] =	vst v63  }
0x195: {  	s20 =	simm.s32 $0x5C00  }
0x196: {  	[tilespmem:s20], [sflag:$0x1] =	stream.indirect_vreg.gather [hbm4b:s7+s3], $0x80, v4, vm0, $0xb8;
	[tilespmem:$0x1C400] =	vst v63  }
0x197: {  	s20 =	simm.s32 $0x6400  }
0x198: {  	[tilespmem:s20], [sflag:$0x1] =	stream.indirect_vreg.gather [hbm4b:s1+s3], $0x80, v3, vm0, $0xb8;
	[tilespmem:$0x1C400] =	vst v63  }
0x199: {  	s20 =	simm.s32 $0x6C00  }
0x19a: {  	[tilespmem:s20], [sflag:$0x1] =	stream.indirect_vreg.gather [hbm4b:s5+s3], $0x80, v3, vm0, $0xb8;
	[tilespmem:$0x1C400] =	vst v63  }
0x19b: {  	s20 =	simm.s32 $0x7400  }
0x19c: {  	[tilespmem:s20], [sflag:$0x1] =	stream.indirect_vreg.gather [hbm4b:s6+s3], $0x80, v3, vm0, $0xb8;
	[tilespmem:$0x1C400] =	vst v63  }
0x19d: {  	s20 =	simm.s32 $0x7C00  }
0x19e: {  	[tilespmem:s20], [sflag:$0x1] =	stream.indirect_vreg.gather [hbm4b:s7+s3], $0x80, v3, vm0, $0xb8;
	[tilespmem:$0x1C400] =	vst v63  }
0x19f: {  	v3 =	vld [tilespmem:$0x100];
	_ =	sdelay $0x4  }
0x1a0: {  	v9 =	vshll.u32 v3, $0x3  }
0x1a1: {  	v3 =	vand.u32 $0x7, v3;
	v4 =	vand.u32 $0xFFFFFFC0, v9  }
0x1a2: {  	v3 =	vor.u32 v3, v4  }
0x1a3: {  	v4 =	vperm.xlane v3, v0;
	_ =	sdelay $0x1  }
0x1a4: {  	v4 =	vadd.s32 v1, v4;
	_ =	sdelay $0x3  }
0x1a5: {  	s20 =	simm.s32 $0x8400  }
0x1a6: {  	[tilespmem:s20], [sflag:$0x1] =	stream.indirect_vreg.gather [hbm4b:s1+s3], $0x80, v4, vm0, $0xb8;
	[tilespmem:$0x1C400] =	vst v63  }
0x1a7: {  	v3 =	vperm.xlane v3, v2;
	s20 =	simm.s32 $0x8C00  }
0x1a8: {  	[tilespmem:s20], [sflag:$0x1] =	stream.indirect_vreg.gather [hbm4b:s5+s3], $0x80, v4, vm0, $0xb8;
	[tilespmem:$0x1C400] =	vst v63  }
0x1a9: {  	v3 =	vadd.s32 v1, v3;
	s20 =	simm.s32 $0x9400  }
0x1aa: {  	[tilespmem:s20], [sflag:$0x1] =	stream.indirect_vreg.gather [hbm4b:s6+s3], $0x80, v4, vm0, $0xb8;
	[tilespmem:$0x1C400] =	vst v63  }
0x1ab: {  	s20 =	simm.s32 $0x9C00  }
0x1ac: {  	[tilespmem:s20], [sflag:$0x1] =	stream.indirect_vreg.gather [hbm4b:s7+s3], $0x80, v4, vm0, $0xb8;
	[tilespmem:$0x1C400] =	vst v63  }
0x1ad: {  	s20 =	simm.s32 $0xA400  }
0x1ae: {  	[tilespmem:s20], [sflag:$0x1] =	stream.indirect_vreg.gather [hbm4b:s1+s3], $0x80, v3, vm0, $0xb8;
	[tilespmem:$0x1C400] =	vst v63  }
0x1af: {  	s20 =	simm.s32 $0xAC00  }
0x1b0: {  	[tilespmem:s20], [sflag:$0x1] =	stream.indirect_vreg.gather [hbm4b:s5+s3], $0x80, v3, vm0, $0xb8;
	[tilespmem:$0x1C400] =	vst v63  }
0x1b1: {  	s20 =	simm.s32 $0xB400  }
0x1b2: {  	[tilespmem:s20], [sflag:$0x1] =	stream.indirect_vreg.gather [hbm4b:s6+s3], $0x80, v3, vm0, $0xb8;
	[tilespmem:$0x1C400] =	vst v63  }
0x1b3: {  	s20 =	simm.s32 $0xBC00  }
0x1b4: {  	[tilespmem:s20], [sflag:$0x1] =	stream.indirect_vreg.gather [hbm4b:s7+s3], $0x80, v3, vm0, $0xb8;
	[tilespmem:$0x1C400] =	vst v63  }
0x1b5: {  	v3 =	vld.msk [tilespmem:$0x110], $0xff;
	_ =	sdelay $0x4  }
0x1b6: {  	v10 =	vshll.u32 v3, $0x3  }
0x1b7: {  	v3 =	vand.u32 $0x7, v3;
	v4 =	vand.u32 $0xFFFFFFC0, v10  }
0x1b8: {  	v3 =	vor.u32 v3, v4  }
0x1b9: {  	v3 =	vperm.xlane v3, v0;
	_ =	sdelay $0x1  }
0x1ba: {  	v3 =	vadd.s32 v1, v3;
	_ =	sdelay $0x3  }
0x1bb: {  	s20 =	simm.s32 $0xC400  }
0x1bc: {  	[tilespmem:s20], [sflag:$0x1] =	stream.indirect_vreg.gather [hbm4b:s1+s3], $0x80, v3, vm0, $0xb8;
	[tilespmem:$0x1C400] =	vst v63  }
0x1bd: {  	s20 =	simm.s32 $0xCC00  }
0x1be: {  	[tilespmem:s20], [sflag:$0x1] =	stream.indirect_vreg.gather [hbm4b:s5+s3], $0x80, v3, vm0, $0xb8;
	[tilespmem:$0x1C400] =	vst v63  }
0x1bf: {  	s20 =	simm.s32 $0xD400  }
0x1c0: {  	[tilespmem:s20], [sflag:$0x1] =	stream.indirect_vreg.gather [hbm4b:s6+s3], $0x80, v3, vm0, $0xb8;
	[tilespmem:$0x1C400] =	vst v63  }
0x1c1: {  	s20 =	simm.s32 $0xDC00  }
0x1c2: {  	[tilespmem:s20], [sflag:$0x1] =	stream.indirect_vreg.gather [hbm4b:s7+s3], $0x80, v3, vm0, $0xb8;
	[tilespmem:$0x1C400] =	vst v63  }
0x1c3: {  	_ =	swait.ge [sflag:s18], $0xE000  }
0x1c4: {  	[sflag:s18] =	ssyncset.done $0x0  }
0x1c5: {  	s0 =	simm.s32 $0xE400;
	s20 =	rddreg [dreg:$0x7];
	[sflag:s18] =	ssyncadd.s32 $0xFFFF2000  }
0x1c6: {  	[hbm4b:s20+s3] =	stream.linear.scatter [tilespmem:s0], [sflag:$0x4], $0xE000, $0x38;
	[tilespmem:$0x1C400] =	vst v63  }
0x1c7: {  	_ =	swait.ge [sflag:s19], $0xE000  }
0x1c8: {  	[sflag:s19] =	ssyncset.done $0x0  }
0x1c9: {  	[sflag:s19] =	ssyncadd.s32 $0xFFFF2000  }
0x1ca: {  	v3 =	vld [tilespmem:$0x118];
	_ =	sdelay $0x4  }
0x1cb: {  	v11 =	vshll.u32 v3, $0x3  }
0x1cc: {  	v3 =	vand.u32 $0x7, v3;
	v4 =	vand.u32 $0xFFFFFFC0, v11  }
0x1cd: {  	v3 =	vor.u32 v3, v4  }
0x1ce: {  	v4 =	vperm.xlane v3, v0;
	_ =	sdelay $0x1  }
0x1cf: {  	v4 =	vadd.s32 v1, v4;
	_ =	sdelay $0x4  }
0x1d0: {  	[tilespmem:s0], [sflag:$0x2] =	stream.indirect_vreg.gather [hbm4b:s1+s3], $0x80, v4, vm0, $0xb8;
	[tilespmem:$0x1C400] =	vst v63  }
0x1d1: {  	s20 =	simm.s32 $0xEC00;
	v3 =	vperm.xlane v3, v2  }
0x1d2: {  	[tilespmem:s20], [sflag:$0x2] =	stream.indirect_vreg.gather [hbm4b:s5+s3], $0x80, v4, vm0, $0xb8;
	[tilespmem:$0x1C400] =	vst v63  }
0x1d3: {  	v3 =	vadd.s32 v1, v3  }
0x1d4: {  	[tilespmem:s15], [sflag:$0x2] =	stream.indirect_vreg.gather [hbm4b:s6+s3], $0x80, v4, vm0, $0xb8;
	[tilespmem:$0x1C400] =	vst v63  }
0x1d5: {  	_ = 	snop  }
0x1d6: {  	[tilespmem:s16], [sflag:$0x2] =	stream.indirect_vreg.gather [hbm4b:s7+s3], $0x80, v4, vm0, $0xb8;
	[tilespmem:$0x1C400] =	vst v63  }
0x1d7: {  	_ = 	snop  }
0x1d8: {  	[tilespmem:s17], [sflag:$0x2] =	stream.indirect_vreg.gather [hbm4b:s1+s3], $0x80, v3, vm0, $0xb8;
	[tilespmem:$0x1C400] =	vst v63  }
0x1d9: {  	_ = 	snop  }
0x1da: {  	[tilespmem:s22], [sflag:$0x2] =	stream.indirect_vreg.gather [hbm4b:s5+s3], $0x80, v3, vm0, $0xb8;
	[tilespmem:$0x1C400] =	vst v63  }
0x1db: {  	_ = 	snop  }
0x1dc: {  	[tilespmem:s23], [sflag:$0x2] =	stream.indirect_vreg.gather [hbm4b:s6+s3], $0x80, v3, vm0, $0xb8;
	[tilespmem:$0x1C400] =	vst v63  }
0x1dd: {  	s23 =	simm.s32 $0x11C00  }
0x1de: {  	[tilespmem:s23], [sflag:$0x2] =	stream.indirect_vreg.gather [hbm4b:s7+s3], $0x80, v3, vm0, $0xb8;
	[tilespmem:$0x1C400] =	vst v63  }
0x1df: {  	v3 =	vld [tilespmem:$0x128];
	_ =	sdelay $0x4  }
0x1e0: {  	v12 =	vshll.u32 v3, $0x3  }
0x1e1: {  	v3 =	vand.u32 $0x7, v3;
	v4 =	vand.u32 $0xFFFFFFC0, v12  }
0x1e2: {  	v3 =	vor.u32 v3, v4  }
0x1e3: {  	v4 =	vperm.xlane v3, v0;
	_ =	sdelay $0x1  }
0x1e4: {  	v4 =	vadd.s32 v1, v4;
	_ =	sdelay $0x3  }
0x1e5: {  	s15 =	simm.s32 $0x12400  }
0x1e6: {  	[tilespmem:s15], [sflag:$0x2] =	stream.indirect_vreg.gather [hbm4b:s1+s3], $0x80, v4, vm0, $0xb8;
	[tilespmem:$0x1C400] =	vst v63  }
0x1e7: {  	s16 =	simm.s32 $0x12C00;
	v3 =	vperm.xlane v3, v2  }
0x1e8: {  	[tilespmem:s16], [sflag:$0x2] =	stream.indirect_vreg.gather [hbm4b:s5+s3], $0x80, v4, vm0, $0xb8;
	[tilespmem:$0x1C400] =	vst v63  }
0x1e9: {  	v3 =	vadd.s32 v1, v3  }
0x1ea: {  	[tilespmem:s24], [sflag:$0x2] =	stream.indirect_vreg.gather [hbm4b:s6+s3], $0x80, v4, vm0, $0xb8;
	[tilespmem:$0x1C400] =	vst v63  }
0x1eb: {  	_ = 	snop  }
0x1ec: {  	[tilespmem:s25], [sflag:$0x2] =	stream.indirect_vreg.gather [hbm4b:s7+s3], $0x80, v4, vm0, $0xb8;
	[tilespmem:$0x1C400] =	vst v63  }
0x1ed: {  	_ = 	snop  }
0x1ee: {  	[tilespmem:s26], [sflag:$0x2] =	stream.indirect_vreg.gather [hbm4b:s1+s3], $0x80, v3, vm0, $0xb8;
	[tilespmem:$0x1C400] =	vst v63  }
0x1ef: {  	_ = 	snop  }
0x1f0: {  	[tilespmem:s28], [sflag:$0x2] =	stream.indirect_vreg.gather [hbm4b:s5+s3], $0x80, v3, vm0, $0xb8;
	[tilespmem:$0x1C400] =	vst v63  }
0x1f1: {  	_ = 	snop  }
0x1f2: {  	[tilespmem:s29], [sflag:$0x2] =	stream.indirect_vreg.gather [hbm4b:s6+s3], $0x80, v3, vm0, $0xb8;
	[tilespmem:$0x1C400] =	vst v63  }
0x1f3: {  	s17 =	simm.s32 $0x15C00  }
0x1f4: {  	[tilespmem:s17], [sflag:$0x2] =	stream.indirect_vreg.gather [hbm4b:s7+s3], $0x80, v3, vm0, $0xb8;
	[tilespmem:$0x1C400] =	vst v63  }
0x1f5: {  	v3 =	vld [tilespmem:$0x138];
	_ =	sdelay $0x4  }
0x1f6: {  	v13 =	vshll.u32 v3, $0x3  }
0x1f7: {  	v3 =	vand.u32 $0x7, v3;
	v4 =	vand.u32 $0xFFFFFFC0, v13  }
0x1f8: {  	v3 =	vor.u32 v3, v4  }
0x1f9: {  	v4 =	vperm.xlane v3, v0;
	_ =	sdelay $0x1  }
0x1fa: {  	v4 =	vadd.s32 v1, v4;
	_ =	sdelay $0x3  }
0x1fb: {  	s20 =	simm.s32 $0x16400  }
0x1fc: {  	[tilespmem:s20], [sflag:$0x2] =	stream.indirect_vreg.gather [hbm4b:s1+s3], $0x80, v4, vm0, $0xb8;
	[tilespmem:$0x1C400] =	vst v63  }
0x1fd: {  	v3 =	vperm.xlane v3, v2  }
0x1fe: {  	[tilespmem:s14], [sflag:$0x2] =	stream.indirect_vreg.gather [hbm4b:s5+s3], $0x80, v4, vm0, $0xb8;
	[tilespmem:$0x1C400] =	vst v63  }
0x1ff: {  	v3 =	vadd.s32 v1, v3  }
0x200: {  	[tilespmem:s30], [sflag:$0x2] =	stream.indirect_vreg.gather [hbm4b:s6+s3], $0x80, v4, vm0, $0xb8;
	[tilespmem:$0x1C400] =	vst v63  }
0x201: {  	_ = 	snop  }
0x202: {  	[tilespmem:s31], [sflag:$0x2] =	stream.indirect_vreg.gather [hbm4b:s7+s3], $0x80, v4, vm0, $0xb8;
	[tilespmem:$0x1C400] =	vst v63  }
0x203: {  	_ = 	snop  }
0x204: {  	[tilespmem:s2], [sflag:$0x2] =	stream.indirect_vreg.gather [hbm4b:s1+s3], $0x80, v3, vm0, $0xb8;
	[tilespmem:$0x1C400] =	vst v63  }
0x205: {  	_ = 	snop  }
0x206: {  	[tilespmem:s8], [sflag:$0x2] =	stream.indirect_vreg.gather [hbm4b:s5+s3], $0x80, v3, vm0, $0xb8;
	[tilespmem:$0x1C400] =	vst v63  }
0x207: {  	_ = 	snop  }
0x208: {  	[tilespmem:s21], [sflag:$0x2] =	stream.indirect_vreg.gather [hbm4b:s6+s3], $0x80, v3, vm0, $0xb8;
	[tilespmem:$0x1C400] =	vst v63  }
0x209: {  	_ = 	snop  }
0x20a: {  	[tilespmem:s10], [sflag:$0x2] =	stream.indirect_vreg.gather [hbm4b:s7+s3], $0x80, v3, vm0, $0xb8;
	[tilespmem:$0x1C400] =	vst v63  }
0x20b: {  	v3 =	vld.msk [tilespmem:$0x148], $0xff;
	_ =	sdelay $0x4  }
0x20c: {  	v14 =	vshll.u32 v3, $0x3  }
0x20d: {  	v3 =	vand.u32 $0x7, v3;
	v4 =	vand.u32 $0xFFFFFFC0, v14  }
0x20e: {  	v3 =	vor.u32 v3, v4  }
0x20f: {  	v3 =	vperm.xlane v3, v0;
	_ =	sdelay $0x1  }
0x210: {  	v3 =	vadd.s32 v1, v3;
	_ =	sdelay $0x4  }
0x211: {  	[tilespmem:s11], [sflag:$0x2] =	stream.indirect_vreg.gather [hbm4b:s1+s3], $0x80, v3, vm0, $0xb8;
	[tilespmem:$0x1C400] =	vst v63  }
0x212: {  	_ = 	snop  }
0x213: {  	[tilespmem:s12], [sflag:$0x2] =	stream.indirect_vreg.gather [hbm4b:s5+s3], $0x80, v3, vm0, $0xb8;
	[tilespmem:$0x1C400] =	vst v63  }
0x214: {  	_ = 	snop  }
0x215: {  	[tilespmem:s13], [sflag:$0x2] =	stream.indirect_vreg.gather [hbm4b:s6+s3], $0x80, v3, vm0, $0xb8;
	[tilespmem:$0x1C400] =	vst v63  }
0x216: {  	s10 =	simm.s32 $0x1BC00  }
0x217: {  	[tilespmem:s10], [sflag:$0x2] =	stream.indirect_vreg.gather [hbm4b:s7+s3], $0x80, v3, vm0, $0xb8;
	[tilespmem:$0x1C400] =	vst v63  }
0x218: {  	_ =	swait.ge [sflag:s9], $0xE000  }
0x219: {  	[sflag:s9] =	ssyncset.done $0x0  }
0x21a: {  	s23 =	simm.s32 $0x400;
	s22 =	rddreg [dreg:$0x8];
	[sflag:s9] =	ssyncadd.s32 $0xFFFF2000  }
0x21b: {  	[hbm4b:s22+s3] =	stream.linear.scatter [tilespmem:s23], [sflag:$0x3], $0xE000, $0x38;
	[tilespmem:$0x1C400] =	vst v63  }
0x21c: {  	_ =	swait.ge [sflag:s4], $0xE000  }
0x21d: {  	[sflag:s4] =	ssyncset.done $0x0  }
0x21e: {  	[sflag:s4] =	ssyncadd.s32 $0xFFFF2000  }
0x21f: {  	v3 =	vld [tilespmem:$0x150];
	_ =	sdelay $0x4  }
0x220: {  	v15 =	vshll.u32 v3, $0x3  }
0x221: {  	v3 =	vand.u32 $0x7, v3;
	v4 =	vand.u32 $0xFFFFFFC0, v15  }
0x222: {  	v3 =	vor.u32 v3, v4  }
0x223: {  	v4 =	vperm.xlane v3, v0;
	_ =	sdelay $0x1  }
0x224: {  	v4 =	vadd.s32 v1, v4;
	_ =	sdelay $0x4  }
0x225: {  	[tilespmem:s23], [sflag:$0x1] =	stream.indirect_vreg.gather [hbm4b:s1+s3], $0x80, v4, vm0, $0xb8;
	[tilespmem:$0x1C400] =	vst v63  }
0x226: {  	s26 =	simm.s32 $0xC00;
	v3 =	vperm.xlane v3, v2  }
0x227: {  	[tilespmem:s26], [sflag:$0x1] =	stream.indirect_vreg.gather [hbm4b:s5+s3], $0x80, v4, vm0, $0xb8;
	[tilespmem:$0x1C400] =	vst v63  }
0x228: {  	s25 =	simm.s32 $0x1400;
	v3 =	vadd.s32 v1, v3  }
0x229: {  	[tilespmem:s25], [sflag:$0x1] =	stream.indirect_vreg.gather [hbm4b:s6+s3], $0x80, v4, vm0, $0xb8;
	[tilespmem:$0x1C400] =	vst v63  }
0x22a: {  	s28 =	simm.s32 $0x1C00  }
0x22b: {  	[tilespmem:s28], [sflag:$0x1] =	stream.indirect_vreg.gather [hbm4b:s7+s3], $0x80, v4, vm0, $0xb8;
	[tilespmem:$0x1C400] =	vst v63  }
0x22c: {  	s29 =	simm.s32 $0x2400  }
0x22d: {  	[tilespmem:s29], [sflag:$0x1] =	stream.indirect_vreg.gather [hbm4b:s1+s3], $0x80, v3, vm0, $0xb8;
	[tilespmem:$0x1C400] =	vst v63  }
0x22e: {  	s30 =	simm.s32 $0x2C00  }
0x22f: {  	[tilespmem:s30], [sflag:$0x1] =	stream.indirect_vreg.gather [hbm4b:s5+s3], $0x80, v3, vm0, $0xb8;
	[tilespmem:$0x1C400] =	vst v63  }
0x230: {  	s31 =	simm.s32 $0x3400  }
0x231: {  	[tilespmem:s31], [sflag:$0x1] =	stream.indirect_vreg.gather [hbm4b:s6+s3], $0x80, v3, vm0, $0xb8;
	[tilespmem:$0x1C400] =	vst v63  }
0x232: {  	s0 =	simm.s32 $0x3C00  }
0x233: {  	[tilespmem:s0], [sflag:$0x1] =	stream.indirect_vreg.gather [hbm4b:s7+s3], $0x80, v3, vm0, $0xb8;
	[tilespmem:$0x1C400] =	vst v63  }
0x234: {  	v3 =	vld [tilespmem:$0x160];
	_ =	sdelay $0x4  }
0x235: {  	v16 =	vshll.u32 v3, $0x3  }
0x236: {  	v3 =	vand.u32 $0x7, v3;
	v4 =	vand.u32 $0xFFFFFFC0, v16  }
0x237: {  	v3 =	vor.u32 v3, v4  }
0x238: {  	v4 =	vperm.xlane v3, v0;
	_ =	sdelay $0x1  }
0x239: {  	v4 =	vadd.s32 v1, v4;
	_ =	sdelay $0x3  }
0x23a: {  	s24 =	simm.s32 $0x4400  }
0x23b: {  	[tilespmem:s24], [sflag:$0x1] =	stream.indirect_vreg.gather [hbm4b:s1+s3], $0x80, v4, vm0, $0xb8;
	[tilespmem:$0x1C400] =	vst v63  }
0x23c: {  	s8 =	simm.s32 $0x4C00;
	v3 =	vperm.xlane v3, v2  }
0x23d: {  	[tilespmem:s8], [sflag:$0x1] =	stream.indirect_vreg.gather [hbm4b:s5+s3], $0x80, v4, vm0, $0xb8;
	[tilespmem:$0x1C400] =	vst v63  }
0x23e: {  	s11 =	simm.s32 $0x5400;
	v3 =	vadd.s32 v1, v3  }
0x23f: {  	[tilespmem:s11], [sflag:$0x1] =	stream.indirect_vreg.gather [hbm4b:s6+s3], $0x80, v4, vm0, $0xb8;
	[tilespmem:$0x1C400] =	vst v63  }
0x240: {  	s12 =	simm.s32 $0x5C00  }
0x241: {  	[tilespmem:s12], [sflag:$0x1] =	stream.indirect_vreg.gather [hbm4b:s7+s3], $0x80, v4, vm0, $0xb8;
	[tilespmem:$0x1C400] =	vst v63  }
0x242: {  	s13 =	simm.s32 $0x6400  }
0x243: {  	[tilespmem:s13], [sflag:$0x1] =	stream.indirect_vreg.gather [hbm4b:s1+s3], $0x80, v3, vm0, $0xb8;
	[tilespmem:$0x1C400] =	vst v63  }
0x244: {  	s14 =	simm.s32 $0x6C00  }
0x245: {  	[tilespmem:s14], [sflag:$0x1] =	stream.indirect_vreg.gather [hbm4b:s5+s3], $0x80, v3, vm0, $0xb8;
	[tilespmem:$0x1C400] =	vst v63  }
0x246: {  	s15 =	simm.s32 $0x7400  }
0x247: {  	[tilespmem:s15], [sflag:$0x1] =	stream.indirect_vreg.gather [hbm4b:s6+s3], $0x80, v3, vm0, $0xb8;
	[tilespmem:$0x1C400] =	vst v63  }
0x248: {  	s16 =	simm.s32 $0x7C00  }
0x249: {  	[tilespmem:s16], [sflag:$0x1] =	stream.indirect_vreg.gather [hbm4b:s7+s3], $0x80, v3, vm0, $0xb8;
	[tilespmem:$0x1C400] =	vst v63  }
0x24a: {  	v3 =	vld [tilespmem:$0x170];
	_ =	sdelay $0x4  }
0x24b: {  	v17 =	vshll.u32 v3, $0x3  }
0x24c: {  	v3 =	vand.u32 $0x7, v3;
	v4 =	vand.u32 $0xFFFFFFC0, v17  }
0x24d: {  	v3 =	vor.u32 v3, v4  }
0x24e: {  	v4 =	vperm.xlane v3, v0;
	_ =	sdelay $0x1  }
0x24f: {  	v4 =	vadd.s32 v1, v4;
	_ =	sdelay $0x3  }
0x250: {  	s17 =	simm.s32 $0x8400  }
0x251: {  	[tilespmem:s17], [sflag:$0x1] =	stream.indirect_vreg.gather [hbm4b:s1+s3], $0x80, v4, vm0, $0xb8;
	[tilespmem:$0x1C400] =	vst v63  }
0x252: {  	s20 =	simm.s32 $0x8C00;
	v3 =	vperm.xlane v3, v2  }
0x253: {  	[tilespmem:s20], [sflag:$0x1] =	stream.indirect_vreg.gather [hbm4b:s5+s3], $0x80, v4, vm0, $0xb8;
	[tilespmem:$0x1C400] =	vst v63  }
0x254: {  	s21 =	simm.s32 $0x9400;
	v3 =	vadd.s32 v1, v3  }
0x255: {  	[tilespmem:s21], [sflag:$0x1] =	stream.indirect_vreg.gather [hbm4b:s6+s3], $0x80, v4, vm0, $0xb8;
	[tilespmem:$0x1C400] =	vst v63  }
0x256: {  	s22 =	simm.s32 $0x9C00  }
0x257: {  	[tilespmem:s22], [sflag:$0x1] =	stream.indirect_vreg.gather [hbm4b:s7+s3], $0x80, v4, vm0, $0xb8;
	[tilespmem:$0x1C400] =	vst v63  }
0x258: {  	s23 =	simm.s32 $0xA400  }
0x259: {  	[tilespmem:s23], [sflag:$0x1] =	stream.indirect_vreg.gather [hbm4b:s1+s3], $0x80, v3, vm0, $0xb8;
	[tilespmem:$0x1C400] =	vst v63  }
0x25a: {  	s24 =	simm.s32 $0xAC00  }
0x25b: {  	[tilespmem:s24], [sflag:$0x1] =	stream.indirect_vreg.gather [hbm4b:s5+s3], $0x80, v3, vm0, $0xb8;
	[tilespmem:$0x1C400] =	vst v63  }
0x25c: {  	s8 =	simm.s32 $0xB400  }
0x25d: {  	[tilespmem:s8], [sflag:$0x1] =	stream.indirect_vreg.gather [hbm4b:s6+s3], $0x80, v3, vm0, $0xb8;
	[tilespmem:$0x1C400] =	vst v63  }
0x25e: {  	s11 =	simm.s32 $0xBC00  }
0x25f: {  	[tilespmem:s11], [sflag:$0x1] =	stream.indirect_vreg.gather [hbm4b:s7+s3], $0x80, v3, vm0, $0xb8;
	[tilespmem:$0x1C400] =	vst v63  }
0x260: {  	v3 =	vld.msk [tilespmem:$0x180], $0xff;
	_ =	sdelay $0x4  }
0x261: {  	v18 =	vshll.u32 v3, $0x3  }
0x262: {  	v3 =	vand.u32 $0x7, v3;
	v4 =	vand.u32 $0xFFFFFFC0, v18  }
0x263: {  	v3 =	vor.u32 v3, v4  }
0x264: {  	v3 =	vperm.xlane v3, v0;
	_ =	sdelay $0x1  }
0x265: {  	v3 =	vadd.s32 v1, v3;
	_ =	sdelay $0x3  }
0x266: {  	s12 =	simm.s32 $0xC400  }
0x267: {  	[tilespmem:s12], [sflag:$0x1] =	stream.indirect_vreg.gather [hbm4b:s1+s3], $0x80, v3, vm0, $0xb8;
	[tilespmem:$0x1C400] =	vst v63  }
0x268: {  	s13 =	simm.s32 $0xCC00  }
0x269: {  	[tilespmem:s13], [sflag:$0x1] =	stream.indirect_vreg.gather [hbm4b:s5+s3], $0x80, v3, vm0, $0xb8;
	[tilespmem:$0x1C400] =	vst v63  }
0x26a: {  	s14 =	simm.s32 $0xD400  }
0x26b: {  	[tilespmem:s14], [sflag:$0x1] =	stream.indirect_vreg.gather [hbm4b:s6+s3], $0x80, v3, vm0, $0xb8;
	[tilespmem:$0x1C400] =	vst v63  }
0x26c: {  	s15 =	simm.s32 $0xDC00  }
0x26d: {  	[tilespmem:s15], [sflag:$0x1] =	stream.indirect_vreg.gather [hbm4b:s7+s3], $0x80, v3, vm0, $0xb8;
	[tilespmem:$0x1C400] =	vst v63  }
0x26e: {  	_ =	swait.ge [sflag:s18], $0xE000  }
0x26f: {  	[sflag:s18] =	ssyncset.done $0x0  }
0x270: {  	s17 =	simm.s32 $0xE400;
	s16 =	rddreg [dreg:$0x9];
	[sflag:s18] =	ssyncadd.s32 $0xFFFF2000  }
0x271: {  	[hbm4b:s16+s3] =	stream.linear.scatter [tilespmem:s17], [sflag:$0x4], $0xE000, $0x38;
	[tilespmem:$0x1C400] =	vst v63  }
0x272: {  	_ =	swait.ge [sflag:s19], $0xE000  }
0x273: {  	[sflag:s19] =	ssyncset.done $0x0  }
0x274: {  	[sflag:s19] =	ssyncadd.s32 $0xFFFF2000  }
0x275: {  	v3 =	vld [tilespmem:$0x188];
	_ =	sdelay $0x4  }
0x276: {  	v19 =	vshll.u32 v3, $0x3  }
0x277: {  	v3 =	vand.u32 $0x7, v3;
	v4 =	vand.u32 $0xFFFFFFC0, v19  }
0x278: {  	v3 =	vor.u32 v3, v4  }
0x279: {  	v4 =	vperm.xlane v3, v0;
	_ =	sdelay $0x1  }
0x27a: {  	v4 =	vadd.s32 v1, v4;
	_ =	sdelay $0x4  }
0x27b: {  	[tilespmem:s17], [sflag:$0x2] =	stream.indirect_vreg.gather [hbm4b:s1+s3], $0x80, v4, vm0, $0xb8;
	[tilespmem:$0x1C400] =	vst v63  }
0x27c: {  	s2 =	simm.s32 $0xEC00;
	v3 =	vperm.xlane v3, v2  }
0x27d: {  	[tilespmem:s2], [sflag:$0x2] =	stream.indirect_vreg.gather [hbm4b:s5+s3], $0x80, v4, vm0, $0xb8;
	[tilespmem:$0x1C400] =	vst v63  }
0x27e: {  	s15 =	simm.s32 $0xF400;
	v3 =	vadd.s32 v1, v3  }
0x27f: {  	[tilespmem:s15], [sflag:$0x2] =	stream.indirect_vreg.gather [hbm4b:s6+s3], $0x80, v4, vm0, $0xb8;
	[tilespmem:$0x1C400] =	vst v63  }
0x280: {  	s16 =	simm.s32 $0xFC00  }
0x281: {  	[tilespmem:s16], [sflag:$0x2] =	stream.indirect_vreg.gather [hbm4b:s7+s3], $0x80, v4, vm0, $0xb8;
	[tilespmem:$0x1C400] =	vst v63  }
0x282: {  	s17 =	simm.s32 $0x10400  }
0x283: {  	[tilespmem:s17], [sflag:$0x2] =	stream.indirect_vreg.gather [hbm4b:s1+s3], $0x80, v3, vm0, $0xb8;
	[tilespmem:$0x1C400] =	vst v63  }
0x284: {  	s21 =	simm.s32 $0x10C00  }
0x285: {  	[tilespmem:s21], [sflag:$0x2] =	stream.indirect_vreg.gather [hbm4b:s5+s3], $0x80, v3, vm0, $0xb8;
	[tilespmem:$0x1C400] =	vst v63  }
0x286: {  	s22 =	simm.s32 $0x11400  }
0x287: {  	[tilespmem:s22], [sflag:$0x2] =	stream.indirect_vreg.gather [hbm4b:s6+s3], $0x80, v3, vm0, $0xb8;
	[tilespmem:$0x1C400] =	vst v63  }
0x288: {  	s8 =	simm.s32 $0x11C00  }
0x289: {  	[tilespmem:s8], [sflag:$0x2] =	stream.indirect_vreg.gather [hbm4b:s7+s3], $0x80, v3, vm0, $0xb8;
	[tilespmem:$0x1C400] =	vst v63  }
0x28a: {  	v3 =	vld [tilespmem:$0x198];
	_ =	sdelay $0x4  }
0x28b: {  	v20 =	vshll.u32 v3, $0x3  }
0x28c: {  	v3 =	vand.u32 $0x7, v3;
	v4 =	vand.u32 $0xFFFFFFC0, v20  }
0x28d: {  	v3 =	vor.u32 v3, v4  }
0x28e: {  	v4 =	vperm.xlane v3, v0;
	_ =	sdelay $0x1  }
0x28f: {  	v4 =	vadd.s32 v1, v4;
	_ =	sdelay $0x3  }
0x290: {  	s11 =	simm.s32 $0x12400  }
0x291: {  	[tilespmem:s11], [sflag:$0x2] =	stream.indirect_vreg.gather [hbm4b:s1+s3], $0x80, v4, vm0, $0xb8;
	[tilespmem:$0x1C400] =	vst v63  }
0x292: {  	s12 =	simm.s32 $0x12C00;
	v3 =	vperm.xlane v3, v2  }
0x293: {  	[tilespmem:s12], [sflag:$0x2] =	stream.indirect_vreg.gather [hbm4b:s5+s3], $0x80, v4, vm0, $0xb8;
	[tilespmem:$0x1C400] =	vst v63  }
0x294: {  	s23 =	simm.s32 $0x13400;
	v3 =	vadd.s32 v1, v3  }
0x295: {  	[tilespmem:s23], [sflag:$0x2] =	stream.indirect_vreg.gather [hbm4b:s6+s3], $0x80, v4, vm0, $0xb8;
	[tilespmem:$0x1C400] =	vst v63  }
0x296: {  	s24 =	simm.s32 $0x13C00  }
0x297: {  	[tilespmem:s24], [sflag:$0x2] =	stream.indirect_vreg.gather [hbm4b:s7+s3], $0x80, v4, vm0, $0xb8;
	[tilespmem:$0x1C400] =	vst v63  }
0x298: {  	s20 =	simm.s32 $0x14400  }
0x299: {  	[tilespmem:s20], [sflag:$0x2] =	stream.indirect_vreg.gather [hbm4b:s1+s3], $0x80, v3, vm0, $0xb8;
	[tilespmem:$0x1C400] =	vst v63  }
0x29a: {  	s14 =	simm.s32 $0x14C00  }
0x29b: {  	[tilespmem:s14], [sflag:$0x2] =	stream.indirect_vreg.gather [hbm4b:s5+s3], $0x80, v3, vm0, $0xb8;
	[tilespmem:$0x1C400] =	vst v63  }
0x29c: {  	s20 =	simm.s32 $0x15400  }
0x29d: {  	[tilespmem:s20], [sflag:$0x2] =	stream.indirect_vreg.gather [hbm4b:s6+s3], $0x80, v3, vm0, $0xb8;
	[tilespmem:$0x1C400] =	vst v63  }
0x29e: {  	s13 =	simm.s32 $0x15C00  }
0x29f: {  	[tilespmem:s13], [sflag:$0x2] =	stream.indirect_vreg.gather [hbm4b:s7+s3], $0x80, v3, vm0, $0xb8;
	[tilespmem:$0x1C400] =	vst v63  }
0x2a0: {  	v3 =	vld [tilespmem:$0x1A8];
	_ =	sdelay $0x4  }
0x2a1: {  	v21 =	vshll.u32 v3, $0x3  }
0x2a2: {  	v3 =	vand.u32 $0x7, v3;
	v4 =	vand.u32 $0xFFFFFFC0, v21  }
0x2a3: {  	v3 =	vor.u32 v3, v4  }
0x2a4: {  	v4 =	vperm.xlane v3, v0;
	_ =	sdelay $0x1  }
0x2a5: {  	v4 =	vadd.s32 v1, v4;
	_ =	sdelay $0x3  }
0x2a6: {  	s14 =	simm.s32 $0x16400  }
0x2a7: {  	[tilespmem:s14], [sflag:$0x2] =	stream.indirect_vreg.gather [hbm4b:s1+s3], $0x80, v4, vm0, $0xb8;
	[tilespmem:$0x1C400] =	vst v63  }
0x2a8: {  	s20 =	simm.s32 $0x16C00;
	v3 =	vperm.xlane v3, v2  }
0x2a9: {  	[tilespmem:s20], [sflag:$0x2] =	stream.indirect_vreg.gather [hbm4b:s5+s3], $0x80, v4, vm0, $0xb8;
	[tilespmem:$0x1C400] =	vst v63  }
0x2aa: {  	v3 =	vadd.s32 v1, v3;
	s20 =	simm.s32 $0x17400  }
0x2ab: {  	[tilespmem:s20], [sflag:$0x2] =	stream.indirect_vreg.gather [hbm4b:s6+s3], $0x80, v4, vm0, $0xb8;
	[tilespmem:$0x1C400] =	vst v63  }
0x2ac: {  	s20 =	simm.s32 $0x17C00  }
0x2ad: {  	[tilespmem:s20], [sflag:$0x2] =	stream.indirect_vreg.gather [hbm4b:s7+s3], $0x80, v4, vm0, $0xb8;
	[tilespmem:$0x1C400] =	vst v63  }
0x2ae: {  	s20 =	simm.s32 $0x18400  }
0x2af: {  	[tilespmem:s20], [sflag:$0x2] =	stream.indirect_vreg.gather [hbm4b:s1+s3], $0x80, v3, vm0, $0xb8;
	[tilespmem:$0x1C400] =	vst v63  }
0x2b0: {  	s20 =	simm.s32 $0x18C00  }
0x2b1: {  	[tilespmem:s20], [sflag:$0x2] =	stream.indirect_vreg.gather [hbm4b:s5+s3], $0x80, v3, vm0, $0xb8;
	[tilespmem:$0x1C400] =	vst v63  }
0x2b2: {  	s20 =	simm.s32 $0x19400  }
0x2b3: {  	[tilespmem:s20], [sflag:$0x2] =	stream.indirect_vreg.gather [hbm4b:s6+s3], $0x80, v3, vm0, $0xb8;
	[tilespmem:$0x1C400] =	vst v63  }
0x2b4: {  	s20 =	simm.s32 $0x19C00  }
0x2b5: {  	[tilespmem:s20], [sflag:$0x2] =	stream.indirect_vreg.gather [hbm4b:s7+s3], $0x80, v3, vm0, $0xb8;
	[tilespmem:$0x1C400] =	vst v63  }
0x2b6: {  	v3 =	vld.msk [tilespmem:$0x1B8], $0xff;
	_ =	sdelay $0x4  }
0x2b7: {  	v22 =	vshll.u32 v3, $0x3  }
0x2b8: {  	v3 =	vand.u32 $0x7, v3;
	v4 =	vand.u32 $0xFFFFFFC0, v22  }
0x2b9: {  	v3 =	vor.u32 v3, v4  }
0x2ba: {  	v3 =	vperm.xlane v3, v0;
	_ =	sdelay $0x1  }
0x2bb: {  	v3 =	vadd.s32 v1, v3;
	_ =	sdelay $0x3  }
0x2bc: {  	s20 =	simm.s32 $0x1A400  }
0x2bd: {  	[tilespmem:s20], [sflag:$0x2] =	stream.indirect_vreg.gather [hbm4b:s1+s3], $0x80, v3, vm0, $0xb8;
	[tilespmem:$0x1C400] =	vst v63  }
0x2be: {  	s20 =	simm.s32 $0x1AC00  }
0x2bf: {  	[tilespmem:s20], [sflag:$0x2] =	stream.indirect_vreg.gather [hbm4b:s5+s3], $0x80, v3, vm0, $0xb8;
	[tilespmem:$0x1C400] =	vst v63  }
0x2c0: {  	s20 =	simm.s32 $0x1B400  }
0x2c1: {  	[tilespmem:s20], [sflag:$0x2] =	stream.indirect_vreg.gather [hbm4b:s6+s3], $0x80, v3, vm0, $0xb8;
	[tilespmem:$0x1C400] =	vst v63  }
0x2c2: {  	_ = 	snop  }
0x2c3: {  	[tilespmem:s10], [sflag:$0x2] =	stream.indirect_vreg.gather [hbm4b:s7+s3], $0x80, v3, vm0, $0xb8;
	[tilespmem:$0x1C400] =	vst v63  }
0x2c4: {  	_ =	swait.ge [sflag:s9], $0xE000  }
0x2c5: {  	[sflag:s9] =	ssyncset.done $0x0  }
0x2c6: {  	s10 =	simm.s32 $0x400;
	s20 =	rddreg [dreg:$0xa];
	[sflag:s9] =	ssyncadd.s32 $0xFFFF2000  }
0x2c7: {  	[hbm4b:s20+s3] =	stream.linear.scatter [tilespmem:s10], [sflag:$0x3], $0xE000, $0x38;
	[tilespmem:$0x1C400] =	vst v63  }
0x2c8: {  	_ =	swait.ge [sflag:s4], $0xE000  }
0x2c9: {  	[sflag:s4] =	ssyncset.done $0x0  }
0x2ca: {  	[sflag:s4] =	ssyncadd.s32 $0xFFFF2000  }
0x2cb: {  	v3 =	vld [tilespmem:$0x1C0];
	_ =	sdelay $0x4  }
0x2cc: {  	v23 =	vshll.u32 v3, $0x3  }
0x2cd: {  	v3 =	vand.u32 $0x7, v3;
	v4 =	vand.u32 $0xFFFFFFC0, v23  }
0x2ce: {  	v3 =	vor.u32 v3, v4  }
0x2cf: {  	v4 =	vperm.xlane v3, v0;
	_ =	sdelay $0x1  }
0x2d0: {  	v4 =	vadd.s32 v1, v4;
	_ =	sdelay $0x4  }
0x2d1: {  	[tilespmem:s10], [sflag:$0x1] =	stream.indirect_vreg.gather [hbm4b:s1+s3], $0x80, v4, vm0, $0xb8;
	[tilespmem:$0x1C400] =	vst v63  }
0x2d2: {  	v3 =	vperm.xlane v3, v2  }
0x2d3: {  	[tilespmem:s26], [sflag:$0x1] =	stream.indirect_vreg.gather [hbm4b:s5+s3], $0x80, v4, vm0, $0xb8;
	[tilespmem:$0x1C400] =	vst v63  }
0x2d4: {  	v3 =	vadd.s32 v1, v3  }
0x2d5: {  	[tilespmem:s25], [sflag:$0x1] =	stream.indirect_vreg.gather [hbm4b:s6+s3], $0x80, v4, vm0, $0xb8;
	[tilespmem:$0x1C400] =	vst v63  }
0x2d6: {  	_ = 	snop  }
0x2d7: {  	[tilespmem:s28], [sflag:$0x1] =	stream.indirect_vreg.gather [hbm4b:s7+s3], $0x80, v4, vm0, $0xb8;
	[tilespmem:$0x1C400] =	vst v63  }
0x2d8: {  	_ = 	snop  }
0x2d9: {  	[tilespmem:s29], [sflag:$0x1] =	stream.indirect_vreg.gather [hbm4b:s1+s3], $0x80, v3, vm0, $0xb8;
	[tilespmem:$0x1C400] =	vst v63  }
0x2da: {  	_ = 	snop  }
0x2db: {  	[tilespmem:s30], [sflag:$0x1] =	stream.indirect_vreg.gather [hbm4b:s5+s3], $0x80, v3, vm0, $0xb8;
	[tilespmem:$0x1C400] =	vst v63  }
0x2dc: {  	_ = 	snop  }
0x2dd: {  	[tilespmem:s31], [sflag:$0x1] =	stream.indirect_vreg.gather [hbm4b:s6+s3], $0x80, v3, vm0, $0xb8;
	[tilespmem:$0x1C400] =	vst v63  }
0x2de: {  	_ = 	snop  }
0x2df: {  	[tilespmem:s0], [sflag:$0x1] =	stream.indirect_vreg.gather [hbm4b:s7+s3], $0x80, v3, vm0, $0xb8;
	[tilespmem:$0x1C400] =	vst v63  }
0x2e0: {  	v3 =	vld [tilespmem:$0x1D0];
	_ =	sdelay $0x4  }
0x2e1: {  	v24 =	vshll.u32 v3, $0x3  }
0x2e2: {  	v3 =	vand.u32 $0x7, v3;
	v4 =	vand.u32 $0xFFFFFFC0, v24  }
0x2e3: {  	v3 =	vor.u32 v3, v4  }
0x2e4: {  	v4 =	vperm.xlane v3, v0;
	_ =	sdelay $0x1  }
0x2e5: {  	v4 =	vadd.s32 v1, v4;
	_ =	sdelay $0x3  }
0x2e6: {  	s10 =	simm.s32 $0x4400  }
0x2e7: {  	[tilespmem:s10], [sflag:$0x1] =	stream.indirect_vreg.gather [hbm4b:s1+s3], $0x80, v4, vm0, $0xb8;
	[tilespmem:$0x1C400] =	vst v63  }
0x2e8: {  	s20 =	simm.s32 $0x4C00;
	v3 =	vperm.xlane v3, v2  }
0x2e9: {  	[tilespmem:s20], [sflag:$0x1] =	stream.indirect_vreg.gather [hbm4b:s5+s3], $0x80, v4, vm0, $0xb8;
	[tilespmem:$0x1C400] =	vst v63  }
0x2ea: {  	v3 =	vadd.s32 v1, v3;
	s10 =	simm.s32 $0x5400  }
0x2eb: {  	[tilespmem:s10], [sflag:$0x1] =	stream.indirect_vreg.gather [hbm4b:s6+s3], $0x80, v4, vm0, $0xb8;
	[tilespmem:$0x1C400] =	vst v63  }
0x2ec: {  	s20 =	simm.s32 $0x5C00  }
0x2ed: {  	[tilespmem:s20], [sflag:$0x1] =	stream.indirect_vreg.gather [hbm4b:s7+s3], $0x80, v4, vm0, $0xb8;
	[tilespmem:$0x1C400] =	vst v63  }
0x2ee: {  	s10 =	simm.s32 $0x6400  }
0x2ef: {  	[tilespmem:s10], [sflag:$0x1] =	stream.indirect_vreg.gather [hbm4b:s1+s3], $0x80, v3, vm0, $0xb8;
	[tilespmem:$0x1C400] =	vst v63  }
0x2f0: {  	s20 =	simm.s32 $0x6C00  }
0x2f1: {  	[tilespmem:s20], [sflag:$0x1] =	stream.indirect_vreg.gather [hbm4b:s5+s3], $0x80, v3, vm0, $0xb8;
	[tilespmem:$0x1C400] =	vst v63  }
0x2f2: {  	s10 =	simm.s32 $0x7400  }
0x2f3: {  	[tilespmem:s10], [sflag:$0x1] =	stream.indirect_vreg.gather [hbm4b:s6+s3], $0x80, v3, vm0, $0xb8;
	[tilespmem:$0x1C400] =	vst v63  }
0x2f4: {  	s20 =	simm.s32 $0x7C00  }
0x2f5: {  	[tilespmem:s20], [sflag:$0x1] =	stream.indirect_vreg.gather [hbm4b:s7+s3], $0x80, v3, vm0, $0xb8;
	[tilespmem:$0x1C400] =	vst v63  }
0x2f6: {  	v3 =	vld [tilespmem:$0x1E0];
	_ =	sdelay $0x4  }
0x2f7: {  	v25 =	vshll.u32 v3, $0x3  }
0x2f8: {  	v3 =	vand.u32 $0x7, v3;
	v4 =	vand.u32 $0xFFFFFFC0, v25  }
0x2f9: {  	v3 =	vor.u32 v3, v4  }
0x2fa: {  	v4 =	vperm.xlane v3, v0;
	_ =	sdelay $0x1  }
0x2fb: {  	v4 =	vadd.s32 v1, v4;
	_ =	sdelay $0x3  }
0x2fc: {  	s10 =	simm.s32 $0x8400  }
0x2fd: {  	[tilespmem:s10], [sflag:$0x1] =	stream.indirect_vreg.gather [hbm4b:s1+s3], $0x80, v4, vm0, $0xb8;
	[tilespmem:$0x1C400] =	vst v63  }
0x2fe: {  	s20 =	simm.s32 $0x8C00;
	v3 =	vperm.xlane v3, v2  }
0x2ff: {  	[tilespmem:s20], [sflag:$0x1] =	stream.indirect_vreg.gather [hbm4b:s5+s3], $0x80, v4, vm0, $0xb8;
	[tilespmem:$0x1C400] =	vst v63  }
0x300: {  	v3 =	vadd.s32 v1, v3;
	s10 =	simm.s32 $0x9400  }
0x301: {  	[tilespmem:s10], [sflag:$0x1] =	stream.indirect_vreg.gather [hbm4b:s6+s3], $0x80, v4, vm0, $0xb8;
	[tilespmem:$0x1C400] =	vst v63  }
0x302: {  	s20 =	simm.s32 $0x9C00  }
0x303: {  	[tilespmem:s20], [sflag:$0x1] =	stream.indirect_vreg.gather [hbm4b:s7+s3], $0x80, v4, vm0, $0xb8;
	[tilespmem:$0x1C400] =	vst v63  }
0x304: {  	s10 =	simm.s32 $0xA400  }
0x305: {  	[tilespmem:s10], [sflag:$0x1] =	stream.indirect_vreg.gather [hbm4b:s1+s3], $0x80, v3, vm0, $0xb8;
	[tilespmem:$0x1C400] =	vst v63  }
0x306: {  	s20 =	simm.s32 $0xAC00  }
0x307: {  	[tilespmem:s20], [sflag:$0x1] =	stream.indirect_vreg.gather [hbm4b:s5+s3], $0x80, v3, vm0, $0xb8;
	[tilespmem:$0x1C400] =	vst v63  }
0x308: {  	s10 =	simm.s32 $0xB400  }
0x309: {  	[tilespmem:s10], [sflag:$0x1] =	stream.indirect_vreg.gather [hbm4b:s6+s3], $0x80, v3, vm0, $0xb8;
	[tilespmem:$0x1C400] =	vst v63  }
0x30a: {  	s20 =	simm.s32 $0xBC00  }
0x30b: {  	[tilespmem:s20], [sflag:$0x1] =	stream.indirect_vreg.gather [hbm4b:s7+s3], $0x80, v3, vm0, $0xb8;
	[tilespmem:$0x1C400] =	vst v63  }
0x30c: {  	v3 =	vld.msk [tilespmem:$0x1F0], $0xff;
	_ =	sdelay $0x4  }
0x30d: {  	v26 =	vshll.u32 v3, $0x3  }
0x30e: {  	v3 =	vand.u32 $0x7, v3;
	v4 =	vand.u32 $0xFFFFFFC0, v26  }
0x30f: {  	v3 =	vor.u32 v3, v4  }
0x310: {  	v3 =	vperm.xlane v3, v0;
	_ =	sdelay $0x1  }
0x311: {  	v3 =	vadd.s32 v1, v3;
	_ =	sdelay $0x3  }
0x312: {  	s10 =	simm.s32 $0xC400  }
0x313: {  	[tilespmem:s10], [sflag:$0x1] =	stream.indirect_vreg.gather [hbm4b:s1+s3], $0x80, v3, vm0, $0xb8;
	[tilespmem:$0x1C400] =	vst v63  }
0x314: {  	s20 =	simm.s32 $0xCC00  }
0x315: {  	[tilespmem:s20], [sflag:$0x1] =	stream.indirect_vreg.gather [hbm4b:s5+s3], $0x80, v3, vm0, $0xb8;
	[tilespmem:$0x1C400] =	vst v63  }
0x316: {  	s10 =	simm.s32 $0xD400  }
0x317: {  	[tilespmem:s10], [sflag:$0x1] =	stream.indirect_vreg.gather [hbm4b:s6+s3], $0x80, v3, vm0, $0xb8;
	[tilespmem:$0x1C400] =	vst v63  }
0x318: {  	s20 =	simm.s32 $0xDC00  }
0x319: {  	[tilespmem:s20], [sflag:$0x1] =	stream.indirect_vreg.gather [hbm4b:s7+s3], $0x80, v3, vm0, $0xb8;
	[tilespmem:$0x1C400] =	vst v63  }
0x31a: {  	_ =	swait.ge [sflag:s18], $0xE000  }
0x31b: {  	[sflag:s18] =	ssyncset.done $0x0  }
0x31c: {  	s10 =	simm.s32 $0xE400;
	s0 =	rddreg [dreg:$0xb];
	[sflag:s18] =	ssyncadd.s32 $0xFFFF2000  }
0x31d: {  	[hbm4b:s0+s3] =	stream.linear.scatter [tilespmem:s10], [sflag:$0x4], $0xE000, $0x38;
	[tilespmem:$0x1C400] =	vst v63  }
0x31e: {  	_ =	swait.ge [sflag:s19], $0xE000  }
0x31f: {  	[sflag:s19] =	ssyncset.done $0x0  }
0x320: {  	[sflag:s19] =	ssyncadd.s32 $0xFFFF2000  }
0x321: {  	v3 =	vld [tilespmem:$0x1F8];
	_ =	sdelay $0x4  }
0x322: {  	v27 =	vshll.u32 v3, $0x3  }
0x323: {  	v3 =	vand.u32 $0x7, v3;
	v4 =	vand.u32 $0xFFFFFFC0, v27  }
0x324: {  	v3 =	vor.u32 v3, v4  }
0x325: {  	v4 =	vperm.xlane v3, v0;
	_ =	sdelay $0x1  }
0x326: {  	v4 =	vadd.s32 v1, v4;
	_ =	sdelay $0x4  }
0x327: {  	[tilespmem:s10], [sflag:$0x2] =	stream.indirect_vreg.gather [hbm4b:s1+s3], $0x80, v4, vm0, $0xb8;
	[tilespmem:$0x1C400] =	vst v63  }
0x328: {  	v3 =	vperm.xlane v3, v2  }
0x329: {  	[tilespmem:s2], [sflag:$0x2] =	stream.indirect_vreg.gather [hbm4b:s5+s3], $0x80, v4, vm0, $0xb8;
	[tilespmem:$0x1C400] =	vst v63  }
0x32a: {  	v3 =	vadd.s32 v1, v3  }
0x32b: {  	[tilespmem:s15], [sflag:$0x2] =	stream.indirect_vreg.gather [hbm4b:s6+s3], $0x80, v4, vm0, $0xb8;
	[tilespmem:$0x1C400] =	vst v63  }
0x32c: {  	_ = 	snop  }
0x32d: {  	[tilespmem:s16], [sflag:$0x2] =	stream.indirect_vreg.gather [hbm4b:s7+s3], $0x80, v4, vm0, $0xb8;
	[tilespmem:$0x1C400] =	vst v63  }
0x32e: {  	_ = 	snop  }
0x32f: {  	[tilespmem:s17], [sflag:$0x2] =	stream.indirect_vreg.gather [hbm4b:s1+s3], $0x80, v3, vm0, $0xb8;
	[tilespmem:$0x1C400] =	vst v63  }
0x330: {  	_ = 	snop  }
0x331: {  	[tilespmem:s21], [sflag:$0x2] =	stream.indirect_vreg.gather [hbm4b:s5+s3], $0x80, v3, vm0, $0xb8;
	[tilespmem:$0x1C400] =	vst v63  }
0x332: {  	_ = 	snop  }
0x333: {  	[tilespmem:s22], [sflag:$0x2] =	stream.indirect_vreg.gather [hbm4b:s6+s3], $0x80, v3, vm0, $0xb8;
	[tilespmem:$0x1C400] =	vst v63  }
0x334: {  	_ = 	snop  }
0x335: {  	[tilespmem:s8], [sflag:$0x2] =	stream.indirect_vreg.gather [hbm4b:s7+s3], $0x80, v3, vm0, $0xb8;
	[tilespmem:$0x1C400] =	vst v63  }
0x336: {  	v3 =	vld [tilespmem:$0x208];
	_ =	sdelay $0x4  }
0x337: {  	v28 =	vshll.u32 v3, $0x3  }
0x338: {  	v3 =	vand.u32 $0x7, v3;
	v4 =	vand.u32 $0xFFFFFFC0, v28  }
0x339: {  	v3 =	vor.u32 v3, v4  }
0x33a: {  	v4 =	vperm.xlane v3, v0;
	_ =	sdelay $0x1  }
0x33b: {  	v4 =	vadd.s32 v1, v4;
	_ =	sdelay $0x4  }
0x33c: {  	[tilespmem:s11], [sflag:$0x2] =	stream.indirect_vreg.gather [hbm4b:s1+s3], $0x80, v4, vm0, $0xb8;
	[tilespmem:$0x1C400] =	vst v63  }
0x33d: {  	v3 =	vperm.xlane v3, v2  }
0x33e: {  	[tilespmem:s12], [sflag:$0x2] =	stream.indirect_vreg.gather [hbm4b:s5+s3], $0x80, v4, vm0, $0xb8;
	[tilespmem:$0x1C400] =	vst v63  }
0x33f: {  	v3 =	vadd.s32 v1, v3  }
0x340: {  	[tilespmem:s23], [sflag:$0x2] =	stream.indirect_vreg.gather [hbm4b:s6+s3], $0x80, v4, vm0, $0xb8;
	[tilespmem:$0x1C400] =	vst v63  }
0x341: {  	_ = 	snop  }
0x342: {  	[tilespmem:s24], [sflag:$0x2] =	stream.indirect_vreg.gather [hbm4b:s7+s3], $0x80, v4, vm0, $0xb8;
	[tilespmem:$0x1C400] =	vst v63  }
0x343: {  	s24 =	simm.s32 $0x14400  }
0x344: {  	[tilespmem:s24], [sflag:$0x2] =	stream.indirect_vreg.gather [hbm4b:s1+s3], $0x80, v3, vm0, $0xb8;
	[tilespmem:$0x1C400] =	vst v63  }
0x345: {  	s11 =	simm.s32 $0x14C00  }
0x346: {  	[tilespmem:s11], [sflag:$0x2] =	stream.indirect_vreg.gather [hbm4b:s5+s3], $0x80, v3, vm0, $0xb8;
	[tilespmem:$0x1C400] =	vst v63  }
0x347: {  	s17 =	simm.s32 $0x15400  }
0x348: {  	[tilespmem:s17], [sflag:$0x2] =	stream.indirect_vreg.gather [hbm4b:s6+s3], $0x80, v3, vm0, $0xb8;
	[tilespmem:$0x1C400] =	vst v63  }
0x349: {  	_ = 	snop  }
0x34a: {  	[tilespmem:s13], [sflag:$0x2] =	stream.indirect_vreg.gather [hbm4b:s7+s3], $0x80, v3, vm0, $0xb8;
	[tilespmem:$0x1C400] =	vst v63  }
0x34b: {  	v3 =	vld [tilespmem:$0x218];
	_ =	sdelay $0x4  }
0x34c: {  	v29 =	vshll.u32 v3, $0x3  }
0x34d: {  	v3 =	vand.u32 $0x7, v3;
	v4 =	vand.u32 $0xFFFFFFC0, v29  }
0x34e: {  	v3 =	vor.u32 v3, v4  }
0x34f: {  	v4 =	vperm.xlane v3, v0;
	_ =	sdelay $0x1  }
0x350: {  	v4 =	vadd.s32 v1, v4;
	_ =	sdelay $0x4  }
0x351: {  	[tilespmem:s14], [sflag:$0x2] =	stream.indirect_vreg.gather [hbm4b:s1+s3], $0x80, v4, vm0, $0xb8;
	[tilespmem:$0x1C400] =	vst v63  }
0x352: {  	s21 =	simm.s32 $0x16C00;
	v3 =	vperm.xlane v3, v2  }
0x353: {  	[tilespmem:s21], [sflag:$0x2] =	stream.indirect_vreg.gather [hbm4b:s5+s3], $0x80, v4, vm0, $0xb8;
	[tilespmem:$0x1C400] =	vst v63  }
0x354: {  	s20 =	simm.s32 $0x17400;
	v3 =	vadd.s32 v1, v3  }
0x355: {  	[tilespmem:s20], [sflag:$0x2] =	stream.indirect_vreg.gather [hbm4b:s6+s3], $0x80, v4, vm0, $0xb8;
	[tilespmem:$0x1C400] =	vst v63  }
0x356: {  	s22 =	simm.s32 $0x17C00  }
0x357: {  	[tilespmem:s22], [sflag:$0x2] =	stream.indirect_vreg.gather [hbm4b:s7+s3], $0x80, v4, vm0, $0xb8;
	[tilespmem:$0x1C400] =	vst v63  }
0x358: {  	s8 =	simm.s32 $0x18400  }
0x359: {  	[tilespmem:s8], [sflag:$0x2] =	stream.indirect_vreg.gather [hbm4b:s1+s3], $0x80, v3, vm0, $0xb8;
	[tilespmem:$0x1C400] =	vst v63  }
0x35a: {  	s12 =	simm.s32 $0x18C00  }
0x35b: {  	[tilespmem:s12], [sflag:$0x2] =	stream.indirect_vreg.gather [hbm4b:s5+s3], $0x80, v3, vm0, $0xb8;
	[tilespmem:$0x1C400] =	vst v63  }
0x35c: {  	s13 =	simm.s32 $0x19400  }
0x35d: {  	[tilespmem:s13], [sflag:$0x2] =	stream.indirect_vreg.gather [hbm4b:s6+s3], $0x80, v3, vm0, $0xb8;
	[tilespmem:$0x1C400] =	vst v63  }
0x35e: {  	s22 =	simm.s32 $0x19C00  }
0x35f: {  	[tilespmem:s22], [sflag:$0x2] =	stream.indirect_vreg.gather [hbm4b:s7+s3], $0x80, v3, vm0, $0xb8;
	[tilespmem:$0x1C400] =	vst v63  }
0x360: {  	v3 =	vld.msk [tilespmem:$0x228], $0xff;
	_ =	sdelay $0x4  }
0x361: {  	v30 =	vshll.u32 v3, $0x3  }
0x362: {  	v3 =	vand.u32 $0x7, v3;
	v4 =	vand.u32 $0xFFFFFFC0, v30  }
0x363: {  	v3 =	vor.u32 v3, v4  }
0x364: {  	v3 =	vperm.xlane v3, v0;
	_ =	sdelay $0x1  }
0x365: {  	v3 =	vadd.s32 v1, v3;
	_ =	sdelay $0x3  }
0x366: {  	s14 =	simm.s32 $0x1A400  }
0x367: {  	[tilespmem:s14], [sflag:$0x2] =	stream.indirect_vreg.gather [hbm4b:s1+s3], $0x80, v3, vm0, $0xb8;
	[tilespmem:$0x1C400] =	vst v63  }
0x368: {  	s15 =	simm.s32 $0x1AC00  }
0x369: {  	[tilespmem:s15], [sflag:$0x2] =	stream.indirect_vreg.gather [hbm4b:s5+s3], $0x80, v3, vm0, $0xb8;
	[tilespmem:$0x1C400] =	vst v63  }
0x36a: {  	s16 =	simm.s32 $0x1B400  }
0x36b: {  	[tilespmem:s16], [sflag:$0x2] =	stream.indirect_vreg.gather [hbm4b:s6+s3], $0x80, v3, vm0, $0xb8;
	[tilespmem:$0x1C400] =	vst v63  }
0x36c: {  	s23 =	simm.s32 $0x1BC00  }
0x36d: {  	[tilespmem:s23], [sflag:$0x2] =	stream.indirect_vreg.gather [hbm4b:s7+s3], $0x80, v3, vm0, $0xb8;
	[tilespmem:$0x1C400] =	vst v63  }
0x36e: {  	_ =	swait.ge [sflag:s9], $0xE000  }
0x36f: {  	[sflag:s9] =	ssyncset.done $0x0  }
0x370: {  	s2 =	simm.s32 $0x400;
	s0 =	rddreg [dreg:$0xc];
	[sflag:s9] =	ssyncadd.s32 $0xFFFF2000  }
0x371: {  	[hbm4b:s0+s3] =	stream.linear.scatter [tilespmem:s2], [sflag:$0x3], $0xE000, $0x38;
	[tilespmem:$0x1C400] =	vst v63  }
0x372: {  	_ =	swait.ge [sflag:s4], $0xE000  }
0x373: {  	[sflag:s4] =	ssyncset.done $0x0  }
0x374: {  	[sflag:s4] =	ssyncadd.s32 $0xFFFF2000  }
0x375: {  	v3 =	vld [tilespmem:$0x230];
	_ =	sdelay $0x4  }
0x376: {  	v31 =	vshll.u32 v3, $0x3  }
0x377: {  	v3 =	vand.u32 $0x7, v3;
	v4 =	vand.u32 $0xFFFFFFC0, v31  }
0x378: {  	v3 =	vor.u32 v3, v4  }
0x379: {  	v4 =	vperm.xlane v3, v0;
	_ =	sdelay $0x1  }
0x37a: {  	v4 =	vadd.s32 v1, v4;
	_ =	sdelay $0x4  }
0x37b: {  	[tilespmem:s2], [sflag:$0x1] =	stream.indirect_vreg.gather [hbm4b:s1+s3], $0x80, v4, vm0, $0xb8;
	[tilespmem:$0x1C400] =	vst v63  }
0x37c: {  	s26 =	simm.s32 $0xC00;
	v3 =	vperm.xlane v3, v2  }
0x37d: {  	[tilespmem:s26], [sflag:$0x1] =	stream.indirect_vreg.gather [hbm4b:s5+s3], $0x80, v4, vm0, $0xb8;
	[tilespmem:$0x1C400] =	vst v63  }
0x37e: {  	s25 =	simm.s32 $0x1400;
	v3 =	vadd.s32 v1, v3  }
0x37f: {  	[tilespmem:s25], [sflag:$0x1] =	stream.indirect_vreg.gather [hbm4b:s6+s3], $0x80, v4, vm0, $0xb8;
	[tilespmem:$0x1C400] =	vst v63  }
0x380: {  	s28 =	simm.s32 $0x1C00  }
0x381: {  	[tilespmem:s28], [sflag:$0x1] =	stream.indirect_vreg.gather [hbm4b:s7+s3], $0x80, v4, vm0, $0xb8;
	[tilespmem:$0x1C400] =	vst v63  }
0x382: {  	s29 =	simm.s32 $0x2400  }
0x383: {  	[tilespmem:s29], [sflag:$0x1] =	stream.indirect_vreg.gather [hbm4b:s1+s3], $0x80, v3, vm0, $0xb8;
	[tilespmem:$0x1C400] =	vst v63  }
0x384: {  	s30 =	simm.s32 $0x2C00  }
0x385: {  	[tilespmem:s30], [sflag:$0x1] =	stream.indirect_vreg.gather [hbm4b:s5+s3], $0x80, v3, vm0, $0xb8;
	[tilespmem:$0x1C400] =	vst v63  }
0x386: {  	s31 =	simm.s32 $0x3400  }
0x387: {  	[tilespmem:s31], [sflag:$0x1] =	stream.indirect_vreg.gather [hbm4b:s6+s3], $0x80, v3, vm0, $0xb8;
	[tilespmem:$0x1C400] =	vst v63  }
0x388: {  	s2 =	simm.s32 $0x3C00  }
0x389: {  	[tilespmem:s2], [sflag:$0x1] =	stream.indirect_vreg.gather [hbm4b:s7+s3], $0x80, v3, vm0, $0xb8;
	[tilespmem:$0x1C400] =	vst v63  }
0x38a: {  	v3 =	vld [tilespmem:$0x240];
	_ =	sdelay $0x4  }
0x38b: {  	v32 =	vshll.u32 v3, $0x3  }
0x38c: {  	v3 =	vand.u32 $0x7, v3;
	v4 =	vand.u32 $0xFFFFFFC0, v32  }
0x38d: {  	v3 =	vor.u32 v3, v4  }
0x38e: {  	v4 =	vperm.xlane v3, v0;
	_ =	sdelay $0x1  }
0x38f: {  	v4 =	vadd.s32 v1, v4;
	_ =	sdelay $0x3  }
0x390: {  	s30 =	simm.s32 $0x4400  }
0x391: {  	[tilespmem:s30], [sflag:$0x1] =	stream.indirect_vreg.gather [hbm4b:s1+s3], $0x80, v4, vm0, $0xb8;
	[tilespmem:$0x1C400] =	vst v63  }
0x392: {  	s31 =	simm.s32 $0x4C00;
	v3 =	vperm.xlane v3, v2  }
0x393: {  	[tilespmem:s31], [sflag:$0x1] =	stream.indirect_vreg.gather [hbm4b:s5+s3], $0x80, v4, vm0, $0xb8;
	[tilespmem:$0x1C400] =	vst v63  }
0x394: {  	s17 =	simm.s32 $0x5400;
	v3 =	vadd.s32 v1, v3  }
0x395: {  	[tilespmem:s17], [sflag:$0x1] =	stream.indirect_vreg.gather [hbm4b:s6+s3], $0x80, v4, vm0, $0xb8;
	[tilespmem:$0x1C400] =	vst v63  }
0x396: {  	s23 =	simm.s32 $0x5C00  }
0x397: {  	[tilespmem:s23], [sflag:$0x1] =	stream.indirect_vreg.gather [hbm4b:s7+s3], $0x80, v4, vm0, $0xb8;
	[tilespmem:$0x1C400] =	vst v63  }
0x398: {  	s25 =	simm.s32 $0x6400  }
0x399: {  	[tilespmem:s25], [sflag:$0x1] =	stream.indirect_vreg.gather [hbm4b:s1+s3], $0x80, v3, vm0, $0xb8;
	[tilespmem:$0x1C400] =	vst v63  }
0x39a: {  	s26 =	simm.s32 $0x6C00  }
0x39b: {  	[tilespmem:s26], [sflag:$0x1] =	stream.indirect_vreg.gather [hbm4b:s5+s3], $0x80, v3, vm0, $0xb8;
	[tilespmem:$0x1C400] =	vst v63  }
0x39c: {  	s28 =	simm.s32 $0x7400  }
0x39d: {  	[tilespmem:s28], [sflag:$0x1] =	stream.indirect_vreg.gather [hbm4b:s6+s3], $0x80, v3, vm0, $0xb8;
	[tilespmem:$0x1C400] =	vst v63  }
0x39e: {  	s29 =	simm.s32 $0x7C00  }
0x39f: {  	[tilespmem:s29], [sflag:$0x1] =	stream.indirect_vreg.gather [hbm4b:s7+s3], $0x80, v3, vm0, $0xb8;
	[tilespmem:$0x1C400] =	vst v63  }
0x3a0: {  	v3 =	vld [tilespmem:$0x250];
	_ =	sdelay $0x4  }
0x3a1: {  	v33 =	vshll.u32 v3, $0x3  }
0x3a2: {  	v3 =	vand.u32 $0x7, v3;
	v4 =	vand.u32 $0xFFFFFFC0, v33  }
0x3a3: {  	v3 =	vor.u32 v3, v4  }
0x3a4: {  	v4 =	vperm.xlane v3, v0;
	_ =	sdelay $0x1  }
0x3a5: {  	v4 =	vadd.s32 v1, v4;
	_ =	sdelay $0x3  }
0x3a6: {  	s20 =	simm.s32 $0x8400  }
0x3a7: {  	[tilespmem:s20], [sflag:$0x1] =	stream.indirect_vreg.gather [hbm4b:s1+s3], $0x80, v4, vm0, $0xb8;
	[tilespmem:$0x1C400] =	vst v63  }
0x3a8: {  	s23 =	simm.s32 $0x8C00;
	v3 =	vperm.xlane v3, v2  }
0x3a9: {  	[tilespmem:s23], [sflag:$0x1] =	stream.indirect_vreg.gather [hbm4b:s5+s3], $0x80, v4, vm0, $0xb8;
	[tilespmem:$0x1C400] =	vst v63  }
0x3aa: {  	s25 =	simm.s32 $0x9400;
	v3 =	vadd.s32 v1, v3  }
0x3ab: {  	[tilespmem:s25], [sflag:$0x1] =	stream.indirect_vreg.gather [hbm4b:s6+s3], $0x80, v4, vm0, $0xb8;
	[tilespmem:$0x1C400] =	vst v63  }
0x3ac: {  	s26 =	simm.s32 $0x9C00  }
0x3ad: {  	[tilespmem:s26], [sflag:$0x1] =	stream.indirect_vreg.gather [hbm4b:s7+s3], $0x80, v4, vm0, $0xb8;
	[tilespmem:$0x1C400] =	vst v63  }
0x3ae: {  	s28 =	simm.s32 $0xA400  }
0x3af: {  	[tilespmem:s28], [sflag:$0x1] =	stream.indirect_vreg.gather [hbm4b:s1+s3], $0x80, v3, vm0, $0xb8;
	[tilespmem:$0x1C400] =	vst v63  }
0x3b0: {  	s23 =	simm.s32 $0xAC00  }
0x3b1: {  	[tilespmem:s23], [sflag:$0x1] =	stream.indirect_vreg.gather [hbm4b:s5+s3], $0x80, v3, vm0, $0xb8;
	[tilespmem:$0x1C400] =	vst v63  }
0x3b2: {  	s25 =	simm.s32 $0xB400  }
0x3b3: {  	[tilespmem:s25], [sflag:$0x1] =	stream.indirect_vreg.gather [hbm4b:s6+s3], $0x80, v3, vm0, $0xb8;
	[tilespmem:$0x1C400] =	vst v63  }
0x3b4: {  	s29 =	simm.s32 $0xBC00  }
0x3b5: {  	[tilespmem:s29], [sflag:$0x1] =	stream.indirect_vreg.gather [hbm4b:s7+s3], $0x80, v3, vm0, $0xb8;
	[tilespmem:$0x1C400] =	vst v63  }
0x3b6: {  	v3 =	vld.msk [tilespmem:$0x260], $0xff;
	_ =	sdelay $0x4  }
0x3b7: {  	v34 =	vshll.u32 v3, $0x3  }
0x3b8: {  	v3 =	vand.u32 $0x7, v3;
	v4 =	vand.u32 $0xFFFFFFC0, v34  }
0x3b9: {  	v3 =	vor.u32 v3, v4  }
0x3ba: {  	v3 =	vperm.xlane v3, v0;
	_ =	sdelay $0x1  }
0x3bb: {  	v3 =	vadd.s32 v1, v3;
	_ =	sdelay $0x3  }
0x3bc: {  	s26 =	simm.s32 $0xC400  }
0x3bd: {  	[tilespmem:s26], [sflag:$0x1] =	stream.indirect_vreg.gather [hbm4b:s1+s3], $0x80, v3, vm0, $0xb8;
	[tilespmem:$0x1C400] =	vst v63  }
0x3be: {  	s28 =	simm.s32 $0xCC00  }
0x3bf: {  	[tilespmem:s28], [sflag:$0x1] =	stream.indirect_vreg.gather [hbm4b:s5+s3], $0x80, v3, vm0, $0xb8;
	[tilespmem:$0x1C400] =	vst v63  }
0x3c0: {  	s29 =	simm.s32 $0xD400  }
0x3c1: {  	[tilespmem:s29], [sflag:$0x1] =	stream.indirect_vreg.gather [hbm4b:s6+s3], $0x80, v3, vm0, $0xb8;
	[tilespmem:$0x1C400] =	vst v63  }
0x3c2: {  	s20 =	simm.s32 $0xDC00  }
0x3c3: {  	[tilespmem:s20], [sflag:$0x1] =	stream.indirect_vreg.gather [hbm4b:s7+s3], $0x80, v3, vm0, $0xb8;
	[tilespmem:$0x1C400] =	vst v63  }
0x3c4: {  	_ =	swait.ge [sflag:s18], $0xE000  }
0x3c5: {  	[sflag:s18] =	ssyncset.done $0x0  }
0x3c6: {  	s0 =	simm.s32 $0xE400;
	s20 =	rddreg [dreg:$0xd];
	[sflag:s18] =	ssyncadd.s32 $0xFFFF2000  }
0x3c7: {  	[hbm4b:s20+s3] =	stream.linear.scatter [tilespmem:s0], [sflag:$0x4], $0xE000, $0x38;
	[tilespmem:$0x1C400] =	vst v63  }
0x3c8: {  	_ =	swait.ge [sflag:s19], $0xE000  }
0x3c9: {  	[sflag:s19] =	ssyncset.done $0x0  }
0x3ca: {  	[sflag:s19] =	ssyncadd.s32 $0xFFFF2000  }
0x3cb: {  	v3 =	vld [tilespmem:$0x268];
	_ =	sdelay $0x4  }
0x3cc: {  	v35 =	vshll.u32 v3, $0x3  }
0x3cd: {  	v3 =	vand.u32 $0x7, v3;
	v4 =	vand.u32 $0xFFFFFFC0, v35  }
0x3ce: {  	v3 =	vor.u32 v3, v4  }
0x3cf: {  	v4 =	vperm.xlane v3, v0;
	_ =	sdelay $0x1  }
0x3d0: {  	v4 =	vadd.s32 v1, v4;
	_ =	sdelay $0x4  }
0x3d1: {  	[tilespmem:s0], [sflag:$0x2] =	stream.indirect_vreg.gather [hbm4b:s1+s3], $0x80, v4, vm0, $0xb8;
	[tilespmem:$0x1C400] =	vst v63  }
0x3d2: {  	s20 =	simm.s32 $0xEC00;
	v3 =	vperm.xlane v3, v2  }
0x3d3: {  	[tilespmem:s20], [sflag:$0x2] =	stream.indirect_vreg.gather [hbm4b:s5+s3], $0x80, v4, vm0, $0xb8;
	[tilespmem:$0x1C400] =	vst v63  }
0x3d4: {  	v3 =	vadd.s32 v1, v3;
	s20 =	simm.s32 $0xF400  }
0x3d5: {  	[tilespmem:s20], [sflag:$0x2] =	stream.indirect_vreg.gather [hbm4b:s6+s3], $0x80, v4, vm0, $0xb8;
	[tilespmem:$0x1C400] =	vst v63  }
0x3d6: {  	s20 =	simm.s32 $0xFC00  }
0x3d7: {  	[tilespmem:s20], [sflag:$0x2] =	stream.indirect_vreg.gather [hbm4b:s7+s3], $0x80, v4, vm0, $0xb8;
	[tilespmem:$0x1C400] =	vst v63  }
0x3d8: {  	s20 =	simm.s32 $0x10400  }
0x3d9: {  	[tilespmem:s20], [sflag:$0x2] =	stream.indirect_vreg.gather [hbm4b:s1+s3], $0x80, v3, vm0, $0xb8;
	[tilespmem:$0x1C400] =	vst v63  }
0x3da: {  	s20 =	simm.s32 $0x10C00  }
0x3db: {  	[tilespmem:s20], [sflag:$0x2] =	stream.indirect_vreg.gather [hbm4b:s5+s3], $0x80, v3, vm0, $0xb8;
	[tilespmem:$0x1C400] =	vst v63  }
0x3dc: {  	s20 =	simm.s32 $0x11400  }
0x3dd: {  	[tilespmem:s20], [sflag:$0x2] =	stream.indirect_vreg.gather [hbm4b:s6+s3], $0x80, v3, vm0, $0xb8;
	[tilespmem:$0x1C400] =	vst v63  }
0x3de: {  	s20 =	simm.s32 $0x11C00  }
0x3df: {  	[tilespmem:s20], [sflag:$0x2] =	stream.indirect_vreg.gather [hbm4b:s7+s3], $0x80, v3, vm0, $0xb8;
	[tilespmem:$0x1C400] =	vst v63  }
0x3e0: {  	v3 =	vld [tilespmem:$0x278];
	_ =	sdelay $0x4  }
0x3e1: {  	v36 =	vshll.u32 v3, $0x3  }
0x3e2: {  	v3 =	vand.u32 $0x7, v3;
	v4 =	vand.u32 $0xFFFFFFC0, v36  }
0x3e3: {  	v3 =	vor.u32 v3, v4  }
0x3e4: {  	v4 =	vperm.xlane v3, v0;
	_ =	sdelay $0x1  }
0x3e5: {  	v4 =	vadd.s32 v1, v4;
	_ =	sdelay $0x3  }
0x3e6: {  	s20 =	simm.s32 $0x12400  }
0x3e7: {  	[tilespmem:s20], [sflag:$0x2] =	stream.indirect_vreg.gather [hbm4b:s1+s3], $0x80, v4, vm0, $0xb8;
	[tilespmem:$0x1C400] =	vst v63  }
0x3e8: {  	v3 =	vperm.xlane v3, v2;
	s20 =	simm.s32 $0x12C00  }
0x3e9: {  	[tilespmem:s20], [sflag:$0x2] =	stream.indirect_vreg.gather [hbm4b:s5+s3], $0x80, v4, vm0, $0xb8;
	[tilespmem:$0x1C400] =	vst v63  }
0x3ea: {  	s10 =	simm.s32 $0x13400;
	v3 =	vadd.s32 v1, v3  }
0x3eb: {  	[tilespmem:s10], [sflag:$0x2] =	stream.indirect_vreg.gather [hbm4b:s6+s3], $0x80, v4, vm0, $0xb8;
	[tilespmem:$0x1C400] =	vst v63  }
0x3ec: {  	s10 =	simm.s32 $0x13C00  }
0x3ed: {  	[tilespmem:s10], [sflag:$0x2] =	stream.indirect_vreg.gather [hbm4b:s7+s3], $0x80, v4, vm0, $0xb8;
	[tilespmem:$0x1C400] =	vst v63  }
0x3ee: {  	_ = 	snop  }
0x3ef: {  	[tilespmem:s24], [sflag:$0x2] =	stream.indirect_vreg.gather [hbm4b:s1+s3], $0x80, v3, vm0, $0xb8;
	[tilespmem:$0x1C400] =	vst v63  }
0x3f0: {  	_ = 	snop  }
0x3f1: {  	[tilespmem:s11], [sflag:$0x2] =	stream.indirect_vreg.gather [hbm4b:s5+s3], $0x80, v3, vm0, $0xb8;
	[tilespmem:$0x1C400] =	vst v63  }
0x3f2: {  	s11 =	simm.s32 $0x15400  }
0x3f3: {  	[tilespmem:s11], [sflag:$0x2] =	stream.indirect_vreg.gather [hbm4b:s6+s3], $0x80, v3, vm0, $0xb8;
	[tilespmem:$0x1C400] =	vst v63  }
0x3f4: {  	s11 =	simm.s32 $0x15C00  }
0x3f5: {  	[tilespmem:s11], [sflag:$0x2] =	stream.indirect_vreg.gather [hbm4b:s7+s3], $0x80, v3, vm0, $0xb8;
	[tilespmem:$0x1C400] =	vst v63  }
0x3f6: {  	v3 =	vld [tilespmem:$0x288];
	_ =	sdelay $0x4  }
0x3f7: {  	v37 =	vshll.u32 v3, $0x3  }
0x3f8: {  	v3 =	vand.u32 $0x7, v3;
	v4 =	vand.u32 $0xFFFFFFC0, v37  }
0x3f9: {  	v3 =	vor.u32 v3, v4  }
0x3fa: {  	v4 =	vperm.xlane v3, v0;
	_ =	sdelay $0x1  }
0x3fb: {  	v4 =	vadd.s32 v1, v4;
	_ =	sdelay $0x3  }
0x3fc: {  	s24 =	simm.s32 $0x16400  }
0x3fd: {  	[tilespmem:s24], [sflag:$0x2] =	stream.indirect_vreg.gather [hbm4b:s1+s3], $0x80, v4, vm0, $0xb8;
	[tilespmem:$0x1C400] =	vst v63  }
0x3fe: {  	v3 =	vperm.xlane v3, v2  }
0x3ff: {  	[tilespmem:s21], [sflag:$0x2] =	stream.indirect_vreg.gather [hbm4b:s5+s3], $0x80, v4, vm0, $0xb8;
	[tilespmem:$0x1C400] =	vst v63  }
0x400: {  	s20 =	simm.s32 $0x17400;
	v3 =	vadd.s32 v1, v3  }
0x401: {  	[tilespmem:s20], [sflag:$0x2] =	stream.indirect_vreg.gather [hbm4b:s6+s3], $0x80, v4, vm0, $0xb8;
	[tilespmem:$0x1C400] =	vst v63  }
0x402: {  	s21 =	simm.s32 $0x17C00  }
0x403: {  	[tilespmem:s21], [sflag:$0x2] =	stream.indirect_vreg.gather [hbm4b:s7+s3], $0x80, v4, vm0, $0xb8;
	[tilespmem:$0x1C400] =	vst v63  }
0x404: {  	_ = 	snop  }
0x405: {  	[tilespmem:s8], [sflag:$0x2] =	stream.indirect_vreg.gather [hbm4b:s1+s3], $0x80, v3, vm0, $0xb8;
	[tilespmem:$0x1C400] =	vst v63  }
0x406: {  	_ = 	snop  }
0x407: {  	[tilespmem:s12], [sflag:$0x2] =	stream.indirect_vreg.gather [hbm4b:s5+s3], $0x80, v3, vm0, $0xb8;
	[tilespmem:$0x1C400] =	vst v63  }
0x408: {  	_ = 	snop  }
0x409: {  	[tilespmem:s13], [sflag:$0x2] =	stream.indirect_vreg.gather [hbm4b:s6+s3], $0x80, v3, vm0, $0xb8;
	[tilespmem:$0x1C400] =	vst v63  }
0x40a: {  	_ = 	snop  }
0x40b: {  	[tilespmem:s22], [sflag:$0x2] =	stream.indirect_vreg.gather [hbm4b:s7+s3], $0x80, v3, vm0, $0xb8;
	[tilespmem:$0x1C400] =	vst v63  }
0x40c: {  	v3 =	vld.msk [tilespmem:$0x298], $0xff;
	_ =	sdelay $0x4  }
0x40d: {  	v38 =	vshll.u32 v3, $0x3  }
0x40e: {  	v3 =	vand.u32 $0x7, v3;
	v4 =	vand.u32 $0xFFFFFFC0, v38  }
0x40f: {  	v3 =	vor.u32 v3, v4  }
0x410: {  	v3 =	vperm.xlane v3, v0;
	_ =	sdelay $0x1  }
0x411: {  	v3 =	vadd.s32 v1, v3;
	_ =	sdelay $0x4  }
0x412: {  	[tilespmem:s14], [sflag:$0x2] =	stream.indirect_vreg.gather [hbm4b:s1+s3], $0x80, v3, vm0, $0xb8;
	[tilespmem:$0x1C400] =	vst v63  }
0x413: {  	_ = 	snop  }
0x414: {  	[tilespmem:s15], [sflag:$0x2] =	stream.indirect_vreg.gather [hbm4b:s5+s3], $0x80, v3, vm0, $0xb8;
	[tilespmem:$0x1C400] =	vst v63  }
0x415: {  	_ = 	snop  }
0x416: {  	[tilespmem:s16], [sflag:$0x2] =	stream.indirect_vreg.gather [hbm4b:s6+s3], $0x80, v3, vm0, $0xb8;
	[tilespmem:$0x1C400] =	vst v63  }
0x417: {  	s16 =	simm.s32 $0x1BC00  }
0x418: {  	[tilespmem:s16], [sflag:$0x2] =	stream.indirect_vreg.gather [hbm4b:s7+s3], $0x80, v3, vm0, $0xb8;
	[tilespmem:$0x1C400] =	vst v63  }
0x419: {  	_ =	swait.ge [sflag:s9], $0xE000  }
0x41a: {  	[sflag:s9] =	ssyncset.done $0x0  }
0x41b: {  	s14 =	simm.s32 $0x400;
	s13 =	rddreg [dreg:$0xe];
	[sflag:s9] =	ssyncadd.s32 $0xFFFF2000  }
0x41c: {  	[hbm4b:s13+s3] =	stream.linear.scatter [tilespmem:s14], [sflag:$0x3], $0xE000, $0x38;
	[tilespmem:$0x1C400] =	vst v63  }
0x41d: {  	_ =	swait.ge [sflag:s4], $0xE000  }
0x41e: {  	[sflag:s4] =	ssyncset.done $0x0  }
0x41f: {  	[sflag:s4] =	ssyncadd.s32 $0xFFFF2000  }
0x420: {  	v3 =	vld [tilespmem:$0x2A0];
	_ =	sdelay $0x4  }
0x421: {  	v39 =	vshll.u32 v3, $0x3  }
0x422: {  	v3 =	vand.u32 $0x7, v3;
	v4 =	vand.u32 $0xFFFFFFC0, v39  }
0x423: {  	v3 =	vor.u32 v3, v4  }
0x424: {  	v4 =	vperm.xlane v3, v0;
	_ =	sdelay $0x1  }
0x425: {  	v4 =	vadd.s32 v1, v4;
	_ =	sdelay $0x4  }
0x426: {  	[tilespmem:s14], [sflag:$0x1] =	stream.indirect_vreg.gather [hbm4b:s1+s3], $0x80, v4, vm0, $0xb8;
	[tilespmem:$0x1C400] =	vst v63  }
0x427: {  	s12 =	simm.s32 $0xC00;
	v3 =	vperm.xlane v3, v2  }
0x428: {  	[tilespmem:s12], [sflag:$0x1] =	stream.indirect_vreg.gather [hbm4b:s5+s3], $0x80, v4, vm0, $0xb8;
	[tilespmem:$0x1C400] =	vst v63  }
0x429: {  	s15 =	simm.s32 $0x1400;
	v3 =	vadd.s32 v1, v3  }
0x42a: {  	[tilespmem:s15], [sflag:$0x1] =	stream.indirect_vreg.gather [hbm4b:s6+s3], $0x80, v4, vm0, $0xb8;
	[tilespmem:$0x1C400] =	vst v63  }
0x42b: {  	s13 =	simm.s32 $0x1C00  }
0x42c: {  	[tilespmem:s13], [sflag:$0x1] =	stream.indirect_vreg.gather [hbm4b:s7+s3], $0x80, v4, vm0, $0xb8;
	[tilespmem:$0x1C400] =	vst v63  }
0x42d: {  	s14 =	simm.s32 $0x2400  }
0x42e: {  	[tilespmem:s14], [sflag:$0x1] =	stream.indirect_vreg.gather [hbm4b:s1+s3], $0x80, v3, vm0, $0xb8;
	[tilespmem:$0x1C400] =	vst v63  }
0x42f: {  	s15 =	simm.s32 $0x2C00  }
0x430: {  	[tilespmem:s15], [sflag:$0x1] =	stream.indirect_vreg.gather [hbm4b:s5+s3], $0x80, v3, vm0, $0xb8;
	[tilespmem:$0x1C400] =	vst v63  }
0x431: {  	s21 =	simm.s32 $0x3400  }
0x432: {  	[tilespmem:s21], [sflag:$0x1] =	stream.indirect_vreg.gather [hbm4b:s6+s3], $0x80, v3, vm0, $0xb8;
	[tilespmem:$0x1C400] =	vst v63  }
0x433: {  	_ = 	snop  }
0x434: {  	[tilespmem:s2], [sflag:$0x1] =	stream.indirect_vreg.gather [hbm4b:s7+s3], $0x80, v3, vm0, $0xb8;
	[tilespmem:$0x1C400] =	vst v63  }
0x435: {  	v3 =	vld [tilespmem:$0x2B0];
	_ =	sdelay $0x4  }
0x436: {  	v40 =	vshll.u32 v3, $0x3  }
0x437: {  	v3 =	vand.u32 $0x7, v3;
	v4 =	vand.u32 $0xFFFFFFC0, v40  }
0x438: {  	v3 =	vor.u32 v3, v4  }
0x439: {  	v4 =	vperm.xlane v3, v0;
	_ =	sdelay $0x1  }
0x43a: {  	v4 =	vadd.s32 v1, v4;
	_ =	sdelay $0x4  }
0x43b: {  	[tilespmem:s30], [sflag:$0x1] =	stream.indirect_vreg.gather [hbm4b:s1+s3], $0x80, v4, vm0, $0xb8;
	[tilespmem:$0x1C400] =	vst v63  }
0x43c: {  	v3 =	vperm.xlane v3, v2  }
0x43d: {  	[tilespmem:s31], [sflag:$0x1] =	stream.indirect_vreg.gather [hbm4b:s5+s3], $0x80, v4, vm0, $0xb8;
	[tilespmem:$0x1C400] =	vst v63  }
0x43e: {  	v3 =	vadd.s32 v1, v3  }
0x43f: {  	[tilespmem:s17], [sflag:$0x1] =	stream.indirect_vreg.gather [hbm4b:s6+s3], $0x80, v4, vm0, $0xb8;
	[tilespmem:$0x1C400] =	vst v63  }
0x440: {  	s17 =	simm.s32 $0x5C00  }
0x441: {  	[tilespmem:s17], [sflag:$0x1] =	stream.indirect_vreg.gather [hbm4b:s7+s3], $0x80, v4, vm0, $0xb8;
	[tilespmem:$0x1C400] =	vst v63  }
0x442: {  	s20 =	simm.s32 $0x6400  }
0x443: {  	[tilespmem:s20], [sflag:$0x1] =	stream.indirect_vreg.gather [hbm4b:s1+s3], $0x80, v3, vm0, $0xb8;
	[tilespmem:$0x1C400] =	vst v63  }
0x444: {  	s22 =	simm.s32 $0x6C00  }
0x445: {  	[tilespmem:s22], [sflag:$0x1] =	stream.indirect_vreg.gather [hbm4b:s5+s3], $0x80, v3, vm0, $0xb8;
	[tilespmem:$0x1C400] =	vst v63  }
0x446: {  	s30 =	simm.s32 $0x7400  }
0x447: {  	[tilespmem:s30], [sflag:$0x1] =	stream.indirect_vreg.gather [hbm4b:s6+s3], $0x80, v3, vm0, $0xb8;
	[tilespmem:$0x1C400] =	vst v63  }
0x448: {  	s31 =	simm.s32 $0x7C00  }
0x449: {  	[tilespmem:s31], [sflag:$0x1] =	stream.indirect_vreg.gather [hbm4b:s7+s3], $0x80, v3, vm0, $0xb8;
	[tilespmem:$0x1C400] =	vst v63  }
0x44a: {  	v3 =	vld [tilespmem:$0x2C0];
	_ =	sdelay $0x4  }
0x44b: {  	v41 =	vshll.u32 v3, $0x3  }
0x44c: {  	v3 =	vand.u32 $0x7, v3;
	v4 =	vand.u32 $0xFFFFFFC0, v41  }
0x44d: {  	v3 =	vor.u32 v3, v4  }
0x44e: {  	v4 =	vperm.xlane v3, v0;
	_ =	sdelay $0x1  }
0x44f: {  	v4 =	vadd.s32 v1, v4;
	_ =	sdelay $0x3  }
0x450: {  	s2 =	simm.s32 $0x8400  }
0x451: {  	[tilespmem:s2], [sflag:$0x1] =	stream.indirect_vreg.gather [hbm4b:s1+s3], $0x80, v4, vm0, $0xb8;
	[tilespmem:$0x1C400] =	vst v63  }
0x452: {  	s8 =	simm.s32 $0x8C00;
	v3 =	vperm.xlane v3, v2  }
0x453: {  	[tilespmem:s8], [sflag:$0x1] =	stream.indirect_vreg.gather [hbm4b:s5+s3], $0x80, v4, vm0, $0xb8;
	[tilespmem:$0x1C400] =	vst v63  }
0x454: {  	s17 =	simm.s32 $0x9400;
	v3 =	vadd.s32 v1, v3  }
0x455: {  	[tilespmem:s17], [sflag:$0x1] =	stream.indirect_vreg.gather [hbm4b:s6+s3], $0x80, v4, vm0, $0xb8;
	[tilespmem:$0x1C400] =	vst v63  }
0x456: {  	s20 =	simm.s32 $0x9C00  }
0x457: {  	[tilespmem:s20], [sflag:$0x1] =	stream.indirect_vreg.gather [hbm4b:s7+s3], $0x80, v4, vm0, $0xb8;
	[tilespmem:$0x1C400] =	vst v63  }
0x458: {  	s22 =	simm.s32 $0xA400  }
0x459: {  	[tilespmem:s22], [sflag:$0x1] =	stream.indirect_vreg.gather [hbm4b:s1+s3], $0x80, v3, vm0, $0xb8;
	[tilespmem:$0x1C400] =	vst v63  }
0x45a: {  	_ = 	snop  }
0x45b: {  	[tilespmem:s23], [sflag:$0x1] =	stream.indirect_vreg.gather [hbm4b:s5+s3], $0x80, v3, vm0, $0xb8;
	[tilespmem:$0x1C400] =	vst v63  }
0x45c: {  	_ = 	snop  }
0x45d: {  	[tilespmem:s25], [sflag:$0x1] =	stream.indirect_vreg.gather [hbm4b:s6+s3], $0x80, v3, vm0, $0xb8;
	[tilespmem:$0x1C400] =	vst v63  }
0x45e: {  	s23 =	simm.s32 $0xBC00  }
0x45f: {  	[tilespmem:s23], [sflag:$0x1] =	stream.indirect_vreg.gather [hbm4b:s7+s3], $0x80, v3, vm0, $0xb8;
	[tilespmem:$0x1C400] =	vst v63  }
0x460: {  	v3 =	vld.msk [tilespmem:$0x2D0], $0xff;
	_ =	sdelay $0x4  }
0x461: {  	v42 =	vshll.u32 v3, $0x3  }
0x462: {  	v3 =	vand.u32 $0x7, v3;
	v4 =	vand.u32 $0xFFFFFFC0, v42  }
0x463: {  	v3 =	vor.u32 v3, v4  }
0x464: {  	v3 =	vperm.xlane v3, v0;
	_ =	sdelay $0x1  }
0x465: {  	v3 =	vadd.s32 v1, v3;
	_ =	sdelay $0x4  }
0x466: {  	[tilespmem:s26], [sflag:$0x1] =	stream.indirect_vreg.gather [hbm4b:s1+s3], $0x80, v3, vm0, $0xb8;
	[tilespmem:$0x1C400] =	vst v63  }
0x467: {  	_ = 	snop  }
0x468: {  	[tilespmem:s28], [sflag:$0x1] =	stream.indirect_vreg.gather [hbm4b:s5+s3], $0x80, v3, vm0, $0xb8;
	[tilespmem:$0x1C400] =	vst v63  }
0x469: {  	_ = 	snop  }
0x46a: {  	[tilespmem:s29], [sflag:$0x1] =	stream.indirect_vreg.gather [hbm4b:s6+s3], $0x80, v3, vm0, $0xb8;
	[tilespmem:$0x1C400] =	vst v63  }
0x46b: {  	s25 =	simm.s32 $0xDC00  }
0x46c: {  	[tilespmem:s25], [sflag:$0x1] =	stream.indirect_vreg.gather [hbm4b:s7+s3], $0x80, v3, vm0, $0xb8;
	[tilespmem:$0x1C400] =	vst v63  }
0x46d: {  	_ =	swait.ge [sflag:s18], $0xE000  }
0x46e: {  	[sflag:s18] =	ssyncset.done $0x0  }
0x46f: {  	s28 =	simm.s32 $0xE400;
	s26 =	rddreg [dreg:$0xf];
	[sflag:s18] =	ssyncadd.s32 $0xFFFF2000  }
0x470: {  	[hbm4b:s26+s3] =	stream.linear.scatter [tilespmem:s28], [sflag:$0x4], $0xE000, $0x38;
	[tilespmem:$0x1C400] =	vst v63  }
0x471: {  	_ =	swait.ge [sflag:s19], $0xE000  }
0x472: {  	[sflag:s19] =	ssyncset.done $0x0  }
0x473: {  	[sflag:s19] =	ssyncadd.s32 $0xFFFF2000  }
0x474: {  	v3 =	vld [tilespmem:$0x2D8];
	_ =	sdelay $0x4  }
0x475: {  	v43 =	vshll.u32 v3, $0x3  }
0x476: {  	v3 =	vand.u32 $0x7, v3;
	v4 =	vand.u32 $0xFFFFFFC0, v43  }
0x477: {  	v3 =	vor.u32 v3, v4  }
0x478: {  	v4 =	vperm.xlane v3, v0;
	_ =	sdelay $0x1  }
0x479: {  	v4 =	vadd.s32 v1, v4;
	_ =	sdelay $0x4  }
0x47a: {  	[tilespmem:s28], [sflag:$0x2] =	stream.indirect_vreg.gather [hbm4b:s1+s3], $0x80, v4, vm0, $0xb8;
	[tilespmem:$0x1C400] =	vst v63  }
0x47b: {  	s23 =	simm.s32 $0xEC00;
	v3 =	vperm.xlane v3, v2  }
0x47c: {  	[tilespmem:s23], [sflag:$0x2] =	stream.indirect_vreg.gather [hbm4b:s5+s3], $0x80, v4, vm0, $0xb8;
	[tilespmem:$0x1C400] =	vst v63  }
0x47d: {  	s29 =	simm.s32 $0xF400;
	v3 =	vadd.s32 v1, v3  }
0x47e: {  	[tilespmem:s29], [sflag:$0x2] =	stream.indirect_vreg.gather [hbm4b:s6+s3], $0x80, v4, vm0, $0xb8;
	[tilespmem:$0x1C400] =	vst v63  }
0x47f: {  	s30 =	simm.s32 $0xFC00  }
0x480: {  	[tilespmem:s30], [sflag:$0x2] =	stream.indirect_vreg.gather [hbm4b:s7+s3], $0x80, v4, vm0, $0xb8;
	[tilespmem:$0x1C400] =	vst v63  }
0x481: {  	s31 =	simm.s32 $0x10400  }
0x482: {  	[tilespmem:s31], [sflag:$0x2] =	stream.indirect_vreg.gather [hbm4b:s1+s3], $0x80, v3, vm0, $0xb8;
	[tilespmem:$0x1C400] =	vst v63  }
0x483: {  	s2 =	simm.s32 $0x10C00  }
0x484: {  	[tilespmem:s2], [sflag:$0x2] =	stream.indirect_vreg.gather [hbm4b:s5+s3], $0x80, v3, vm0, $0xb8;
	[tilespmem:$0x1C400] =	vst v63  }
0x485: {  	s17 =	simm.s32 $0x11400  }
0x486: {  	[tilespmem:s17], [sflag:$0x2] =	stream.indirect_vreg.gather [hbm4b:s6+s3], $0x80, v3, vm0, $0xb8;
	[tilespmem:$0x1C400] =	vst v63  }
0x487: {  	s20 =	simm.s32 $0x11C00  }
0x488: {  	[tilespmem:s20], [sflag:$0x2] =	stream.indirect_vreg.gather [hbm4b:s7+s3], $0x80, v3, vm0, $0xb8;
	[tilespmem:$0x1C400] =	vst v63  }
0x489: {  	v3 =	vld [tilespmem:$0x2E8];
	_ =	sdelay $0x4  }
0x48a: {  	v44 =	vshll.u32 v3, $0x3  }
0x48b: {  	v3 =	vand.u32 $0x7, v3;
	v4 =	vand.u32 $0xFFFFFFC0, v44  }
0x48c: {  	v3 =	vor.u32 v3, v4  }
0x48d: {  	v4 =	vperm.xlane v3, v0;
	_ =	sdelay $0x1  }
0x48e: {  	v4 =	vadd.s32 v1, v4;
	_ =	sdelay $0x3  }
0x48f: {  	s22 =	simm.s32 $0x12400  }
0x490: {  	[tilespmem:s22], [sflag:$0x2] =	stream.indirect_vreg.gather [hbm4b:s1+s3], $0x80, v4, vm0, $0xb8;
	[tilespmem:$0x1C400] =	vst v63  }
0x491: {  	s25 =	simm.s32 $0x12C00;
	v3 =	vperm.xlane v3, v2  }
0x492: {  	[tilespmem:s25], [sflag:$0x2] =	stream.indirect_vreg.gather [hbm4b:s5+s3], $0x80, v4, vm0, $0xb8;
	[tilespmem:$0x1C400] =	vst v63  }
0x493: {  	s26 =	simm.s32 $0x13400;
	v3 =	vadd.s32 v1, v3  }
0x494: {  	[tilespmem:s26], [sflag:$0x2] =	stream.indirect_vreg.gather [hbm4b:s6+s3], $0x80, v4, vm0, $0xb8;
	[tilespmem:$0x1C400] =	vst v63  }
0x495: {  	_ = 	snop  }
0x496: {  	[tilespmem:s10], [sflag:$0x2] =	stream.indirect_vreg.gather [hbm4b:s7+s3], $0x80, v4, vm0, $0xb8;
	[tilespmem:$0x1C400] =	vst v63  }
0x497: {  	s0 =	simm.s32 $0x14400  }
0x498: {  	[tilespmem:s0], [sflag:$0x2] =	stream.indirect_vreg.gather [hbm4b:s1+s3], $0x80, v3, vm0, $0xb8;
	[tilespmem:$0x1C400] =	vst v63  }
0x499: {  	s28 =	simm.s32 $0x14C00  }
0x49a: {  	[tilespmem:s28], [sflag:$0x2] =	stream.indirect_vreg.gather [hbm4b:s5+s3], $0x80, v3, vm0, $0xb8;
	[tilespmem:$0x1C400] =	vst v63  }
0x49b: {  	s17 =	simm.s32 $0x15400  }
0x49c: {  	[tilespmem:s17], [sflag:$0x2] =	stream.indirect_vreg.gather [hbm4b:s6+s3], $0x80, v3, vm0, $0xb8;
	[tilespmem:$0x1C400] =	vst v63  }
0x49d: {  	_ = 	snop  }
0x49e: {  	[tilespmem:s11], [sflag:$0x2] =	stream.indirect_vreg.gather [hbm4b:s7+s3], $0x80, v3, vm0, $0xb8;
	[tilespmem:$0x1C400] =	vst v63  }
0x49f: {  	v3 =	vld [tilespmem:$0x2F8];
	_ =	sdelay $0x4  }
0x4a0: {  	v45 =	vshll.u32 v3, $0x3  }
0x4a1: {  	v3 =	vand.u32 $0x7, v3;
	v4 =	vand.u32 $0xFFFFFFC0, v45  }
0x4a2: {  	v3 =	vor.u32 v3, v4  }
0x4a3: {  	v4 =	vperm.xlane v3, v0;
	_ =	sdelay $0x1  }
0x4a4: {  	v4 =	vadd.s32 v1, v4;
	_ =	sdelay $0x4  }
0x4a5: {  	[tilespmem:s24], [sflag:$0x2] =	stream.indirect_vreg.gather [hbm4b:s1+s3], $0x80, v4, vm0, $0xb8;
	[tilespmem:$0x1C400] =	vst v63  }
0x4a6: {  	s31 =	simm.s32 $0x16C00;
	v3 =	vperm.xlane v3, v2  }
0x4a7: {  	[tilespmem:s31], [sflag:$0x2] =	stream.indirect_vreg.gather [hbm4b:s5+s3], $0x80, v4, vm0, $0xb8;
	[tilespmem:$0x1C400] =	vst v63  }
0x4a8: {  	s29 =	simm.s32 $0x17400;
	v3 =	vadd.s32 v1, v3  }
0x4a9: {  	[tilespmem:s29], [sflag:$0x2] =	stream.indirect_vreg.gather [hbm4b:s6+s3], $0x80, v4, vm0, $0xb8;
	[tilespmem:$0x1C400] =	vst v63  }
0x4aa: {  	s22 =	simm.s32 $0x17C00  }
0x4ab: {  	[tilespmem:s22], [sflag:$0x2] =	stream.indirect_vreg.gather [hbm4b:s7+s3], $0x80, v4, vm0, $0xb8;
	[tilespmem:$0x1C400] =	vst v63  }
0x4ac: {  	s24 =	simm.s32 $0x18400  }
0x4ad: {  	[tilespmem:s24], [sflag:$0x2] =	stream.indirect_vreg.gather [hbm4b:s1+s3], $0x80, v3, vm0, $0xb8;
	[tilespmem:$0x1C400] =	vst v63  }
0x4ae: {  	s25 =	simm.s32 $0x18C00  }
0x4af: {  	[tilespmem:s25], [sflag:$0x2] =	stream.indirect_vreg.gather [hbm4b:s5+s3], $0x80, v3, vm0, $0xb8;
	[tilespmem:$0x1C400] =	vst v63  }
0x4b0: {  	s26 =	simm.s32 $0x19400  }
0x4b1: {  	[tilespmem:s26], [sflag:$0x2] =	stream.indirect_vreg.gather [hbm4b:s6+s3], $0x80, v3, vm0, $0xb8;
	[tilespmem:$0x1C400] =	vst v63  }
0x4b2: {  	s30 =	simm.s32 $0x19C00  }
0x4b3: {  	[tilespmem:s30], [sflag:$0x2] =	stream.indirect_vreg.gather [hbm4b:s7+s3], $0x80, v3, vm0, $0xb8;
	[tilespmem:$0x1C400] =	vst v63  }
0x4b4: {  	v3 =	vld.msk [tilespmem:$0x308], $0xff;
	_ =	sdelay $0x4  }
0x4b5: {  	v46 =	vshll.u32 v3, $0x3  }
0x4b6: {  	v3 =	vand.u32 $0x7, v3;
	v4 =	vand.u32 $0xFFFFFFC0, v46  }
0x4b7: {  	v3 =	vor.u32 v3, v4  }
0x4b8: {  	v3 =	vperm.xlane v3, v0;
	_ =	sdelay $0x1  }
0x4b9: {  	v3 =	vadd.s32 v1, v3;
	_ =	sdelay $0x3  }
0x4ba: {  	s28 =	simm.s32 $0x1A400  }
0x4bb: {  	[tilespmem:s28], [sflag:$0x2] =	stream.indirect_vreg.gather [hbm4b:s1+s3], $0x80, v3, vm0, $0xb8;
	[tilespmem:$0x1C400] =	vst v63  }
0x4bc: {  	s29 =	simm.s32 $0x1AC00  }
0x4bd: {  	[tilespmem:s29], [sflag:$0x2] =	stream.indirect_vreg.gather [hbm4b:s5+s3], $0x80, v3, vm0, $0xb8;
	[tilespmem:$0x1C400] =	vst v63  }
0x4be: {  	s30 =	simm.s32 $0x1B400  }
0x4bf: {  	[tilespmem:s30], [sflag:$0x2] =	stream.indirect_vreg.gather [hbm4b:s6+s3], $0x80, v3, vm0, $0xb8;
	[tilespmem:$0x1C400] =	vst v63  }
0x4c0: {  	_ = 	snop  }
0x4c1: {  	[tilespmem:s16], [sflag:$0x2] =	stream.indirect_vreg.gather [hbm4b:s7+s3], $0x80, v3, vm0, $0xb8;
	[tilespmem:$0x1C400] =	vst v63  }
0x4c2: {  	_ =	swait.ge [sflag:s9], $0xE000  }
0x4c3: {  	[sflag:s9] =	ssyncset.done $0x0  }
0x4c4: {  	s11 =	simm.s32 $0x400;
	s10 =	rddreg [dreg:$0x10];
	[sflag:s9] =	ssyncadd.s32 $0xFFFF2000  }
0x4c5: {  	[hbm4b:s10+s3] =	stream.linear.scatter [tilespmem:s11], [sflag:$0x3], $0xE000, $0x38;
	[tilespmem:$0x1C400] =	vst v63  }
0x4c6: {  	_ =	swait.ge [sflag:s4], $0xE000  }
0x4c7: {  	[sflag:s4] =	ssyncset.done $0x0  }
0x4c8: {  	[sflag:s4] =	ssyncadd.s32 $0xFFFF2000  }
0x4c9: {  	v3 =	vld [tilespmem:$0x310];
	_ =	sdelay $0x4  }
0x4ca: {  	v47 =	vshll.u32 v3, $0x3  }
0x4cb: {  	v3 =	vand.u32 $0x7, v3;
	v4 =	vand.u32 $0xFFFFFFC0, v47  }
0x4cc: {  	v3 =	vor.u32 v3, v4  }
0x4cd: {  	v4 =	vperm.xlane v3, v0;
	_ =	sdelay $0x1  }
0x4ce: {  	v4 =	vadd.s32 v1, v4;
	_ =	sdelay $0x4  }
0x4cf: {  	[tilespmem:s11], [sflag:$0x1] =	stream.indirect_vreg.gather [hbm4b:s1+s3], $0x80, v4, vm0, $0xb8;
	[tilespmem:$0x1C400] =	vst v63  }
0x4d0: {  	v3 =	vperm.xlane v3, v2  }
0x4d1: {  	[tilespmem:s12], [sflag:$0x1] =	stream.indirect_vreg.gather [hbm4b:s5+s3], $0x80, v4, vm0, $0xb8;
	[tilespmem:$0x1C400] =	vst v63  }
0x4d2: {  	s16 =	simm.s32 $0x1400;
	v3 =	vadd.s32 v1, v3  }
0x4d3: {  	[tilespmem:s16], [sflag:$0x1] =	stream.indirect_vreg.gather [hbm4b:s6+s3], $0x80, v4, vm0, $0xb8;
	[tilespmem:$0x1C400] =	vst v63  }
0x4d4: {  	_ = 	snop  }
0x4d5: {  	[tilespmem:s13], [sflag:$0x1] =	stream.indirect_vreg.gather [hbm4b:s7+s3], $0x80, v4, vm0, $0xb8;
	[tilespmem:$0x1C400] =	vst v63  }
0x4d6: {  	_ = 	snop  }
0x4d7: {  	[tilespmem:s14], [sflag:$0x1] =	stream.indirect_vreg.gather [hbm4b:s1+s3], $0x80, v3, vm0, $0xb8;
	[tilespmem:$0x1C400] =	vst v63  }
0x4d8: {  	_ = 	snop  }
0x4d9: {  	[tilespmem:s15], [sflag:$0x1] =	stream.indirect_vreg.gather [hbm4b:s5+s3], $0x80, v3, vm0, $0xb8;
	[tilespmem:$0x1C400] =	vst v63  }
0x4da: {  	_ = 	snop  }
0x4db: {  	[tilespmem:s21], [sflag:$0x1] =	stream.indirect_vreg.gather [hbm4b:s6+s3], $0x80, v3, vm0, $0xb8;
	[tilespmem:$0x1C400] =	vst v63  }
0x4dc: {  	s10 =	simm.s32 $0x3C00  }
0x4dd: {  	[tilespmem:s10], [sflag:$0x1] =	stream.indirect_vreg.gather [hbm4b:s7+s3], $0x80, v3, vm0, $0xb8;
	[tilespmem:$0x1C400] =	vst v63  }
0x4de: {  	v3 =	vld [tilespmem:$0x320];
	_ =	sdelay $0x4  }
0x4df: {  	v48 =	vshll.u32 v3, $0x3  }
0x4e0: {  	v3 =	vand.u32 $0x7, v3;
	v4 =	vand.u32 $0xFFFFFFC0, v48  }
0x4e1: {  	v3 =	vor.u32 v3, v4  }
0x4e2: {  	v4 =	vperm.xlane v3, v0;
	_ =	sdelay $0x1  }
0x4e3: {  	v4 =	vadd.s32 v1, v4;
	_ =	sdelay $0x3  }
0x4e4: {  	s20 =	simm.s32 $0x4400  }
0x4e5: {  	[tilespmem:s20], [sflag:$0x1] =	stream.indirect_vreg.gather [hbm4b:s1+s3], $0x80, v4, vm0, $0xb8;
	[tilespmem:$0x1C400] =	vst v63  }
0x4e6: {  	s21 =	simm.s32 $0x4C00;
	v3 =	vperm.xlane v3, v2  }
0x4e7: {  	[tilespmem:s21], [sflag:$0x1] =	stream.indirect_vreg.gather [hbm4b:s5+s3], $0x80, v4, vm0, $0xb8;
	[tilespmem:$0x1C400] =	vst v63  }
0x4e8: {  	s12 =	simm.s32 $0x5400;
	v3 =	vadd.s32 v1, v3  }
0x4e9: {  	[tilespmem:s12], [sflag:$0x1] =	stream.indirect_vreg.gather [hbm4b:s6+s3], $0x80, v4, vm0, $0xb8;
	[tilespmem:$0x1C400] =	vst v63  }
0x4ea: {  	s13 =	simm.s32 $0x5C00  }
0x4eb: {  	[tilespmem:s13], [sflag:$0x1] =	stream.indirect_vreg.gather [hbm4b:s7+s3], $0x80, v4, vm0, $0xb8;
	[tilespmem:$0x1C400] =	vst v63  }
0x4ec: {  	s14 =	simm.s32 $0x6400  }
0x4ed: {  	[tilespmem:s14], [sflag:$0x1] =	stream.indirect_vreg.gather [hbm4b:s1+s3], $0x80, v3, vm0, $0xb8;
	[tilespmem:$0x1C400] =	vst v63  }
0x4ee: {  	s15 =	simm.s32 $0x6C00  }
0x4ef: {  	[tilespmem:s15], [sflag:$0x1] =	stream.indirect_vreg.gather [hbm4b:s5+s3], $0x80, v3, vm0, $0xb8;
	[tilespmem:$0x1C400] =	vst v63  }
0x4f0: {  	s20 =	simm.s32 $0x7400  }
0x4f1: {  	[tilespmem:s20], [sflag:$0x1] =	stream.indirect_vreg.gather [hbm4b:s6+s3], $0x80, v3, vm0, $0xb8;
	[tilespmem:$0x1C400] =	vst v63  }
0x4f2: {  	s21 =	simm.s32 $0x7C00  }
0x4f3: {  	[tilespmem:s21], [sflag:$0x1] =	stream.indirect_vreg.gather [hbm4b:s7+s3], $0x80, v3, vm0, $0xb8;
	[tilespmem:$0x1C400] =	vst v63  }
0x4f4: {  	v3 =	vld [tilespmem:$0x330];
	_ =	sdelay $0x4  }
0x4f5: {  	v49 =	vshll.u32 v3, $0x3  }
0x4f6: {  	v3 =	vand.u32 $0x7, v3;
	v4 =	vand.u32 $0xFFFFFFC0, v49  }
0x4f7: {  	v3 =	vor.u32 v3, v4  }
0x4f8: {  	v4 =	vperm.xlane v3, v0;
	_ =	sdelay $0x1  }
0x4f9: {  	v4 =	vadd.s32 v1, v4;
	_ =	sdelay $0x3  }
0x4fa: {  	s12 =	simm.s32 $0x8400  }
0x4fb: {  	[tilespmem:s12], [sflag:$0x1] =	stream.indirect_vreg.gather [hbm4b:s1+s3], $0x80, v4, vm0, $0xb8;
	[tilespmem:$0x1C400] =	vst v63  }
0x4fc: {  	s13 =	simm.s32 $0x8C00;
	v3 =	vperm.xlane v3, v2  }
0x4fd: {  	[tilespmem:s13], [sflag:$0x1] =	stream.indirect_vreg.gather [hbm4b:s5+s3], $0x80, v4, vm0, $0xb8;
	[tilespmem:$0x1C400] =	vst v63  }
0x4fe: {  	s14 =	simm.s32 $0x9400;
	v3 =	vadd.s32 v1, v3  }
0x4ff: {  	[tilespmem:s14], [sflag:$0x1] =	stream.indirect_vreg.gather [hbm4b:s6+s3], $0x80, v4, vm0, $0xb8;
	[tilespmem:$0x1C400] =	vst v63  }
0x500: {  	s15 =	simm.s32 $0x9C00  }
0x501: {  	[tilespmem:s15], [sflag:$0x1] =	stream.indirect_vreg.gather [hbm4b:s7+s3], $0x80, v4, vm0, $0xb8;
	[tilespmem:$0x1C400] =	vst v63  }
0x502: {  	s20 =	simm.s32 $0xA400  }
0x503: {  	[tilespmem:s20], [sflag:$0x1] =	stream.indirect_vreg.gather [hbm4b:s1+s3], $0x80, v3, vm0, $0xb8;
	[tilespmem:$0x1C400] =	vst v63  }
0x504: {  	s21 =	simm.s32 $0xAC00  }
0x505: {  	[tilespmem:s21], [sflag:$0x1] =	stream.indirect_vreg.gather [hbm4b:s5+s3], $0x80, v3, vm0, $0xb8;
	[tilespmem:$0x1C400] =	vst v63  }
0x506: {  	s12 =	simm.s32 $0xB400  }
0x507: {  	[tilespmem:s12], [sflag:$0x1] =	stream.indirect_vreg.gather [hbm4b:s6+s3], $0x80, v3, vm0, $0xb8;
	[tilespmem:$0x1C400] =	vst v63  }
0x508: {  	s13 =	simm.s32 $0xBC00  }
0x509: {  	[tilespmem:s13], [sflag:$0x1] =	stream.indirect_vreg.gather [hbm4b:s7+s3], $0x80, v3, vm0, $0xb8;
	[tilespmem:$0x1C400] =	vst v63  }
0x50a: {  	v3 =	vld.msk [tilespmem:$0x340], $0xff;
	_ =	sdelay $0x4  }
0x50b: {  	v50 =	vshll.u32 v3, $0x3  }
0x50c: {  	v3 =	vand.u32 $0x7, v3;
	v4 =	vand.u32 $0xFFFFFFC0, v50  }
0x50d: {  	v3 =	vor.u32 v3, v4  }
0x50e: {  	v3 =	vperm.xlane v3, v0;
	_ =	sdelay $0x1  }
0x50f: {  	v3 =	vadd.s32 v1, v3;
	_ =	sdelay $0x3  }
0x510: {  	s14 =	simm.s32 $0xC400  }
0x511: {  	[tilespmem:s14], [sflag:$0x1] =	stream.indirect_vreg.gather [hbm4b:s1+s3], $0x80, v3, vm0, $0xb8;
	[tilespmem:$0x1C400] =	vst v63  }
0x512: {  	s15 =	simm.s32 $0xCC00  }
0x513: {  	[tilespmem:s15], [sflag:$0x1] =	stream.indirect_vreg.gather [hbm4b:s5+s3], $0x80, v3, vm0, $0xb8;
	[tilespmem:$0x1C400] =	vst v63  }
0x514: {  	s20 =	simm.s32 $0xD400  }
0x515: {  	[tilespmem:s20], [sflag:$0x1] =	stream.indirect_vreg.gather [hbm4b:s6+s3], $0x80, v3, vm0, $0xb8;
	[tilespmem:$0x1C400] =	vst v63  }
0x516: {  	s21 =	simm.s32 $0xDC00  }
0x517: {  	[tilespmem:s21], [sflag:$0x1] =	stream.indirect_vreg.gather [hbm4b:s7+s3], $0x80, v3, vm0, $0xb8;
	[tilespmem:$0x1C400] =	vst v63  }
0x518: {  	_ =	swait.ge [sflag:s18], $0xE000  }
0x519: {  	[sflag:s18] =	ssyncset.done $0x0  }
0x51a: {  	s8 =	simm.s32 $0xE400;
	s11 =	rddreg [dreg:$0x11];
	[sflag:s18] =	ssyncadd.s32 $0xFFFF2000  }
0x51b: {  	[hbm4b:s11+s3] =	stream.linear.scatter [tilespmem:s8], [sflag:$0x4], $0xE000, $0x38;
	[tilespmem:$0x1C400] =	vst v63  }
0x51c: {  	_ =	swait.ge [sflag:s19], $0xE000  }
0x51d: {  	[sflag:s19] =	ssyncset.done $0x0  }
0x51e: {  	[sflag:s19] =	ssyncadd.s32 $0xFFFF2000  }
0x51f: {  	v3 =	vld [tilespmem:$0x348];
	_ =	sdelay $0x4  }
0x520: {  	v51 =	vshll.u32 v3, $0x3  }
0x521: {  	v3 =	vand.u32 $0x7, v3;
	v4 =	vand.u32 $0xFFFFFFC0, v51  }
0x522: {  	v3 =	vor.u32 v3, v4  }
0x523: {  	v4 =	vperm.xlane v3, v0;
	_ =	sdelay $0x1  }
0x524: {  	v4 =	vadd.s32 v1, v4;
	_ =	sdelay $0x4  }
0x525: {  	[tilespmem:s8], [sflag:$0x2] =	stream.indirect_vreg.gather [hbm4b:s1+s3], $0x80, v4, vm0, $0xb8;
	[tilespmem:$0x1C400] =	vst v63  }
0x526: {  	v3 =	vperm.xlane v3, v2  }
0x527: {  	[tilespmem:s23], [sflag:$0x2] =	stream.indirect_vreg.gather [hbm4b:s5+s3], $0x80, v4, vm0, $0xb8;
	[tilespmem:$0x1C400] =	vst v63  }
0x528: {  	s12 =	simm.s32 $0xF400;
	v3 =	vadd.s32 v1, v3  }
0x529: {  	[tilespmem:s12], [sflag:$0x2] =	stream.indirect_vreg.gather [hbm4b:s6+s3], $0x80, v4, vm0, $0xb8;
	[tilespmem:$0x1C400] =	vst v63  }
0x52a: {  	s13 =	simm.s32 $0xFC00  }
0x52b: {  	[tilespmem:s13], [sflag:$0x2] =	stream.indirect_vreg.gather [hbm4b:s7+s3], $0x80, v4, vm0, $0xb8;
	[tilespmem:$0x1C400] =	vst v63  }
0x52c: {  	s14 =	simm.s32 $0x10400  }
0x52d: {  	[tilespmem:s14], [sflag:$0x2] =	stream.indirect_vreg.gather [hbm4b:s1+s3], $0x80, v3, vm0, $0xb8;
	[tilespmem:$0x1C400] =	vst v63  }
0x52e: {  	s15 =	simm.s32 $0x10C00  }
0x52f: {  	[tilespmem:s15], [sflag:$0x2] =	stream.indirect_vreg.gather [hbm4b:s5+s3], $0x80, v3, vm0, $0xb8;
	[tilespmem:$0x1C400] =	vst v63  }
0x530: {  	s20 =	simm.s32 $0x11400  }
0x531: {  	[tilespmem:s20], [sflag:$0x2] =	stream.indirect_vreg.gather [hbm4b:s6+s3], $0x80, v3, vm0, $0xb8;
	[tilespmem:$0x1C400] =	vst v63  }
0x532: {  	s23 =	simm.s32 $0x11C00  }
0x533: {  	[tilespmem:s23], [sflag:$0x2] =	stream.indirect_vreg.gather [hbm4b:s7+s3], $0x80, v3, vm0, $0xb8;
	[tilespmem:$0x1C400] =	vst v63  }
0x534: {  	v3 =	vld [tilespmem:$0x358];
	_ =	sdelay $0x4  }
0x535: {  	v52 =	vshll.u32 v3, $0x3  }
0x536: {  	v3 =	vand.u32 $0x7, v3;
	v4 =	vand.u32 $0xFFFFFFC0, v52  }
0x537: {  	v3 =	vor.u32 v3, v4  }
0x538: {  	v4 =	vperm.xlane v3, v0;
	_ =	sdelay $0x1  }
0x539: {  	v4 =	vadd.s32 v1, v4;
	_ =	sdelay $0x3  }
0x53a: {  	s11 =	simm.s32 $0x12400  }
0x53b: {  	[tilespmem:s11], [sflag:$0x2] =	stream.indirect_vreg.gather [hbm4b:s1+s3], $0x80, v4, vm0, $0xb8;
	[tilespmem:$0x1C400] =	vst v63  }
0x53c: {  	s12 =	simm.s32 $0x12C00;
	v3 =	vperm.xlane v3, v2  }
0x53d: {  	[tilespmem:s12], [sflag:$0x2] =	stream.indirect_vreg.gather [hbm4b:s5+s3], $0x80, v4, vm0, $0xb8;
	[tilespmem:$0x1C400] =	vst v63  }
0x53e: {  	s13 =	simm.s32 $0x13400;
	v3 =	vadd.s32 v1, v3  }
0x53f: {  	[tilespmem:s13], [sflag:$0x2] =	stream.indirect_vreg.gather [hbm4b:s6+s3], $0x80, v4, vm0, $0xb8;
	[tilespmem:$0x1C400] =	vst v63  }
0x540: {  	s14 =	simm.s32 $0x13C00  }
0x541: {  	[tilespmem:s14], [sflag:$0x2] =	stream.indirect_vreg.gather [hbm4b:s7+s3], $0x80, v4, vm0, $0xb8;
	[tilespmem:$0x1C400] =	vst v63  }
0x542: {  	_ = 	snop  }
0x543: {  	[tilespmem:s0], [sflag:$0x2] =	stream.indirect_vreg.gather [hbm4b:s1+s3], $0x80, v3, vm0, $0xb8;
	[tilespmem:$0x1C400] =	vst v63  }
0x544: {  	s15 =	simm.s32 $0x14C00  }
0x545: {  	[tilespmem:s15], [sflag:$0x2] =	stream.indirect_vreg.gather [hbm4b:s5+s3], $0x80, v3, vm0, $0xb8;
	[tilespmem:$0x1C400] =	vst v63  }
0x546: {  	_ = 	snop  }
0x547: {  	[tilespmem:s17], [sflag:$0x2] =	stream.indirect_vreg.gather [hbm4b:s6+s3], $0x80, v3, vm0, $0xb8;
	[tilespmem:$0x1C400] =	vst v63  }
0x548: {  	s17 =	simm.s32 $0x15C00  }
0x549: {  	[tilespmem:s17], [sflag:$0x2] =	stream.indirect_vreg.gather [hbm4b:s7+s3], $0x80, v3, vm0, $0xb8;
	[tilespmem:$0x1C400] =	vst v63  }
0x54a: {  	v3 =	vld [tilespmem:$0x368];
	_ =	sdelay $0x4  }
0x54b: {  	v53 =	vshll.u32 v3, $0x3  }
0x54c: {  	v3 =	vand.u32 $0x7, v3;
	v4 =	vand.u32 $0xFFFFFFC0, v53  }
0x54d: {  	v3 =	vor.u32 v3, v4  }
0x54e: {  	v4 =	vperm.xlane v3, v0;
	_ =	sdelay $0x1  }
0x54f: {  	v4 =	vadd.s32 v1, v4;
	_ =	sdelay $0x3  }
0x550: {  	s20 =	simm.s32 $0x16400  }
0x551: {  	[tilespmem:s20], [sflag:$0x2] =	stream.indirect_vreg.gather [hbm4b:s1+s3], $0x80, v4, vm0, $0xb8;
	[tilespmem:$0x1C400] =	vst v63  }
0x552: {  	v3 =	vperm.xlane v3, v2  }
0x553: {  	[tilespmem:s31], [sflag:$0x2] =	stream.indirect_vreg.gather [hbm4b:s5+s3], $0x80, v4, vm0, $0xb8;
	[tilespmem:$0x1C400] =	vst v63  }
0x554: {  	s23 =	simm.s32 $0x17400;
	v3 =	vadd.s32 v1, v3  }
0x555: {  	[tilespmem:s23], [sflag:$0x2] =	stream.indirect_vreg.gather [hbm4b:s6+s3], $0x80, v4, vm0, $0xb8;
	[tilespmem:$0x1C400] =	vst v63  }
0x556: {  	_ = 	snop  }
0x557: {  	[tilespmem:s22], [sflag:$0x2] =	stream.indirect_vreg.gather [hbm4b:s7+s3], $0x80, v4, vm0, $0xb8;
	[tilespmem:$0x1C400] =	vst v63  }
0x558: {  	_ = 	snop  }
0x559: {  	[tilespmem:s24], [sflag:$0x2] =	stream.indirect_vreg.gather [hbm4b:s1+s3], $0x80, v3, vm0, $0xb8;
	[tilespmem:$0x1C400] =	vst v63  }
0x55a: {  	_ = 	snop  }
0x55b: {  	[tilespmem:s25], [sflag:$0x2] =	stream.indirect_vreg.gather [hbm4b:s5+s3], $0x80, v3, vm0, $0xb8;
	[tilespmem:$0x1C400] =	vst v63  }
0x55c: {  	_ = 	snop  }
0x55d: {  	[tilespmem:s26], [sflag:$0x2] =	stream.indirect_vreg.gather [hbm4b:s6+s3], $0x80, v3, vm0, $0xb8;
	[tilespmem:$0x1C400] =	vst v63  }
0x55e: {  	s26 =	simm.s32 $0x19C00  }
0x55f: {  	[tilespmem:s26], [sflag:$0x2] =	stream.indirect_vreg.gather [hbm4b:s7+s3], $0x80, v3, vm0, $0xb8;
	[tilespmem:$0x1C400] =	vst v63  }
0x560: {  	v3 =	vld.msk [tilespmem:$0x378], $0xff;
	_ =	sdelay $0x4  }
0x561: {  	v54 =	vshll.u32 v3, $0x3  }
0x562: {  	v3 =	vand.u32 $0x7, v3;
	v4 =	vand.u32 $0xFFFFFFC0, v54  }
0x563: {  	v3 =	vor.u32 v3, v4  }
0x564: {  	v3 =	vperm.xlane v3, v0;
	_ =	sdelay $0x1  }
0x565: {  	v3 =	vadd.s32 v1, v3;
	_ =	sdelay $0x4  }
0x566: {  	[tilespmem:s28], [sflag:$0x2] =	stream.indirect_vreg.gather [hbm4b:s1+s3], $0x80, v3, vm0, $0xb8;
	[tilespmem:$0x1C400] =	vst v63  }
0x567: {  	_ = 	snop  }
0x568: {  	[tilespmem:s29], [sflag:$0x2] =	stream.indirect_vreg.gather [hbm4b:s5+s3], $0x80, v3, vm0, $0xb8;
	[tilespmem:$0x1C400] =	vst v63  }
0x569: {  	_ = 	snop  }
0x56a: {  	[tilespmem:s30], [sflag:$0x2] =	stream.indirect_vreg.gather [hbm4b:s6+s3], $0x80, v3, vm0, $0xb8;
	[tilespmem:$0x1C400] =	vst v63  }
0x56b: {  	s30 =	simm.s32 $0x1BC00  }
0x56c: {  	[tilespmem:s30], [sflag:$0x2] =	stream.indirect_vreg.gather [hbm4b:s7+s3], $0x80, v3, vm0, $0xb8;
	[tilespmem:$0x1C400] =	vst v63  }
0x56d: {  	_ =	swait.ge [sflag:s9], $0xE000  }
0x56e: {  	[sflag:s9] =	ssyncset.done $0x0  }
0x56f: {  	s2 =	simm.s32 $0x400;
	s8 =	rddreg [dreg:$0x12];
	[sflag:s9] =	ssyncadd.s32 $0xFFFF2000  }
0x570: {  	[hbm4b:s8+s3] =	stream.linear.scatter [tilespmem:s2], [sflag:$0x3], $0xE000, $0x38;
	[tilespmem:$0x1C400] =	vst v63  }
0x571: {  	_ =	swait.ge [sflag:s4], $0xE000  }
0x572: {  	[sflag:s4] =	ssyncset.done $0x0  }
0x573: {  	[sflag:s4] =	ssyncadd.s32 $0xFFFF2000  }
0x574: {  	v3 =	vld [tilespmem:$0x380];
	_ =	sdelay $0x4  }
0x575: {  	v55 =	vshll.u32 v3, $0x3  }
0x576: {  	v3 =	vand.u32 $0x7, v3;
	v4 =	vand.u32 $0xFFFFFFC0, v55  }
0x577: {  	v3 =	vor.u32 v3, v4  }
0x578: {  	v4 =	vperm.xlane v3, v0;
	_ =	sdelay $0x1  }
0x579: {  	v4 =	vadd.s32 v1, v4;
	_ =	sdelay $0x4  }
0x57a: {  	[tilespmem:s2], [sflag:$0x1] =	stream.indirect_vreg.gather [hbm4b:s1+s3], $0x80, v4, vm0, $0xb8;
	[tilespmem:$0x1C400] =	vst v63  }
0x57b: {  	s20 =	simm.s32 $0xC00;
	v3 =	vperm.xlane v3, v2  }
0x57c: {  	[tilespmem:s20], [sflag:$0x1] =	stream.indirect_vreg.gather [hbm4b:s5+s3], $0x80, v4, vm0, $0xb8;
	[tilespmem:$0x1C400] =	vst v63  }
0x57d: {  	s30 =	simm.s32 $0x1400;
	v3 =	vadd.s32 v1, v3  }
0x57e: {  	[tilespmem:s30], [sflag:$0x1] =	stream.indirect_vreg.gather [hbm4b:s6+s3], $0x80, v4, vm0, $0xb8;
	[tilespmem:$0x1C400] =	vst v63  }
0x57f: {  	s20 =	simm.s32 $0x1C00  }
0x580: {  	[tilespmem:s20], [sflag:$0x1] =	stream.indirect_vreg.gather [hbm4b:s7+s3], $0x80, v4, vm0, $0xb8;
	[tilespmem:$0x1C400] =	vst v63  }
0x581: {  	s20 =	simm.s32 $0x2400  }
0x582: {  	[tilespmem:s20], [sflag:$0x1] =	stream.indirect_vreg.gather [hbm4b:s1+s3], $0x80, v3, vm0, $0xb8;
	[tilespmem:$0x1C400] =	vst v63  }
0x583: {  	s20 =	simm.s32 $0x2C00  }
0x584: {  	[tilespmem:s20], [sflag:$0x1] =	stream.indirect_vreg.gather [hbm4b:s5+s3], $0x80, v3, vm0, $0xb8;
	[tilespmem:$0x1C400] =	vst v63  }
0x585: {  	s20 =	simm.s32 $0x3400  }
0x586: {  	[tilespmem:s20], [sflag:$0x1] =	stream.indirect_vreg.gather [hbm4b:s6+s3], $0x80, v3, vm0, $0xb8;
	[tilespmem:$0x1C400] =	vst v63  }
0x587: {  	_ = 	snop  }
0x588: {  	[tilespmem:s10], [sflag:$0x1] =	stream.indirect_vreg.gather [hbm4b:s7+s3], $0x80, v3, vm0, $0xb8;
	[tilespmem:$0x1C400] =	vst v63  }
0x589: {  	v3 =	vld [tilespmem:$0x390];
	_ =	sdelay $0x4  }
0x58a: {  	v56 =	vshll.u32 v3, $0x3  }
0x58b: {  	v3 =	vand.u32 $0x7, v3;
	v4 =	vand.u32 $0xFFFFFFC0, v56  }
0x58c: {  	v3 =	vor.u32 v3, v4  }
0x58d: {  	v4 =	vperm.xlane v3, v0;
	_ =	sdelay $0x1  }
0x58e: {  	v4 =	vadd.s32 v1, v4;
	_ =	sdelay $0x3  }
0x58f: {  	s20 =	simm.s32 $0x4400  }
0x590: {  	[tilespmem:s20], [sflag:$0x1] =	stream.indirect_vreg.gather [hbm4b:s1+s3], $0x80, v4, vm0, $0xb8;
	[tilespmem:$0x1C400] =	vst v63  }
0x591: {  	v3 =	vperm.xlane v3, v2;
	s20 =	simm.s32 $0x4C00  }
0x592: {  	[tilespmem:s20], [sflag:$0x1] =	stream.indirect_vreg.gather [hbm4b:s5+s3], $0x80, v4, vm0, $0xb8;
	[tilespmem:$0x1C400] =	vst v63  }
0x593: {  	s16 =	simm.s32 $0x5400;
	v3 =	vadd.s32 v1, v3  }
0x594: {  	[tilespmem:s16], [sflag:$0x1] =	stream.indirect_vreg.gather [hbm4b:s6+s3], $0x80, v4, vm0, $0xb8;
	[tilespmem:$0x1C400] =	vst v63  }
0x595: {  	s20 =	simm.s32 $0x5C00  }
0x596: {  	[tilespmem:s20], [sflag:$0x1] =	stream.indirect_vreg.gather [hbm4b:s7+s3], $0x80, v4, vm0, $0xb8;
	[tilespmem:$0x1C400] =	vst v63  }
0x597: {  	s16 =	simm.s32 $0x6400  }
0x598: {  	[tilespmem:s16], [sflag:$0x1] =	stream.indirect_vreg.gather [hbm4b:s1+s3], $0x80, v3, vm0, $0xb8;
	[tilespmem:$0x1C400] =	vst v63  }
0x599: {  	s20 =	simm.s32 $0x6C00  }
0x59a: {  	[tilespmem:s20], [sflag:$0x1] =	stream.indirect_vreg.gather [hbm4b:s5+s3], $0x80, v3, vm0, $0xb8;
	[tilespmem:$0x1C400] =	vst v63  }
0x59b: {  	s16 =	simm.s32 $0x7400  }
0x59c: {  	[tilespmem:s16], [sflag:$0x1] =	stream.indirect_vreg.gather [hbm4b:s6+s3], $0x80, v3, vm0, $0xb8;
	[tilespmem:$0x1C400] =	vst v63  }
0x59d: {  	s20 =	simm.s32 $0x7C00  }
0x59e: {  	[tilespmem:s20], [sflag:$0x1] =	stream.indirect_vreg.gather [hbm4b:s7+s3], $0x80, v3, vm0, $0xb8;
	[tilespmem:$0x1C400] =	vst v63  }
0x59f: {  	v3 =	vld [tilespmem:$0x3A0];
	_ =	sdelay $0x4  }
0x5a0: {  	v57 =	vshll.u32 v3, $0x3  }
0x5a1: {  	v3 =	vand.u32 $0x7, v3;
	v4 =	vand.u32 $0xFFFFFFC0, v57  }
0x5a2: {  	v3 =	vor.u32 v3, v4  }
0x5a3: {  	v4 =	vperm.xlane v3, v0;
	_ =	sdelay $0x1  }
0x5a4: {  	v4 =	vadd.s32 v1, v4;
	_ =	sdelay $0x3  }
0x5a5: {  	s16 =	simm.s32 $0x8400  }
0x5a6: {  	[tilespmem:s16], [sflag:$0x1] =	stream.indirect_vreg.gather [hbm4b:s1+s3], $0x80, v4, vm0, $0xb8;
	[tilespmem:$0x1C400] =	vst v63  }
0x5a7: {  	s20 =	simm.s32 $0x8C00;
	v3 =	vperm.xlane v3, v2  }
0x5a8: {  	[tilespmem:s20], [sflag:$0x1] =	stream.indirect_vreg.gather [hbm4b:s5+s3], $0x80, v4, vm0, $0xb8;
	[tilespmem:$0x1C400] =	vst v63  }
0x5a9: {  	v3 =	vadd.s32 v1, v3;
	s16 =	simm.s32 $0x9400  }
0x5aa: {  	[tilespmem:s16], [sflag:$0x1] =	stream.indirect_vreg.gather [hbm4b:s6+s3], $0x80, v4, vm0, $0xb8;
	[tilespmem:$0x1C400] =	vst v63  }
0x5ab: {  	s20 =	simm.s32 $0x9C00  }
0x5ac: {  	[tilespmem:s20], [sflag:$0x1] =	stream.indirect_vreg.gather [hbm4b:s7+s3], $0x80, v4, vm0, $0xb8;
	[tilespmem:$0x1C400] =	vst v63  }
0x5ad: {  	s16 =	simm.s32 $0xA400  }
0x5ae: {  	[tilespmem:s16], [sflag:$0x1] =	stream.indirect_vreg.gather [hbm4b:s1+s3], $0x80, v3, vm0, $0xb8;
	[tilespmem:$0x1C400] =	vst v63  }
0x5af: {  	s20 =	simm.s32 $0xAC00  }
0x5b0: {  	[tilespmem:s20], [sflag:$0x1] =	stream.indirect_vreg.gather [hbm4b:s5+s3], $0x80, v3, vm0, $0xb8;
	[tilespmem:$0x1C400] =	vst v63  }
0x5b1: {  	s16 =	simm.s32 $0xB400  }
0x5b2: {  	[tilespmem:s16], [sflag:$0x1] =	stream.indirect_vreg.gather [hbm4b:s6+s3], $0x80, v3, vm0, $0xb8;
	[tilespmem:$0x1C400] =	vst v63  }
0x5b3: {  	s20 =	simm.s32 $0xBC00  }
0x5b4: {  	[tilespmem:s20], [sflag:$0x1] =	stream.indirect_vreg.gather [hbm4b:s7+s3], $0x80, v3, vm0, $0xb8;
	[tilespmem:$0x1C400] =	vst v63  }
0x5b5: {  	v3 =	vld.msk [tilespmem:$0x3B0], $0xff;
	_ =	sdelay $0x4  }
0x5b6: {  	v58 =	vshll.u32 v3, $0x3  }
0x5b7: {  	v3 =	vand.u32 $0x7, v3;
	v4 =	vand.u32 $0xFFFFFFC0, v58  }
0x5b8: {  	v3 =	vor.u32 v3, v4  }
0x5b9: {  	v3 =	vperm.xlane v3, v0;
	_ =	sdelay $0x1  }
0x5ba: {  	v3 =	vadd.s32 v1, v3;
	_ =	sdelay $0x3  }
0x5bb: {  	s16 =	simm.s32 $0xC400  }
0x5bc: {  	[tilespmem:s16], [sflag:$0x1] =	stream.indirect_vreg.gather [hbm4b:s1+s3], $0x80, v3, vm0, $0xb8;
	[tilespmem:$0x1C400] =	vst v63  }
0x5bd: {  	s20 =	simm.s32 $0xCC00  }
0x5be: {  	[tilespmem:s20], [sflag:$0x1] =	stream.indirect_vreg.gather [hbm4b:s5+s3], $0x80, v3, vm0, $0xb8;
	[tilespmem:$0x1C400] =	vst v63  }
0x5bf: {  	s16 =	simm.s32 $0xD400  }
0x5c0: {  	[tilespmem:s16], [sflag:$0x1] =	stream.indirect_vreg.gather [hbm4b:s6+s3], $0x80, v3, vm0, $0xb8;
	[tilespmem:$0x1C400] =	vst v63  }
0x5c1: {  	s20 =	simm.s32 $0xDC00  }
0x5c2: {  	[tilespmem:s20], [sflag:$0x1] =	stream.indirect_vreg.gather [hbm4b:s7+s3], $0x80, v3, vm0, $0xb8;
	[tilespmem:$0x1C400] =	vst v63  }
0x5c3: {  	_ =	swait.ge [sflag:s18], $0xE000  }
0x5c4: {  	[sflag:s18] =	ssyncset.done $0x0  }
0x5c5: {  	s16 =	simm.s32 $0xE400;
	s10 =	rddreg [dreg:$0x13];
	[sflag:s18] =	ssyncadd.s32 $0xFFFF2000  }
0x5c6: {  	[hbm4b:s10+s3] =	stream.linear.scatter [tilespmem:s16], [sflag:$0x4], $0xE000, $0x38;
	[tilespmem:$0x1C400] =	vst v63  }
0x5c7: {  	_ =	swait.ge [sflag:s19], $0xE000  }
0x5c8: {  	[sflag:s19] =	ssyncset.done $0x0  }
0x5c9: {  	[sflag:s19] =	ssyncadd.s32 $0xFFFF2000  }
0x5ca: {  	v3 =	vld [tilespmem:$0x3B8];
	_ =	sdelay $0x4  }
0x5cb: {  	v59 =	vshll.u32 v3, $0x3  }
0x5cc: {  	v3 =	vand.u32 $0x7, v3;
	v4 =	vand.u32 $0xFFFFFFC0, v59  }
0x5cd: {  	v3 =	vor.u32 v3, v4  }
0x5ce: {  	v4 =	vperm.xlane v3, v0;
	_ =	sdelay $0x1  }
0x5cf: {  	v4 =	vadd.s32 v1, v4;
	_ =	sdelay $0x4  }
0x5d0: {  	[tilespmem:s16], [sflag:$0x2] =	stream.indirect_vreg.gather [hbm4b:s1+s3], $0x80, v4, vm0, $0xb8;
	[tilespmem:$0x1C400] =	vst v63  }
0x5d1: {  	s21 =	simm.s32 $0xEC00;
	v3 =	vperm.xlane v3, v2  }
0x5d2: {  	[tilespmem:s21], [sflag:$0x2] =	stream.indirect_vreg.gather [hbm4b:s5+s3], $0x80, v4, vm0, $0xb8;
	[tilespmem:$0x1C400] =	vst v63  }
0x5d3: {  	s20 =	simm.s32 $0xF400;
	v3 =	vadd.s32 v1, v3  }
0x5d4: {  	[tilespmem:s20], [sflag:$0x2] =	stream.indirect_vreg.gather [hbm4b:s6+s3], $0x80, v4, vm0, $0xb8;
	[tilespmem:$0x1C400] =	vst v63  }
0x5d5: {  	s21 =	simm.s32 $0xFC00  }
0x5d6: {  	[tilespmem:s21], [sflag:$0x2] =	stream.indirect_vreg.gather [hbm4b:s7+s3], $0x80, v4, vm0, $0xb8;
	[tilespmem:$0x1C400] =	vst v63  }
0x5d7: {  	s20 =	simm.s32 $0x10400  }
0x5d8: {  	[tilespmem:s20], [sflag:$0x2] =	stream.indirect_vreg.gather [hbm4b:s1+s3], $0x80, v3, vm0, $0xb8;
	[tilespmem:$0x1C400] =	vst v63  }
0x5d9: {  	s21 =	simm.s32 $0x10C00  }
0x5da: {  	[tilespmem:s21], [sflag:$0x2] =	stream.indirect_vreg.gather [hbm4b:s5+s3], $0x80, v3, vm0, $0xb8;
	[tilespmem:$0x1C400] =	vst v63  }
0x5db: {  	s20 =	simm.s32 $0x11400  }
0x5dc: {  	[tilespmem:s20], [sflag:$0x2] =	stream.indirect_vreg.gather [hbm4b:s6+s3], $0x80, v3, vm0, $0xb8;
	[tilespmem:$0x1C400] =	vst v63  }
0x5dd: {  	s21 =	simm.s32 $0x11C00  }
0x5de: {  	[tilespmem:s21], [sflag:$0x2] =	stream.indirect_vreg.gather [hbm4b:s7+s3], $0x80, v3, vm0, $0xb8;
	[tilespmem:$0x1C400] =	vst v63  }
0x5df: {  	v3 =	vld [tilespmem:$0x3C8];
	_ =	sdelay $0x4  }
0x5e0: {  	v60 =	vshll.u32 v3, $0x3  }
0x5e1: {  	v3 =	vand.u32 $0x7, v3;
	v4 =	vand.u32 $0xFFFFFFC0, v60  }
0x5e2: {  	v3 =	vor.u32 v3, v4  }
0x5e3: {  	v4 =	vperm.xlane v3, v0;
	_ =	sdelay $0x1  }
0x5e4: {  	v4 =	vadd.s32 v1, v4;
	_ =	sdelay $0x3  }
0x5e5: {  	s20 =	simm.s32 $0x12400  }
0x5e6: {  	[tilespmem:s20], [sflag:$0x2] =	stream.indirect_vreg.gather [hbm4b:s1+s3], $0x80, v4, vm0, $0xb8;
	[tilespmem:$0x1C400] =	vst v63  }
0x5e7: {  	s21 =	simm.s32 $0x12C00;
	v3 =	vperm.xlane v3, v2  }
0x5e8: {  	[tilespmem:s21], [sflag:$0x2] =	stream.indirect_vreg.gather [hbm4b:s5+s3], $0x80, v4, vm0, $0xb8;
	[tilespmem:$0x1C400] =	vst v63  }
0x5e9: {  	s13 =	simm.s32 $0x13400;
	v3 =	vadd.s32 v1, v3  }
0x5ea: {  	[tilespmem:s13], [sflag:$0x2] =	stream.indirect_vreg.gather [hbm4b:s6+s3], $0x80, v4, vm0, $0xb8;
	[tilespmem:$0x1C400] =	vst v63  }
0x5eb: {  	s16 =	simm.s32 $0x13C00  }
0x5ec: {  	[tilespmem:s16], [sflag:$0x2] =	stream.indirect_vreg.gather [hbm4b:s7+s3], $0x80, v4, vm0, $0xb8;
	[tilespmem:$0x1C400] =	vst v63  }
0x5ed: {  	s0 =	simm.s32 $0x14400  }
0x5ee: {  	[tilespmem:s0], [sflag:$0x2] =	stream.indirect_vreg.gather [hbm4b:s1+s3], $0x80, v3, vm0, $0xb8;
	[tilespmem:$0x1C400] =	vst v63  }
0x5ef: {  	s14 =	simm.s32 $0x14C00  }
0x5f0: {  	[tilespmem:s14], [sflag:$0x2] =	stream.indirect_vreg.gather [hbm4b:s5+s3], $0x80, v3, vm0, $0xb8;
	[tilespmem:$0x1C400] =	vst v63  }
0x5f1: {  	s15 =	simm.s32 $0x15400  }
0x5f2: {  	[tilespmem:s15], [sflag:$0x2] =	stream.indirect_vreg.gather [hbm4b:s6+s3], $0x80, v3, vm0, $0xb8;
	[tilespmem:$0x1C400] =	vst v63  }
0x5f3: {  	s20 =	simm.s32 $0x15C00  }
0x5f4: {  	[tilespmem:s20], [sflag:$0x2] =	stream.indirect_vreg.gather [hbm4b:s7+s3], $0x80, v3, vm0, $0xb8;
	[tilespmem:$0x1C400] =	vst v63  }
0x5f5: {  	v3 =	vld [tilespmem:$0x3D8];
	_ =	sdelay $0x4  }
0x5f6: {  	v61 =	vshll.u32 v3, $0x3  }
0x5f7: {  	v3 =	vand.u32 $0x7, v3;
	v4 =	vand.u32 $0xFFFFFFC0, v61  }
0x5f8: {  	v3 =	vor.u32 v3, v4  }
0x5f9: {  	v4 =	vperm.xlane v3, v0;
	_ =	sdelay $0x1  }
0x5fa: {  	v4 =	vadd.s32 v1, v4;
	_ =	sdelay $0x3  }
0x5fb: {  	s21 =	simm.s32 $0x16400  }
0x5fc: {  	[tilespmem:s21], [sflag:$0x2] =	stream.indirect_vreg.gather [hbm4b:s1+s3], $0x80, v4, vm0, $0xb8;
	[tilespmem:$0x1C400] =	vst v63  }
0x5fd: {  	s31 =	simm.s32 $0x16C00;
	v3 =	vperm.xlane v3, v2  }
0x5fe: {  	[tilespmem:s31], [sflag:$0x2] =	stream.indirect_vreg.gather [hbm4b:s5+s3], $0x80, v4, vm0, $0xb8;
	[tilespmem:$0x1C400] =	vst v63  }
0x5ff: {  	s12 =	simm.s32 $0x17400;
	v3 =	vadd.s32 v1, v3  }
0x600: {  	[tilespmem:s12], [sflag:$0x2] =	stream.indirect_vreg.gather [hbm4b:s6+s3], $0x80, v4, vm0, $0xb8;
	[tilespmem:$0x1C400] =	vst v63  }
0x601: {  	s17 =	simm.s32 $0x17C00  }
0x602: {  	[tilespmem:s17], [sflag:$0x2] =	stream.indirect_vreg.gather [hbm4b:s7+s3], $0x80, v4, vm0, $0xb8;
	[tilespmem:$0x1C400] =	vst v63  }
0x603: {  	s22 =	simm.s32 $0x18400  }
0x604: {  	[tilespmem:s22], [sflag:$0x2] =	stream.indirect_vreg.gather [hbm4b:s1+s3], $0x80, v3, vm0, $0xb8;
	[tilespmem:$0x1C400] =	vst v63  }
0x605: {  	s23 =	simm.s32 $0x18C00  }
0x606: {  	[tilespmem:s23], [sflag:$0x2] =	stream.indirect_vreg.gather [hbm4b:s5+s3], $0x80, v3, vm0, $0xb8;
	[tilespmem:$0x1C400] =	vst v63  }
0x607: {  	s24 =	simm.s32 $0x19400  }
0x608: {  	[tilespmem:s24], [sflag:$0x2] =	stream.indirect_vreg.gather [hbm4b:s6+s3], $0x80, v3, vm0, $0xb8;
	[tilespmem:$0x1C400] =	vst v63  }
0x609: {  	s11 =	simm.s32 $0x19C00  }
0x60a: {  	[tilespmem:s11], [sflag:$0x2] =	stream.indirect_vreg.gather [hbm4b:s7+s3], $0x80, v3, vm0, $0xb8;
	[tilespmem:$0x1C400] =	vst v63  }
0x60b: {  	v3 =	vld.msk [tilespmem:$0x3E8], $0xff;
	_ =	sdelay $0x4  }
0x60c: {  	v62 =	vshll.u32 v3, $0x3  }
0x60d: {  	v3 =	vand.u32 $0x7, v3;
	v4 =	vand.u32 $0xFFFFFFC0, v62  }
0x60e: {  	v3 =	vor.u32 v3, v4  }
0x60f: {  	v3 =	vperm.xlane v3, v0;
	_ =	sdelay $0x1  }
0x610: {  	v3 =	vadd.s32 v1, v3;
	_ =	sdelay $0x3  }
0x611: {  	s25 =	simm.s32 $0x1A400  }
0x612: {  	[tilespmem:s25], [sflag:$0x2] =	stream.indirect_vreg.gather [hbm4b:s1+s3], $0x80, v3, vm0, $0xb8;
	[tilespmem:$0x1C400] =	vst v63  }
0x613: {  	s26 =	simm.s32 $0x1AC00  }
0x614: {  	[tilespmem:s26], [sflag:$0x2] =	stream.indirect_vreg.gather [hbm4b:s5+s3], $0x80, v3, vm0, $0xb8;
	[tilespmem:$0x1C400] =	vst v63  }
0x615: {  	s28 =	simm.s32 $0x1B400  }
0x616: {  	[tilespmem:s28], [sflag:$0x2] =	stream.indirect_vreg.gather [hbm4b:s6+s3], $0x80, v3, vm0, $0xb8;
	[tilespmem:$0x1C400] =	vst v63  }
0x617: {  	s29 =	simm.s32 $0x1BC00  }
0x618: {  	[tilespmem:s29], [sflag:$0x2] =	stream.indirect_vreg.gather [hbm4b:s7+s3], $0x80, v3, vm0, $0xb8;
	[tilespmem:$0x1C400] =	vst v63  }
0x619: {  	_ =	swait.ge [sflag:s9], $0xE000  }
0x61a: {  	[sflag:s9] =	ssyncset.done $0x0  }
0x61b: {  	s22 =	rddreg [dreg:$0x14];
	[sflag:s9] =	ssyncadd.s32 $0xFFFF2000  }
0x61c: {  	[hbm4b:s22+s3] =	stream.linear.scatter [tilespmem:s2], [sflag:$0x3], $0xE000, $0x38;
	[tilespmem:$0x1C400] =	vst v63  }
0x61d: {  	_ =	swait.ge [sflag:s4], $0xE000  }
0x61e: {  	[sflag:s4] =	ssyncset.done $0x0  }
0x61f: {  	[sflag:s4] =	ssyncadd.s32 $0xFFFF2000  }
0x620: {  	v3 =	vld [tilespmem:$0x3F0];
	_ =	sdelay $0x4  }
0x621: {  	v63 =	vshll.u32 v3, $0x3  }
0x622: {  	v3 =	vand.u32 $0x7, v3;
	v4 =	vand.u32 $0xFFFFFFC0, v63  }
0x623: {  	v3 =	vor.u32 v3, v4  }
0x624: {  	v4 =	vperm.xlane v3, v0;
	_ =	sdelay $0x1  }
0x625: {  	v4 =	vadd.s32 v1, v4;
	_ =	sdelay $0x4  }
0x626: {  	[tilespmem:s2], [sflag:$0x1] =	stream.indirect_vreg.gather [hbm4b:s1+s3], $0x80, v4, vm0, $0xb8;
	[tilespmem:$0x1C400] =	vst v63  }
0x627: {  	s23 =	simm.s32 $0xC00;
	v3 =	vperm.xlane v3, v2  }
0x628: {  	[tilespmem:s23], [sflag:$0x1] =	stream.indirect_vreg.gather [hbm4b:s5+s3], $0x80, v4, vm0, $0xb8;
	[tilespmem:$0x1C400] =	vst v63  }
0x629: {  	s30 =	simm.s32 $0x1400;
	v3 =	vadd.s32 v1, v3  }
0x62a: {  	[tilespmem:s30], [sflag:$0x1] =	stream.indirect_vreg.gather [hbm4b:s6+s3], $0x80, v4, vm0, $0xb8;
	[tilespmem:$0x1C400] =	vst v63  }
0x62b: {  	s24 =	simm.s32 $0x1C00  }
0x62c: {  	[tilespmem:s24], [sflag:$0x1] =	stream.indirect_vreg.gather [hbm4b:s7+s3], $0x80, v4, vm0, $0xb8;
	[tilespmem:$0x1C400] =	vst v63  }
0x62d: {  	s26 =	simm.s32 $0x2400  }
0x62e: {  	[tilespmem:s26], [sflag:$0x1] =	stream.indirect_vreg.gather [hbm4b:s1+s3], $0x80, v3, vm0, $0xb8;
	[tilespmem:$0x1C400] =	vst v63  }
0x62f: {  	s28 =	simm.s32 $0x2C00  }
0x630: {  	[tilespmem:s28], [sflag:$0x1] =	stream.indirect_vreg.gather [hbm4b:s5+s3], $0x80, v3, vm0, $0xb8;
	[tilespmem:$0x1C400] =	vst v63  }
0x631: {  	s29 =	simm.s32 $0x3400  }
0x632: {  	[tilespmem:s29], [sflag:$0x1] =	stream.indirect_vreg.gather [hbm4b:s6+s3], $0x80, v3, vm0, $0xb8;
	[tilespmem:$0x1C400] =	vst v63  }
0x633: {  	s8 =	simm.s32 $0x3C00  }
0x634: {  	[tilespmem:s8], [sflag:$0x1] =	stream.indirect_vreg.gather [hbm4b:s7+s3], $0x80, v3, vm0, $0xb8;
	[tilespmem:$0x1C400] =	vst v63  }
0x635: {  	s25 =	rddreg [dreg:$0x18];
	_ =	swait.ge [sflag:s18], $0xE000  }
0x636: {  	[sflag:s18] =	ssyncset.done $0x0  }
0x637: {  	s10 =	simm.s32 $0xE400;
	s30 =	rddreg [dreg:$0x15];
	[sflag:s18] =	ssyncadd.s32 $0xFFFF2000  }
0x638: {  	[hbm4b:s30+s3] =	stream.linear.scatter [tilespmem:s10], [sflag:$0x4], $0xE000, $0x38;
	[tilespmem:$0x1C400] =	vst v63  }
0x639: {  	_ =	swait.ge [sflag:s9], $0x4000  }
0x63a: {  	[sflag:s9] =	ssyncset.done $0x0  }
0x63b: {  	s31 =	rddreg [dreg:$0x16];
	[sflag:s9] =	ssyncadd.s32 $0xFFFFC000  }
0x63c: {  	[hbm4b:s31+s3] =	stream.linear.scatter [tilespmem:s2], [sflag:$0x3], $0x4000, $0x38;
	[tilespmem:$0x1C400] =	vst v63  }
0x63d: {  	p0 =	sne.s32 s25, $0x1;
	_ =	swait.ge [sflag:s4], $0x4000  }
.Ltmp0:
0x63e: {  	[sflag:s4] =	ssyncset.done $0x0;
	(pc) =	sbr.rel @p0 .LBB2_1-.Ltmp0, $4  }
0x63f: {  	[sflag:s4] =	ssyncadd.s32 $0xFFFFC000  }
0x640: {  	_ =	swait.ge [sflag:s19], $0xE000  }
0x641: {  	[sflag:s19] =	ssyncset.done $0x0  }
0x642: {  	s0 =	sadd.s32 $0xFFFFFFFF, s25;
	[sflag:s19] =	ssyncadd.s32 $0xFFFF2000  }
0x643: {  	_ =	sfence.sel $0x180000  }
0x644: {  	[bflag:$0x0] =	sbarrier.arrive $0xFFFF  }
0x645: {  	_ =	strace $0x90000047  }
0x646: {  	s0 =	stileid.u32;
	[bflag:$0x2] =	sbarrier.arrive $0xFFFF  }
0x647: {  	p0 =	sne.s32 s0, $0x0;
	s0 =	rddreg [dreg:$0x3]  }
0x648: {  	s0 =	sadd.s32 @!p0 $0x100000, s0  }
0x649: {  	[sflag:s0] =	ssyncadd.tile.s32 @!p0 $0x1;
	_ =	shalt  }
.Lfunc_end2:
_tile_overlayer_lowered:
.L_overlay_start_2:
0x64a: {  	(tag) =	ssettag $0x2  }
0x64b: {  	s0 =	rddreg [dreg:$0x0];
	s2 =	stileid.u32  }
0x64c: {  	s1 =	rddreg [dreg:$0x1];
	p0 =	sne.s32 s2, $0x0  }
0x64d: {  	s3 =	rddreg [dreg:$0x2];
	[bflag:$0x3] =	sbarrier.arrive $0xFFFF;
	s2 =	simm.s32 @!p0 $0x1C05  }
0x64e: {  	[timem:s3], [sflag:s2] =	dma.local @!p0 [hbm:s0], s1  }
0x64f: {  	s0 =	simm.s32 @!p0 $0x5  }
0x650: {  	_ =	swait.ge @!p0 [sflag:s0], s1  }
0x651: {  	s1 =	ssub.s32 @!p0 $0x0, s1;
	[sflag:s0] =	ssyncset.done @!p0 $0x0  }
0x652: {  	[sflag:s0] =	ssyncadd.s32 @!p0 s1  }
0x653: {  	[bflag:$0x3] =	sbarrier.arrive $0xFFFF  }
0x654: {  	_ =	shalt  }

</sc_bundles>
